<compile_context>
chip_gen: v7x
topology: tpu7x:2x2x1
jax: 0.10.2.dev20260603
libtpu: 0.0.44.dev20260713+nightly
codegen_flags: <defaults>
</compile_context>

<pallas_src>
import functools

import jax
import jax.numpy as jnp
from jax import lax
from jax.experimental import pallas as pl
from jax.experimental.pallas import tpu as pltpu
from jax.experimental.pallas import tpu_sc as plsc

N = 10000
E = 320000
D = 128
H = 8
HD = D // H
DH = D // 2
MW = DH + 2 * H

NC = 2
NS = 16
C = 128
NCHUNK = E // C
SLOTS = 158

ROWS_PER_SUB = 624
TAIL0 = NS * ROWS_PER_SUB
TAIL = N - TAIL0
ACC_ROWS = N + 8
ZR = 104



def _prep_body(x_ref, w_ref, a1_ref, a2_ref, h_ref, s2_ref, d2_ref):
    h = jnp.dot(x_ref[...], w_ref[...], preferred_element_type=jnp.float32)
    h_ref[...] = h
    s2_ref[...] = jnp.dot(h, a1_ref[...], preferred_element_type=jnp.float32)
    d2_ref[...] = jnp.dot(h, a2_ref[...], preferred_element_type=jnp.float32)


def _tc_prep(x, W, A_src2, A_dst2):
    blk = 2000
    grid = N // blk
    return pl.pallas_call(
        _prep_body,
        grid=(grid,),
        in_specs=[
            pl.BlockSpec((blk, D), lambda i: (i, 0)),
            pl.BlockSpec((D, D), lambda i: (0, 0)),
            pl.BlockSpec((D, 2 * H), lambda i: (0, 0)),
            pl.BlockSpec((D, 2 * H), lambda i: (0, 0)),
        ],
        out_specs=[
            pl.BlockSpec((blk, D), lambda i: (i, 0)),
            pl.BlockSpec((blk, 2 * H), lambda i: (i, 0)),
            pl.BlockSpec((blk, 2 * H), lambda i: (i, 0)),
        ],
        out_shape=[
            jax.ShapeDtypeStruct((N, D), jnp.float32),
            jax.ShapeDtypeStruct((N, 2 * H), jnp.float32),
            jax.ShapeDtypeStruct((N, 2 * H), jnp.float32),
        ],
    )(x, W, A_src2, A_dst2)



_GDN = lax.GatherDimensionNumbers(
    offset_dims=(), collapsed_slice_dims=(0,), start_index_map=(0,))


def _lane_bcast(vec, idx):
    return lax.gather(vec, idx[:, None], _GDN, (1,),
                      mode=lax.GatherScatterMode.PROMISE_IN_BOUNDS)


def _sc_body(h2_hbm, d2_hbm, src_hbm, dst_hbm, acc_out,
             srcA, dstA, dsA, d2A, rowsA, msgA, isemA, gsemA, ssemA,
             srcB, dstB, dsB, d2B, rowsB, msgB, isemB, gsemB, ssemB,
             zb_v, acc_sh):
    core = lax.axis_index("c")
    sub = lax.axis_index("s")
    row0 = sub * ROWS_PER_SUB

    A = (srcA, dstA, dsA, None, d2A, rowsA, msgA, isemA, gsemA, ssemA)
    B = (srcB, dstB, dsB, None, d2B, rowsB, msgB, isemB, gsemB, ssemB)

    zero16 = jnp.zeros((16,), jnp.float32)

    def zrow(r, _):
        for k in range(MW // 16):
            zb_v[r, pl.ds(k * 16, 16)] = zero16
        return 0

    lax.fori_loop(0, ZR, zrow, 0)
    for b in range(ROWS_PER_SUB // ZR):
        pltpu.sync_copy(zb_v, acc_sh.at[pl.ds(row0 + b * ZR, ZR)])

    @pl.when(sub == NS - 1)
    def _zero_tail():
        pltpu.sync_copy(zb_v.at[pl.ds(0, ACC_ROWS - TAIL0)],
                        acc_sh.at[pl.ds(TAIL0, ACC_ROWS - TAIL0)])

    plsc.subcore_barrier()

    head_idx = [jnp.full((16,), 0, jnp.int32) + (core * (H // NC) + hd)
                for hd in range(H // NC)]

    def _valid01(chunk):
        return lax.shift_right_logical(chunk - NCHUNK, 31)

    def idx_issue(s, X):
        chunk = sub + s * NS
        base = chunk * _valid01(chunk) * C
        pltpu.make_async_copy(src_hbm.at[pl.ds(base, C)], X[0], X[7]).start()
        pltpu.make_async_copy(dst_hbm.at[pl.ds(base, C)], X[1], X[7]).start()

    def idx_wait(X):
        pltpu.make_async_copy(src_hbm.at[pl.ds(0, C)], X[0], X[7]).wait()
        pltpu.make_async_copy(dst_hbm.at[pl.ds(0, C)], X[1], X[7]).wait()

    def g_issue(X):
        pltpu.make_async_copy(d2_hbm.at[X[1]], X[4], X[8]).start()
        pltpu.make_async_copy(h2_hbm.at[core].at[X[0]], X[5], X[8]).start()

    def g_wait(X):
        pltpu.make_async_copy(d2_hbm.at[X[1]], X[4], X[8]).wait()
        pltpu.make_async_copy(h2_hbm.at[core].at[X[0]], X[5], X[8]).wait()

    def sc_issue(X):
        pltpu.make_async_copy(X[6], acc_sh.at[X[2]], X[9]).start(add=True)

    def sc_wait(X):
        pltpu.make_async_copy(X[6], acc_sh.at[X[2]], X[9]).wait()

    def dsfill(s, X):
        chunk = sub + s * NS
        vs = jnp.full((16,), 0, jnp.int32) + _valid01(chunk)
        iv = 1 - vs
        for g in range(C // 16):
            d16 = X[1][pl.ds(g * 16, 16)]
            X[2][pl.ds(g * 16, 16)] = d16 * vs + (N + (d16 & 7)) * iv

    def compute(X):
        d2_v, rows_v, msg_v = X[4], X[5], X[6]

        @plsc.parallel_loop(0, C, step=1, unroll=8)
        def edge(c):
            e2 = rows_v[c, pl.ds(DH, 16)] + d2_v[c, :]
            w2 = jnp.exp(jnp.maximum(e2, e2 * 0.2))
            msg_v[c, pl.ds(DH, 16)] = w2
            for hd in range(H // NC):
                ws = _lane_bcast(w2, head_idx[hd])
                msg_v[c, pl.ds(hd * 16, 16)] = rows_v[c, pl.ds(hd * 16, 16)] * ws

    def half(s, cur, nxt):
        g_wait(cur)

        @pl.when(s >= 2)
        def _():
            sc_wait(cur)

        dsfill(s, cur)
        idx_issue(s + 2, cur)
        idx_wait(nxt)
        g_issue(nxt)
        compute(cur)
        sc_issue(cur)

    idx_issue(0, A)
    idx_wait(A)
    g_issue(A)
    idx_issue(1, B)

    def pair(kp, _):
        s = 2 * kp
        half(s, A, B)
        half(s + 1, B, A)
        return 0

    lax.fori_loop(0, SLOTS // 2, pair, 0)

    g_wait(A)
    idx_wait(B)
    sc_wait(A)
    sc_wait(B)
    plsc.subcore_barrier()

    pltpu.sync_copy(acc_sh.at[pl.ds(row0, ROWS_PER_SUB)],
                    acc_out.at[core, pl.ds(row0, ROWS_PER_SUB)])

    @pl.when(sub == NS - 1)
    def _copy_tail():
        pltpu.sync_copy(acc_sh.at[pl.ds(TAIL0, TAIL)],
                        acc_out.at[core, pl.ds(TAIL0, TAIL)])


_sc_edge = functools.partial(
    pl.kernel,
    out_type=jax.ShapeDtypeStruct((NC, N, MW), jnp.float32),
    mesh=plsc.VectorSubcoreMesh(
        core_axis_name="c", subcore_axis_name="s",
        num_cores=NC, num_subcores=NS,
    ),
    compiler_params=pltpu.CompilerParams(use_tc_tiling_on_sc=False),
    scratch_types=[
        pltpu.VMEM((C,), jnp.int32),
        pltpu.VMEM((C,), jnp.int32),
        pltpu.VMEM((C,), jnp.int32),
        pltpu.VMEM((C, 2 * H), jnp.float32),
        pltpu.VMEM((C, MW), jnp.float32),
        pltpu.VMEM((C, MW), jnp.float32),
        pltpu.SemaphoreType.DMA,
        pltpu.SemaphoreType.DMA,
        pltpu.SemaphoreType.DMA,
        pltpu.VMEM((C,), jnp.int32),
        pltpu.VMEM((C,), jnp.int32),
        pltpu.VMEM((C,), jnp.int32),
        pltpu.VMEM((C, 2 * H), jnp.float32),
        pltpu.VMEM((C, MW), jnp.float32),
        pltpu.VMEM((C, MW), jnp.float32),
        pltpu.SemaphoreType.DMA,
        pltpu.SemaphoreType.DMA,
        pltpu.SemaphoreType.DMA,
        pltpu.VMEM((ZR, MW), jnp.float32),
        pltpu.VMEM_SHARED((ACC_ROWS, MW), jnp.float32),
    ],
)(_sc_body)



def _fin_body(x_ref, h_ref, s2_ref, d2_ref, acc_ref, r_ref, b_ref, o_ref):
    e2 = s2_ref[...] + d2_ref[...]
    w2 = jnp.exp(jnp.maximum(e2, e2 * 0.2))
    wex = jnp.dot(w2, r_ref[...], preferred_element_type=jnp.float32)
    den = acc_ref[0, :, DH:] + w2
    denx = jnp.dot(den, r_ref[...], preferred_element_type=jnp.float32)
    accs = jnp.concatenate([acc_ref[0, :, :DH], acc_ref[1, :, :DH]], axis=-1)
    acc = accs + h_ref[...] * wex
    o_ref[...] = acc / denx + b_ref[...] + x_ref[...]


def _tc_finalize(x, h, s2, d2, acc, R, bias2):
    blk = 2000
    grid = N // blk
    return pl.pallas_call(
        _fin_body,
        grid=(grid,),
        in_specs=[
            pl.BlockSpec((blk, D), lambda i: (i, 0)),
            pl.BlockSpec((blk, D), lambda i: (i, 0)),
            pl.BlockSpec((blk, 2 * H), lambda i: (i, 0)),
            pl.BlockSpec((blk, 2 * H), lambda i: (i, 0)),
            pl.BlockSpec((NC, blk, MW), lambda i: (0, i, 0)),
            pl.BlockSpec((2 * H, D), lambda i: (0, 0)),
            pl.BlockSpec((1, D), lambda i: (0, 0)),
        ],
        out_specs=pl.BlockSpec((blk, D), lambda i: (i, 0)),
        out_shape=jax.ShapeDtypeStruct((N, D), jnp.float32),
    )(x, h, s2, d2, acc, R, bias2)



def kernel(x, edge_index, W, att_src, att_dst, bias):
    src = edge_index[0].astype(jnp.int32)
    dst = edge_index[1].astype(jnp.int32)

    i = jnp.arange(D)
    j = jnp.arange(2 * H)
    sel = (i[:, None] // HD) == (j[None, :] % H)
    A_src2 = jnp.where(sel, att_src.reshape(D)[:, None], 0.0)
    A_dst2 = jnp.where(sel, att_dst.reshape(D)[:, None], 0.0)
    R = jnp.where((j[:, None] < H) & ((i[None, :] // HD) == j[:, None]),
                  1.0, 0.0)

    h, s2, d2 = _tc_prep(x, W, A_src2, A_dst2)
    h2 = jnp.stack([jnp.concatenate([h[:, :DH], s2], axis=1),
                    jnp.concatenate([h[:, DH:], s2], axis=1)])
    acc = _sc_edge(h2, d2, src, dst)
    return _tc_finalize(x, h, s2, d2, acc, R, bias[None, :])

# --- scband reference (transcript-rebuilt; emitter-appended) ---
"""Pipeline reference for scband-graph-attention-layer-78142634983583 (READ-ONLY COPY).

The authoritative reference and input builder live on the scoring server;
editing this copy changes nothing except your own understanding.
"""

import jax, jax.numpy as jnp
import numpy as np

N_NODES = 10000
N_EDGES = 320000
IN_DIM = 128
OUT_DIM = 128
HEADS = 8
HEAD_DIM = OUT_DIM // HEADS


def setup_inputs(seed: int = 0) -> dict:
    key = jax.random.key(seed)
    k_x, k_ei, k_w, k_as, k_ad, k_b = jax.random.split(key, 6)
    x = jax.random.normal(k_x, (N_NODES, IN_DIM), dtype=jnp.float32)
    edge_index = jax.random.randint(k_ei, (2, N_EDGES), 0, N_NODES, dtype=jnp.int64)
    # GATConv params: lin weight [IN_DIM, HEADS*HEAD_DIM], att_src/att_dst [HEADS, HEAD_DIM], bias [OUT_DIM]
    W = jax.random.normal(k_w, (IN_DIM, HEADS * HEAD_DIM), dtype=jnp.float32) * (1.0 / np.sqrt(IN_DIM))
    att_src = jax.random.normal(k_as, (HEADS, HEAD_DIM), dtype=jnp.float32) * 0.1
    att_dst = jax.random.normal(k_ad, (HEADS, HEAD_DIM), dtype=jnp.float32) * 0.1
    bias = jnp.zeros((OUT_DIM,), dtype=jnp.float32)
    return {"x": x, "edge_index": edge_index, "W": W, "att_src": att_src, "att_dst": att_dst, "bias": bias}


def _gat_conv(x, edge_index, W, att_src, att_dst, bias):
    N = x.shape[0]
    H, C = att_src.shape
    # add self loops (GATConv default add_self_loops=True)
    loops = jnp.arange(N, dtype=edge_index.dtype)
    src = jnp.concatenate([edge_index[0], loops])
    dst = jnp.concatenate([edge_index[1], loops])
    h = (x @ W).reshape(N, H, C)
    a_src = (h * att_src[None, :, :]).sum(-1)  # [N, H]
    a_dst = (h * att_dst[None, :, :]).sum(-1)  # [N, H]
    e = a_src[src] + a_dst[dst]                # [E, H]
    e = jax.nn.leaky_relu(e, negative_slope=0.2)
    # softmax over incoming edges per dst node, per head
    e_max = jax.ops.segment_max(e, dst, num_segments=N)
    e_exp = jnp.exp(e - e_max[dst])
    denom = jax.ops.segment_sum(e_exp, dst, num_segments=N)
    alpha = e_exp / (denom[dst] + 1e-16)
    msg = h[src] * alpha[:, :, None]           # [E, H, C]
    out = jax.ops.segment_sum(msg, dst, num_segments=N)  # [N, H, C]
    out = out.reshape(N, H * C) + bias
    return out


def reference(x, edge_index, W, att_src, att_dst, bias):
    attn_out = _gat_conv(x, edge_index, W, att_src, att_dst, bias)
    residual = x  # in_dim == out_dim -> nn.Identity
    out = attn_out + residual
    # GraphNorm skipped (batch is None); dropout is a no-op in eval / p handled as 0
    return out

if __name__ == "__main__":
    import jax
    _d = setup_inputs()
    print(jax.jit(kernel)(*tuple(_d.values())))

</pallas_src>

<mosaic_0001>
#map = affine_map<(d0, d1) -> (0, 0, 0)>
#map1 = affine_map<(d0, d1) -> (0, 0)>
#map2 = affine_map<(d0, d1) -> (0)>
module attributes {stable_mosaic.version = 14 : i64} {
  func.func @_sc_body(%arg0: i32, %arg1: i32, %arg2: memref<2x10000x80xf32, #tpu.memory_space<hbm>>, %arg3: memref<10000x16xf32, #tpu.memory_space<hbm>>, %arg4: memref<320000xi32, #tpu.memory_space<hbm>>, %arg5: memref<320000xi32, #tpu.memory_space<hbm>>, %arg6: memref<2x10000x80xf32, #tpu.memory_space<hbm>>, %arg7: memref<128xi32, #tpu.memory_space<vmem>>, %arg8: memref<128xi32, #tpu.memory_space<vmem>>, %arg9: memref<128xi32, #tpu.memory_space<vmem>>, %arg10: memref<128x16xf32, #tpu.memory_space<vmem>>, %arg11: memref<128x80xf32, #tpu.memory_space<vmem>>, %arg12: memref<128x80xf32, #tpu.memory_space<vmem>>, %arg13: memref<!tpu.dma_semaphore, #tpu.memory_space<semaphore_mem>>, %arg14: memref<!tpu.dma_semaphore, #tpu.memory_space<semaphore_mem>>, %arg15: memref<!tpu.dma_semaphore, #tpu.memory_space<semaphore_mem>>, %arg16: memref<128xi32, #tpu.memory_space<vmem>>, %arg17: memref<128xi32, #tpu.memory_space<vmem>>, %arg18: memref<128xi32, #tpu.memory_space<vmem>>, %arg19: memref<128x16xf32, #tpu.memory_space<vmem>>, %arg20: memref<128x80xf32, #tpu.memory_space<vmem>>, %arg21: memref<128x80xf32, #tpu.memory_space<vmem>>, %arg22: memref<!tpu.dma_semaphore, #tpu.memory_space<semaphore_mem>>, %arg23: memref<!tpu.dma_semaphore, #tpu.memory_space<semaphore_mem>>, %arg24: memref<!tpu.dma_semaphore, #tpu.memory_space<semaphore_mem>>, %arg25: memref<104x80xf32, #tpu.memory_space<vmem>>, %arg26: memref<10008x80xf32, #tpu.memory_space<vmem_shared>>) attributes {dimension_semantics = [#tpu.dimension_semantics<core_parallel>, #tpu.dimension_semantics<subcore_parallel>], iteration_bounds = array<i64: 2, 16>, scalar_prefetch = 0 : i64, scratch_operands = 20 : i64, tpu.core_type = #tpu.core_type<sc_vector_subcore>, window_params = [{transform_indices = #map}, {transform_indices = #map1}, {transform_indices = #map2}, {transform_indices = #map2}, {transform_indices = #map}]} {
    %mul3A = arith.constant 624 : i32
    %mul3A_0 = arith.muli %arg1, %mul3A : i32
    %broadcast_in_dim3A = arith.constant 0.000000e+00 : f32
    %broadcast_in_dim3A_1 = vector.broadcast %broadcast_in_dim3A : f32 to vector<16xf32>
    %scan3A = arith.constant 0 : i32
    %scan3A_2 = arith.constant 0 : i32
    %scan3A_3 = arith.constant 104 : i32
    %scan3A_4 = arith.addi %scan3A_2, %scan3A_3 : i32
    %scan3A_5 = arith.constant 1 : i32
    %scan3A_6 = scf.for %scan3A_130 = %scan3A_2 to %scan3A_4 step %scan3A_5 iter_args(%scan3A_131 = %scan3A) -> (i32)  : i32 {
      %swap3A = arith.index_cast %scan3A_130 : i32 to index
      %swap3A_132 = arith.constant 0 : index
      %swap3A_133 = tpu.vector_load %arg25[%swap3A, %swap3A_132] {strides = array<i32>} : memref<104x80xf32, #tpu.memory_space<vmem>>, vector<1x16xf32>,
      %swap3A_134 = vector.shape_cast %swap3A_133 : vector<1x16xf32> to vector<16xf32>
      %swap3A_135 = vector.shape_cast %broadcast_in_dim3A_1 : vector<16xf32> to vector<1x16xf32>
      tpu.vector_store %arg25[%swap3A, %swap3A_132], %swap3A_135 {strides = array<i32>} : memref<104x80xf32, #tpu.memory_space<vmem>>, vector<1x16xf32>,
      %swap3A_136 = arith.index_cast %scan3A_130 : i32 to index
      %swap3A_137 = arith.constant 16 : index
      %swap3A_138 = tpu.vector_load %arg25[%swap3A_136, %swap3A_137] {strides = array<i32>} : memref<104x80xf32, #tpu.memory_space<vmem>>, vector<1x16xf32>,
      %swap3A_139 = vector.shape_cast %swap3A_138 : vector<1x16xf32> to vector<16xf32>
      %swap3A_140 = vector.shape_cast %broadcast_in_dim3A_1 : vector<16xf32> to vector<1x16xf32>
      tpu.vector_store %arg25[%swap3A_136, %swap3A_137], %swap3A_140 {strides = array<i32>} : memref<104x80xf32, #tpu.memory_space<vmem>>, vector<1x16xf32>,
      %swap3A_141 = arith.index_cast %scan3A_130 : i32 to index
      %swap3A_142 = arith.constant 32 : index
      %swap3A_143 = tpu.vector_load %arg25[%swap3A_141, %swap3A_142] {strides = array<i32>} : memref<104x80xf32, #tpu.memory_space<vmem>>, vector<1x16xf32>,
      %swap3A_144 = vector.shape_cast %swap3A_143 : vector<1x16xf32> to vector<16xf32>
      %swap3A_145 = vector.shape_cast %broadcast_in_dim3A_1 : vector<16xf32> to vector<1x16xf32>
      tpu.vector_store %arg25[%swap3A_141, %swap3A_142], %swap3A_145 {strides = array<i32>} : memref<104x80xf32, #tpu.memory_space<vmem>>, vector<1x16xf32>,
      %swap3A_146 = arith.index_cast %scan3A_130 : i32 to index
      %swap3A_147 = arith.constant 48 : index
      %swap3A_148 = tpu.vector_load %arg25[%swap3A_146, %swap3A_147] {strides = array<i32>} : memref<104x80xf32, #tpu.memory_space<vmem>>, vector<1x16xf32>,
      %swap3A_149 = vector.shape_cast %swap3A_148 : vector<1x16xf32> to vector<16xf32>
      %swap3A_150 = vector.shape_cast %broadcast_in_dim3A_1 : vector<16xf32> to vector<1x16xf32>
      tpu.vector_store %arg25[%swap3A_146, %swap3A_147], %swap3A_150 {strides = array<i32>} : memref<104x80xf32, #tpu.memory_space<vmem>>, vector<1x16xf32>,
      %swap3A_151 = arith.index_cast %scan3A_130 : i32 to index
      %swap3A_152 = arith.constant 64 : index
      %swap3A_153 = tpu.vector_load %arg25[%swap3A_151, %swap3A_152] {strides = array<i32>} : memref<104x80xf32, #tpu.memory_space<vmem>>, vector<1x16xf32>,
      %swap3A_154 = vector.shape_cast %swap3A_153 : vector<1x16xf32> to vector<16xf32>
      %swap3A_155 = vector.shape_cast %broadcast_in_dim3A_1 : vector<16xf32> to vector<1x16xf32>
      tpu.vector_store %arg25[%swap3A_151, %swap3A_152], %swap3A_155 {strides = array<i32>} : memref<104x80xf32, #tpu.memory_space<vmem>>, vector<1x16xf32>,
      %scan3A_156 = arith.constant 0 : i32
      scf.yield %scan3A_156 : i32
    }
    %scan3A_7 = arith.constant 104 : i32
    %add3A = arith.constant 0 : i32
    %add3A_8 = arith.addi %mul3A_0, %add3A : i32
    "tpu.region"() ({
      %run_scoped3A = tpu.sem_alloc : memref<!tpu.dma_semaphore, #tpu.memory_space<semaphore_mem>>
      %dma_start3A_130 = arith.constant 0 : i32
      %dma_start3A_131 = tpu.memref_slice %arg26[%add3A_8, %dma_start3A_130] : memref<10008x80xf32, #tpu.memory_space<vmem_shared>> -> memref<104x80xf32, #tpu.memory_space<vmem_shared>>
      %dma_start3A_132 = arith.constant 0 : i32
      %dma_start3A_133 = tpu.memref_slice %arg26[%add3A_8, %dma_start3A_132] : memref<10008x80xf32, #tpu.memory_space<vmem_shared>> -> memref<104x80xf32, #tpu.memory_space<vmem_shared>>
      tpu.enqueue_dma source(%arg25 : memref<104x80xf32, #tpu.memory_space<vmem>>) target(%dma_start3A_133 : memref<104x80xf32, #tpu.memory_space<vmem_shared>>) target_semaphore(%run_scoped3A : memref<!tpu.dma_semaphore, #tpu.memory_space<semaphore_mem>>)
      %dma_wait3A_134 = arith.constant 0 : i32
      %dma_wait3A_135 = tpu.memref_slice %arg26[%add3A_8, %dma_wait3A_134] : memref<10008x80xf32, #tpu.memory_space<vmem_shared>> -> memref<104x80xf32, #tpu.memory_space<vmem_shared>>
      %dma_wait3A_136 = arith.constant 0 : i32
      %dma_wait3A_137 = tpu.memref_slice %arg26[%add3A_8, %dma_wait3A_136] : memref<10008x80xf32, #tpu.memory_space<vmem_shared>> -> memref<104x80xf32, #tpu.memory_space<vmem_shared>>
      tpu.wait_dma2 semaphore(%run_scoped3A : memref<!tpu.dma_semaphore, #tpu.memory_space<semaphore_mem>>) src(%arg25 : memref<104x80xf32, #tpu.memory_space<vmem>>) dst(%dma_wait3A_137 : memref<104x80xf32, #tpu.memory_space<vmem_shared>>)
      tpu.yield
    }) : () -> ()
    %add3A_9 = arith.constant 104 : i32
    %add3A_10 = arith.addi %mul3A_0, %add3A_9 : i32
    "tpu.region"() ({
      %run_scoped3A = tpu.sem_alloc : memref<!tpu.dma_semaphore, #tpu.memory_space<semaphore_mem>>
      %dma_start3A_130 = arith.constant 0 : i32
      %dma_start3A_131 = tpu.memref_slice %arg26[%add3A_10, %dma_start3A_130] : memref<10008x80xf32, #tpu.memory_space<vmem_shared>> -> memref<104x80xf32, #tpu.memory_space<vmem_shared>>
      %dma_start3A_132 = arith.constant 0 : i32
      %dma_start3A_133 = tpu.memref_slice %arg26[%add3A_10, %dma_start3A_132] : memref<10008x80xf32, #tpu.memory_space<vmem_shared>> -> memref<104x80xf32, #tpu.memory_space<vmem_shared>>
      tpu.enqueue_dma source(%arg25 : memref<104x80xf32, #tpu.memory_space<vmem>>) target(%dma_start3A_133 : memref<104x80xf32, #tpu.memory_space<vmem_shared>>) target_semaphore(%run_scoped3A : memref<!tpu.dma_semaphore, #tpu.memory_space<semaphore_mem>>)
      %dma_wait3A_134 = arith.constant 0 : i32
      %dma_wait3A_135 = tpu.memref_slice %arg26[%add3A_10, %dma_wait3A_134] : memref<10008x80xf32, #tpu.memory_space<vmem_shared>> -> memref<104x80xf32, #tpu.memory_space<vmem_shared>>
      %dma_wait3A_136 = arith.constant 0 : i32
      %dma_wait3A_137 = tpu.memref_slice %arg26[%add3A_10, %dma_wait3A_136] : memref<10008x80xf32, #tpu.memory_space<vmem_shared>> -> memref<104x80xf32, #tpu.memory_space<vmem_shared>>
      tpu.wait_dma2 semaphore(%run_scoped3A : memref<!tpu.dma_semaphore, #tpu.memory_space<semaphore_mem>>) src(%arg25 : memref<104x80xf32, #tpu.memory_space<vmem>>) dst(%dma_wait3A_137 : memref<104x80xf32, #tpu.memory_space<vmem_shared>>)
      tpu.yield
    }) : () -> ()
    %add3A_11 = arith.constant 208 : i32
    %add3A_12 = arith.addi %mul3A_0, %add3A_11 : i32
    "tpu.region"() ({
      %run_scoped3A = tpu.sem_alloc : memref<!tpu.dma_semaphore, #tpu.memory_space<semaphore_mem>>
      %dma_start3A_130 = arith.constant 0 : i32
      %dma_start3A_131 = tpu.memref_slice %arg26[%add3A_12, %dma_start3A_130] : memref<10008x80xf32, #tpu.memory_space<vmem_shared>> -> memref<104x80xf32, #tpu.memory_space<vmem_shared>>
      %dma_start3A_132 = arith.constant 0 : i32
      %dma_start3A_133 = tpu.memref_slice %arg26[%add3A_12, %dma_start3A_132] : memref<10008x80xf32, #tpu.memory_space<vmem_shared>> -> memref<104x80xf32, #tpu.memory_space<vmem_shared>>
      tpu.enqueue_dma source(%arg25 : memref<104x80xf32, #tpu.memory_space<vmem>>) target(%dma_start3A_133 : memref<104x80xf32, #tpu.memory_space<vmem_shared>>) target_semaphore(%run_scoped3A : memref<!tpu.dma_semaphore, #tpu.memory_space<semaphore_mem>>)
      %dma_wait3A_134 = arith.constant 0 : i32
      %dma_wait3A_135 = tpu.memref_slice %arg26[%add3A_12, %dma_wait3A_134] : memref<10008x80xf32, #tpu.memory_space<vmem_shared>> -> memref<104x80xf32, #tpu.memory_space<vmem_shared>>
      %dma_wait3A_136 = arith.constant 0 : i32
      %dma_wait3A_137 = tpu.memref_slice %arg26[%add3A_12, %dma_wait3A_136] : memref<10008x80xf32, #tpu.memory_space<vmem_shared>> -> memref<104x80xf32, #tpu.memory_space<vmem_shared>>
      tpu.wait_dma2 semaphore(%run_scoped3A : memref<!tpu.dma_semaphore, #tpu.memory_space<semaphore_mem>>) src(%arg25 : memref<104x80xf32, #tpu.memory_space<vmem>>) dst(%dma_wait3A_137 : memref<104x80xf32, #tpu.memory_space<vmem_shared>>)
      tpu.yield
    }) : () -> ()
    %add3A_13 = arith.constant 312 : i32
    %add3A_14 = arith.addi %mul3A_0, %add3A_13 : i32
    "tpu.region"() ({
      %run_scoped3A = tpu.sem_alloc : memref<!tpu.dma_semaphore, #tpu.memory_space<semaphore_mem>>
      %dma_start3A_130 = arith.constant 0 : i32
      %dma_start3A_131 = tpu.memref_slice %arg26[%add3A_14, %dma_start3A_130] : memref<10008x80xf32, #tpu.memory_space<vmem_shared>> -> memref<104x80xf32, #tpu.memory_space<vmem_shared>>
      %dma_start3A_132 = arith.constant 0 : i32
      %dma_start3A_133 = tpu.memref_slice %arg26[%add3A_14, %dma_start3A_132] : memref<10008x80xf32, #tpu.memory_space<vmem_shared>> -> memref<104x80xf32, #tpu.memory_space<vmem_shared>>
      tpu.enqueue_dma source(%arg25 : memref<104x80xf32, #tpu.memory_space<vmem>>) target(%dma_start3A_133 : memref<104x80xf32, #tpu.memory_space<vmem_shared>>) target_semaphore(%run_scoped3A : memref<!tpu.dma_semaphore, #tpu.memory_space<semaphore_mem>>)
      %dma_wait3A_134 = arith.constant 0 : i32
      %dma_wait3A_135 = tpu.memref_slice %arg26[%add3A_14, %dma_wait3A_134] : memref<10008x80xf32, #tpu.memory_space<vmem_shared>> -> memref<104x80xf32, #tpu.memory_space<vmem_shared>>
      %dma_wait3A_136 = arith.constant 0 : i32
      %dma_wait3A_137 = tpu.memref_slice %arg26[%add3A_14, %dma_wait3A_136] : memref<10008x80xf32, #tpu.memory_space<vmem_shared>> -> memref<104x80xf32, #tpu.memory_space<vmem_shared>>
      tpu.wait_dma2 semaphore(%run_scoped3A : memref<!tpu.dma_semaphore, #tpu.memory_space<semaphore_mem>>) src(%arg25 : memref<104x80xf32, #tpu.memory_space<vmem>>) dst(%dma_wait3A_137 : memref<104x80xf32, #tpu.memory_space<vmem_shared>>)
      tpu.yield
    }) : () -> ()
    %add3A_15 = arith.constant 416 : i32
    %add3A_16 = arith.addi %mul3A_0, %add3A_15 : i32
    "tpu.region"() ({
      %run_scoped3A = tpu.sem_alloc : memref<!tpu.dma_semaphore, #tpu.memory_space<semaphore_mem>>
      %dma_start3A_130 = arith.constant 0 : i32
      %dma_start3A_131 = tpu.memref_slice %arg26[%add3A_16, %dma_start3A_130] : memref<10008x80xf32, #tpu.memory_space<vmem_shared>> -> memref<104x80xf32, #tpu.memory_space<vmem_shared>>
      %dma_start3A_132 = arith.constant 0 : i32
      %dma_start3A_133 = tpu.memref_slice %arg26[%add3A_16, %dma_start3A_132] : memref<10008x80xf32, #tpu.memory_space<vmem_shared>> -> memref<104x80xf32, #tpu.memory_space<vmem_shared>>
      tpu.enqueue_dma source(%arg25 : memref<104x80xf32, #tpu.memory_space<vmem>>) target(%dma_start3A_133 : memref<104x80xf32, #tpu.memory_space<vmem_shared>>) target_semaphore(%run_scoped3A : memref<!tpu.dma_semaphore, #tpu.memory_space<semaphore_mem>>)
      %dma_wait3A_134 = arith.constant 0 : i32
      %dma_wait3A_135 = tpu.memref_slice %arg26[%add3A_16, %dma_wait3A_134] : memref<10008x80xf32, #tpu.memory_space<vmem_shared>> -> memref<104x80xf32, #tpu.memory_space<vmem_shared>>
      %dma_wait3A_136 = arith.constant 0 : i32
      %dma_wait3A_137 = tpu.memref_slice %arg26[%add3A_16, %dma_wait3A_136] : memref<10008x80xf32, #tpu.memory_space<vmem_shared>> -> memref<104x80xf32, #tpu.memory_space<vmem_shared>>
      tpu.wait_dma2 semaphore(%run_scoped3A : memref<!tpu.dma_semaphore, #tpu.memory_space<semaphore_mem>>) src(%arg25 : memref<104x80xf32, #tpu.memory_space<vmem>>) dst(%dma_wait3A_137 : memref<104x80xf32, #tpu.memory_space<vmem_shared>>)
      tpu.yield
    }) : () -> ()
    %add3A_17 = arith.constant 520 : i32
    %add3A_18 = arith.addi %mul3A_0, %add3A_17 : i32
    "tpu.region"() ({
      %run_scoped3A = tpu.sem_alloc : memref<!tpu.dma_semaphore, #tpu.memory_space<semaphore_mem>>
      %dma_start3A_130 = arith.constant 0 : i32
      %dma_start3A_131 = tpu.memref_slice %arg26[%add3A_18, %dma_start3A_130] : memref<10008x80xf32, #tpu.memory_space<vmem_shared>> -> memref<104x80xf32, #tpu.memory_space<vmem_shared>>
      %dma_start3A_132 = arith.constant 0 : i32
      %dma_start3A_133 = tpu.memref_slice %arg26[%add3A_18, %dma_start3A_132] : memref<10008x80xf32, #tpu.memory_space<vmem_shared>> -> memref<104x80xf32, #tpu.memory_space<vmem_shared>>
      tpu.enqueue_dma source(%arg25 : memref<104x80xf32, #tpu.memory_space<vmem>>) target(%dma_start3A_133 : memref<104x80xf32, #tpu.memory_space<vmem_shared>>) target_semaphore(%run_scoped3A : memref<!tpu.dma_semaphore, #tpu.memory_space<semaphore_mem>>)
      %dma_wait3A_134 = arith.constant 0 : i32
      %dma_wait3A_135 = tpu.memref_slice %arg26[%add3A_18, %dma_wait3A_134] : memref<10008x80xf32, #tpu.memory_space<vmem_shared>> -> memref<104x80xf32, #tpu.memory_space<vmem_shared>>
      %dma_wait3A_136 = arith.constant 0 : i32
      %dma_wait3A_137 = tpu.memref_slice %arg26[%add3A_18, %dma_wait3A_136] : memref<10008x80xf32, #tpu.memory_space<vmem_shared>> -> memref<104x80xf32, #tpu.memory_space<vmem_shared>>
      tpu.wait_dma2 semaphore(%run_scoped3A : memref<!tpu.dma_semaphore, #tpu.memory_space<semaphore_mem>>) src(%arg25 : memref<104x80xf32, #tpu.memory_space<vmem>>) dst(%dma_wait3A_137 : memref<104x80xf32, #tpu.memory_space<vmem_shared>>)
      tpu.yield
    }) : () -> ()
    %eq3A = arith.constant 15 : i32
    %eq3A_19 = arith.cmpi eq, %arg1, %eq3A : i32
    %convert_element_type3A = arith.extui %eq3A_19 : i1 to i32
    %cond3A = arith.constant 0 : i32
    %cond3A_20 = arith.cmpi ne, %convert_element_type3A, %cond3A : i32
    scf.if %cond3A_20 {
      "tpu.region"() ({
        %run_scoped3A = tpu.sem_alloc : memref<!tpu.dma_semaphore, #tpu.memory_space<semaphore_mem>>
        %dma_start3A_130 = arith.constant 0 : i32
        %dma_start3A_131 = arith.constant 0 : i32
        %dma_start3A_132 = tpu.memref_slice %arg25[%dma_start3A_130, %dma_start3A_131] : memref<104x80xf32, #tpu.memory_space<vmem>> -> memref<24x80xf32, #tpu.memory_space<vmem>>
        %dma_start3A_133 = arith.constant 9984 : i32
        %dma_start3A_134 = arith.constant 0 : i32
        %dma_start3A_135 = tpu.memref_slice %arg26[%dma_start3A_133, %dma_start3A_134] : memref<10008x80xf32, #tpu.memory_space<vmem_shared>> -> memref<24x80xf32, #tpu.memory_space<vmem_shared>>
        %dma_start3A_136 = arith.constant 9984 : i32
        %dma_start3A_137 = arith.constant 0 : i32
        %dma_start3A_138 = tpu.memref_slice %arg26[%dma_start3A_136, %dma_start3A_137] : memref<10008x80xf32, #tpu.memory_space<vmem_shared>> -> memref<24x80xf32, #tpu.memory_space<vmem_shared>>
        %dma_start3A_139 = arith.constant 0 : i32
        %dma_start3A_140 = arith.constant 0 : i32
        %dma_start3A_141 = tpu.memref_slice %arg25[%dma_start3A_139, %dma_start3A_140] : memref<104x80xf32, #tpu.memory_space<vmem>> -> memref<24x80xf32, #tpu.memory_space<vmem>>
        tpu.enqueue_dma source(%dma_start3A_141 : memref<24x80xf32, #tpu.memory_space<vmem>>) target(%dma_start3A_138 : memref<24x80xf32, #tpu.memory_space<vmem_shared>>) target_semaphore(%run_scoped3A : memref<!tpu.dma_semaphore, #tpu.memory_space<semaphore_mem>>)
        %dma_wait3A_142 = arith.constant 0 : i32
        %dma_wait3A_143 = arith.constant 0 : i32
        %dma_wait3A_144 = tpu.memref_slice %arg25[%dma_wait3A_142, %dma_wait3A_143] : memref<104x80xf32, #tpu.memory_space<vmem>> -> memref<24x80xf32, #tpu.memory_space<vmem>>
        %dma_wait3A_145 = arith.constant 9984 : i32
        %dma_wait3A_146 = arith.constant 0 : i32
        %dma_wait3A_147 = tpu.memref_slice %arg26[%dma_wait3A_145, %dma_wait3A_146] : memref<10008x80xf32, #tpu.memory_space<vmem_shared>> -> memref<24x80xf32, #tpu.memory_space<vmem_shared>>
        %dma_wait3A_148 = arith.constant 9984 : i32
        %dma_wait3A_149 = arith.constant 0 : i32
        %dma_wait3A_150 = tpu.memref_slice %arg26[%dma_wait3A_148, %dma_wait3A_149] : memref<10008x80xf32, #tpu.memory_space<vmem_shared>> -> memref<24x80xf32, #tpu.memory_space<vmem_shared>>
        %dma_wait3A_151 = arith.constant 0 : i32
        %dma_wait3A_152 = arith.constant 0 : i32
        %dma_wait3A_153 = tpu.memref_slice %arg25[%dma_wait3A_151, %dma_wait3A_152] : memref<104x80xf32, #tpu.memory_space<vmem>> -> memref<24x80xf32, #tpu.memory_space<vmem>>
        tpu.wait_dma2 semaphore(%run_scoped3A : memref<!tpu.dma_semaphore, #tpu.memory_space<semaphore_mem>>) src(%dma_wait3A_153 : memref<24x80xf32, #tpu.memory_space<vmem>>) dst(%dma_wait3A_150 : memref<24x80xf32, #tpu.memory_space<vmem_shared>>)
        tpu.yield
      }) : () -> ()
    } else {
    }
    %barrier3A = arith.constant 0 : index
    tpu.barrier barrier_id(%barrier3A)
    %broadcast_in_dim3A_21 = arith.constant 0 : i32
    %broadcast_in_dim3A_22 = vector.broadcast %broadcast_in_dim3A_21 : i32 to vector<16xi32>
    %mul3A_23 = arith.constant 4 : i32
    %mul3A_24 = arith.muli %arg0, %mul3A_23 : i32
    %add3A_25 = arith.constant 0 : i32
    %add3A_26 = arith.addi %mul3A_24, %add3A_25 : i32
    %add3A_27 = vector.broadcast %add3A_26 : i32 to vector<16xi32>
    %add3A_28 = arith.addi %broadcast_in_dim3A_22, %add3A_27 : vector<16xi32>
    %broadcast_in_dim3A_29 = arith.constant 0 : i32
    %broadcast_in_dim3A_30 = vector.broadcast %broadcast_in_dim3A_29 : i32 to vector<16xi32>
    %mul3A_31 = arith.constant 4 : i32
    %mul3A_32 = arith.muli %arg0, %mul3A_31 : i32
    %add3A_33 = arith.constant 1 : i32
    %add3A_34 = arith.addi %mul3A_32, %add3A_33 : i32
    %add3A_35 = vector.broadcast %add3A_34 : i32 to vector<16xi32>
    %add3A_36 = arith.addi %broadcast_in_dim3A_30, %add3A_35 : vector<16xi32>
    %broadcast_in_dim3A_37 = arith.constant 0 : i32
    %broadcast_in_dim3A_38 = vector.broadcast %broadcast_in_dim3A_37 : i32 to vector<16xi32>
    %mul3A_39 = arith.constant 4 : i32
    %mul3A_40 = arith.muli %arg0, %mul3A_39 : i32
    %add3A_41 = arith.constant 2 : i32
    %add3A_42 = arith.addi %mul3A_40, %add3A_41 : i32
    %add3A_43 = vector.broadcast %add3A_42 : i32 to vector<16xi32>
    %add3A_44 = arith.addi %broadcast_in_dim3A_38, %add3A_43 : vector<16xi32>
    %broadcast_in_dim3A_45 = arith.constant 0 : i32
    %broadcast_in_dim3A_46 = vector.broadcast %broadcast_in_dim3A_45 : i32 to vector<16xi32>
    %mul3A_47 = arith.constant 4 : i32
    %mul3A_48 = arith.muli %arg0, %mul3A_47 : i32
    %add3A_49 = arith.constant 3 : i32
    %add3A_50 = arith.addi %mul3A_48, %add3A_49 : i32
    %add3A_51 = vector.broadcast %add3A_50 : i32 to vector<16xi32>
    %add3A_52 = arith.addi %broadcast_in_dim3A_46, %add3A_51 : vector<16xi32>
    %add3A_53 = arith.constant 0 : i32
    %add3A_54 = arith.addi %arg1, %add3A_53 : i32
    %sub3A = arith.constant 2500 : i32
    %sub3A_55 = arith.subi %add3A_54, %sub3A : i32
    %shift_right_logical3A = arith.constant 31 : i32
    %shift_right_logical3A_56 = arith.shrui %sub3A_55, %shift_right_logical3A : i32
    %mul3A_57 = arith.muli %add3A_54, %shift_right_logical3A_56 : i32
    %mul3A_58 = arith.constant 128 : i32
    %mul3A_59 = arith.muli %mul3A_57, %mul3A_58 : i32
    %dma_start3A = tpu.memref_slice %arg4[%mul3A_59] : memref<320000xi32, #tpu.memory_space<hbm>> -> memref<128xi32, #tpu.memory_space<hbm>>
    %dma_start3A_60 = tpu.memref_slice %arg4[%mul3A_59] : memref<320000xi32, #tpu.memory_space<hbm>> -> memref<128xi32, #tpu.memory_space<hbm>>
    tpu.enqueue_dma source(%dma_start3A_60 : memref<128xi32, #tpu.memory_space<hbm>>) target(%arg7 : memref<128xi32, #tpu.memory_space<vmem>>) target_semaphore(%arg13 : memref<!tpu.dma_semaphore, #tpu.memory_space<semaphore_mem>>)
    %dma_start3A_61 = tpu.memref_slice %arg5[%mul3A_59] : memref<320000xi32, #tpu.memory_space<hbm>> -> memref<128xi32, #tpu.memory_space<hbm>>
    %dma_start3A_62 = tpu.memref_slice %arg5[%mul3A_59] : memref<320000xi32, #tpu.memory_space<hbm>> -> memref<128xi32, #tpu.memory_space<hbm>>
    tpu.enqueue_dma source(%dma_start3A_62 : memref<128xi32, #tpu.memory_space<hbm>>) target(%arg8 : memref<128xi32, #tpu.memory_space<vmem>>) target_semaphore(%arg13 : memref<!tpu.dma_semaphore, #tpu.memory_space<semaphore_mem>>)
    %dma_wait3A = arith.constant 0 : i32
    %dma_wait3A_63 = tpu.memref_slice %arg4[%dma_wait3A] : memref<320000xi32, #tpu.memory_space<hbm>> -> memref<128xi32, #tpu.memory_space<hbm>>
    %dma_wait3A_64 = arith.constant 0 : i32
    %dma_wait3A_65 = tpu.memref_slice %arg4[%dma_wait3A_64] : memref<320000xi32, #tpu.memory_space<hbm>> -> memref<128xi32, #tpu.memory_space<hbm>>
    tpu.wait_dma2 semaphore(%arg13 : memref<!tpu.dma_semaphore, #tpu.memory_space<semaphore_mem>>) src(%dma_wait3A_65 : memref<128xi32, #tpu.memory_space<hbm>>) dst(%arg7 : memref<128xi32, #tpu.memory_space<vmem>>)
    %dma_wait3A_66 = arith.constant 0 : i32
    %dma_wait3A_67 = tpu.memref_slice %arg5[%dma_wait3A_66] : memref<320000xi32, #tpu.memory_space<hbm>> -> memref<128xi32, #tpu.memory_space<hbm>>
    %dma_wait3A_68 = arith.constant 0 : i32
    %dma_wait3A_69 = tpu.memref_slice %arg5[%dma_wait3A_68] : memref<320000xi32, #tpu.memory_space<hbm>> -> memref<128xi32, #tpu.memory_space<hbm>>
    tpu.wait_dma2 semaphore(%arg13 : memref<!tpu.dma_semaphore, #tpu.memory_space<semaphore_mem>>) src(%dma_wait3A_69 : memref<128xi32, #tpu.memory_space<hbm>>) dst(%arg8 : memref<128xi32, #tpu.memory_space<vmem>>)
    %dma_start3A_70 = arith.constant 0 : i32
    %dma_start3A_71 = arith.constant 0 : i32
    %dma_start3A_72 = tpu.memref_slice %arg3[%dma_start3A_70, %dma_start3A_71] : memref<10000x16xf32, #tpu.memory_space<hbm>> -> memref<10000x16xf32, #tpu.memory_space<hbm>>
    tpu.enqueue_indirect_dma source(%dma_start3A_72 : memref<10000x16xf32, #tpu.memory_space<hbm>>) target(%arg10 : memref<128x16xf32, #tpu.memory_space<vmem>>) offsets(%arg8 : memref<128xi32, #tpu.memory_space<vmem>>) semaphore(%arg14 : memref<!tpu.dma_semaphore, #tpu.memory_space<semaphore_mem>>)
    %dma_start3A_73 = arith.constant 0 : i32
    %dma_start3A_74 = arith.constant 0 : i32
    %dma_start3A_75 = tpu.memref_slice %arg2[%arg0, %dma_start3A_73, %dma_start3A_74] : memref<2x10000x80xf32, #tpu.memory_space<hbm>> -> memref<1x10000x80xf32, #tpu.memory_space<hbm>>
    %dma_start3A_76 = tpu.memref_squeeze %dma_start3A_75 : memref<1x10000x80xf32, #tpu.memory_space<hbm>> -> memref<10000x80xf32, #tpu.memory_space<hbm>>
    %dma_start3A_77 = arith.constant 0 : i32
    %dma_start3A_78 = arith.constant 0 : i32
    %dma_start3A_79 = tpu.memref_slice %dma_start3A_76[%dma_start3A_77, %dma_start3A_78] : memref<10000x80xf32, #tpu.memory_space<hbm>> -> memref<10000x80xf32, #tpu.memory_space<hbm>>
    tpu.enqueue_indirect_dma source(%dma_start3A_79 : memref<10000x80xf32, #tpu.memory_space<hbm>>) target(%arg11 : memref<128x80xf32, #tpu.memory_space<vmem>>) offsets(%arg7 : memref<128xi32, #tpu.memory_space<vmem>>) semaphore(%arg14 : memref<!tpu.dma_semaphore, #tpu.memory_space<semaphore_mem>>)
    %add3A_80 = arith.constant 16 : i32
    %add3A_81 = arith.addi %arg1, %add3A_80 : i32
    %sub3A_82 = arith.constant 2500 : i32
    %sub3A_83 = arith.subi %add3A_81, %sub3A_82 : i32
    %shift_right_logical3A_84 = arith.constant 31 : i32
    %shift_right_logical3A_85 = arith.shrui %sub3A_83, %shift_right_logical3A_84 : i32
    %mul3A_86 = arith.muli %add3A_81, %shift_right_logical3A_85 : i32
    %mul3A_87 = arith.constant 128 : i32
    %mul3A_88 = arith.muli %mul3A_86, %mul3A_87 : i32
    %dma_start3A_89 = tpu.memref_slice %arg4[%mul3A_88] : memref<320000xi32, #tpu.memory_space<hbm>> -> memref<128xi32, #tpu.memory_space<hbm>>
    %dma_start3A_90 = tpu.memref_slice %arg4[%mul3A_88] : memref<320000xi32, #tpu.memory_space<hbm>> -> memref<128xi32, #tpu.memory_space<hbm>>
    tpu.enqueue_dma source(%dma_start3A_90 : memref<128xi32, #tpu.memory_space<hbm>>) target(%arg16 : memref<128xi32, #tpu.memory_space<vmem>>) target_semaphore(%arg22 : memref<!tpu.dma_semaphore, #tpu.memory_space<semaphore_mem>>)
    %dma_start3A_91 = tpu.memref_slice %arg5[%mul3A_88] : memref<320000xi32, #tpu.memory_space<hbm>> -> memref<128xi32, #tpu.memory_space<hbm>>
    %dma_start3A_92 = tpu.memref_slice %arg5[%mul3A_88] : memref<320000xi32, #tpu.memory_space<hbm>> -> memref<128xi32, #tpu.memory_space<hbm>>
    tpu.enqueue_dma source(%dma_start3A_92 : memref<128xi32, #tpu.memory_space<hbm>>) target(%arg17 : memref<128xi32, #tpu.memory_space<vmem>>) target_semaphore(%arg22 : memref<!tpu.dma_semaphore, #tpu.memory_space<semaphore_mem>>)
    %scan3A_93 = arith.constant 0 : i32
    %scan3A_94 = arith.constant 0 : i32
    %scan3A_95 = arith.constant 79 : i32
    %scan3A_96 = arith.addi %scan3A_94, %scan3A_95 : i32
    %scan3A_97 = arith.constant 1 : i32
    %scan3A_98 = scf.for %scan3A_130 = %scan3A_94 to %scan3A_96 step %scan3A_97 iter_args(%scan3A_131 = %scan3A_93) -> (i32)  : i32 {
      %mul3A_132 = arith.constant 2 : i32
      %mul3A_133 = arith.muli %mul3A_132, %scan3A_130 : i32
      %dma_wait3A_134 = arith.constant 0 : i32
      %dma_wait3A_135 = arith.constant 0 : i32
      %dma_wait3A_136 = tpu.memref_slice %arg3[%dma_wait3A_134, %dma_wait3A_135] : memref<10000x16xf32, #tpu.memory_space<hbm>> -> memref<10000x16xf32, #tpu.memory_space<hbm>>
      tpu.wait_indirect_dma semaphore(%arg14 : memref<!tpu.dma_semaphore, #tpu.memory_space<semaphore_mem>>) src(%dma_wait3A_136 : memref<10000x16xf32, #tpu.memory_space<hbm>>) dst(%arg10 : memref<128x16xf32, #tpu.memory_space<vmem>>)
      %dma_wait3A_137 = arith.constant 0 : i32
      %dma_wait3A_138 = arith.constant 0 : i32
      %dma_wait3A_139 = tpu.memref_slice %arg2[%arg0, %dma_wait3A_137, %dma_wait3A_138] : memref<2x10000x80xf32, #tpu.memory_space<hbm>> -> memref<1x10000x80xf32, #tpu.memory_space<hbm>>
      %dma_wait3A_140 = tpu.memref_squeeze %dma_wait3A_139 : memref<1x10000x80xf32, #tpu.memory_space<hbm>> -> memref<10000x80xf32, #tpu.memory_space<hbm>>
      %dma_wait3A_141 = arith.constant 0 : i32
      %dma_wait3A_142 = arith.constant 0 : i32
      %dma_wait3A_143 = tpu.memref_slice %dma_wait3A_140[%dma_wait3A_141, %dma_wait3A_142] : memref<10000x80xf32, #tpu.memory_space<hbm>> -> memref<10000x80xf32, #tpu.memory_space<hbm>>
      tpu.wait_indirect_dma semaphore(%arg14 : memref<!tpu.dma_semaphore, #tpu.memory_space<semaphore_mem>>) src(%dma_wait3A_143 : memref<10000x80xf32, #tpu.memory_space<hbm>>) dst(%arg11 : memref<128x80xf32, #tpu.memory_space<vmem>>)
      %ge3A = arith.constant 2 : i32
      %ge3A_144 = arith.cmpi sge, %mul3A_133, %ge3A : i32
      %convert_element_type3A_145 = arith.extui %ge3A_144 : i1 to i32
      %cond3A_146 = arith.constant 0 : i32
      %cond3A_147 = arith.cmpi ne, %convert_element_type3A_145, %cond3A_146 : i32
      scf.if %cond3A_147 {
        %dma_wait3A_526 = arith.constant 0 : i32
        %dma_wait3A_527 = arith.constant 0 : i32
        %dma_wait3A_528 = tpu.memref_slice %arg26[%dma_wait3A_526, %dma_wait3A_527] : memref<10008x80xf32, #tpu.memory_space<vmem_shared>> -> memref<10008x80xf32, #tpu.memory_space<vmem_shared>>
        tpu.wait_indirect_dma semaphore(%arg15 : memref<!tpu.dma_semaphore, #tpu.memory_space<semaphore_mem>>) src(%arg12 : memref<128x80xf32, #tpu.memory_space<vmem>>) dst(%dma_wait3A_528 : memref<10008x80xf32, #tpu.memory_space<vmem_shared>>)
      } else {
      }
      %mul3A_148 = arith.constant 16 : i32
      %mul3A_149 = arith.muli %mul3A_133, %mul3A_148 : i32
      %add3A_150 = arith.addi %arg1, %mul3A_149 : i32
      %broadcast_in_dim3A_151 = arith.constant 0 : i32
      %broadcast_in_dim3A_152 = vector.broadcast %broadcast_in_dim3A_151 : i32 to vector<16xi32>
      %sub3A_153 = arith.constant 2500 : i32
      %sub3A_154 = arith.subi %add3A_150, %sub3A_153 : i32
      %shift_right_logical3A_155 = arith.constant 31 : i32
      %shift_right_logical3A_156 = arith.shrui %sub3A_154, %shift_right_logical3A_155 : i32
      %add3A_157 = vector.broadcast %shift_right_logical3A_156 : i32 to vector<16xi32>
      %add3A_158 = arith.addi %broadcast_in_dim3A_152, %add3A_157 : vector<16xi32>
      %sub3A_159 = arith.constant 1 : i32
      %sub3A_160 = vector.broadcast %sub3A_159 : i32 to vector<16xi32>
      %sub3A_161 = arith.subi %sub3A_160, %add3A_158 : vector<16xi32>
      %get3A = arith.constant 0 : index
      %get3A_162 = tpu.vector_load %arg8[%get3A] {strides = array<i32>} : memref<128xi32, #tpu.memory_space<vmem>>, vector<16xi32>,
      %get3A_163 = vector.shape_cast %get3A_162 : vector<16xi32> to vector<16xi32>
      %mul3A_164 = arith.muli %get3A_163, %add3A_158 : vector<16xi32>
      %and3A = arith.constant 7 : i32
      %and3A_165 = vector.broadcast %and3A : i32 to vector<16xi32>
      %and3A_166 = arith.andi %get3A_163, %and3A_165 : vector<16xi32>
      %add3A_167 = arith.constant 10000 : i32
      %add3A_168 = vector.broadcast %add3A_167 : i32 to vector<16xi32>
      %add3A_169 = arith.addi %add3A_168, %and3A_166 : vector<16xi32>
      %mul3A_170 = arith.muli %add3A_169, %sub3A_161 : vector<16xi32>
      %add3A_171 = arith.addi %mul3A_164, %mul3A_170 : vector<16xi32>
      %swap3A = arith.constant 0 : index
      %swap3A_172 = tpu.vector_load %arg9[%swap3A] {strides = array<i32>} : memref<128xi32, #tpu.memory_space<vmem>>, vector<16xi32>,
      %swap3A_173 = vector.shape_cast %swap3A_172 : vector<16xi32> to vector<16xi32>
      %swap3A_174 = vector.shape_cast %add3A_171 : vector<16xi32> to vector<16xi32>
      tpu.vector_store %arg9[%swap3A], %swap3A_174 {strides = array<i32>} : memref<128xi32, #tpu.memory_space<vmem>>, vector<16xi32>,
      %get3A_175 = arith.constant 16 : index
      %get3A_176 = tpu.vector_load %arg8[%get3A_175] {strides = array<i32>} : memref<128xi32, #tpu.memory_space<vmem>>, vector<16xi32>,
      %get3A_177 = vector.shape_cast %get3A_176 : vector<16xi32> to vector<16xi32>
      %mul3A_178 = arith.muli %get3A_177, %add3A_158 : vector<16xi32>
      %and3A_179 = arith.constant 7 : i32
      %and3A_180 = vector.broadcast %and3A_179 : i32 to vector<16xi32>
      %and3A_181 = arith.andi %get3A_177, %and3A_180 : vector<16xi32>
      %add3A_182 = arith.constant 10000 : i32
      %add3A_183 = vector.broadcast %add3A_182 : i32 to vector<16xi32>
      %add3A_184 = arith.addi %add3A_183, %and3A_181 : vector<16xi32>
      %mul3A_185 = arith.muli %add3A_184, %sub3A_161 : vector<16xi32>
      %add3A_186 = arith.addi %mul3A_178, %mul3A_185 : vector<16xi32>
      %swap3A_187 = arith.constant 16 : index
      %swap3A_188 = tpu.vector_load %arg9[%swap3A_187] {strides = array<i32>} : memref<128xi32, #tpu.memory_space<vmem>>, vector<16xi32>,
      %swap3A_189 = vector.shape_cast %swap3A_188 : vector<16xi32> to vector<16xi32>
      %swap3A_190 = vector.shape_cast %add3A_186 : vector<16xi32> to vector<16xi32>
      tpu.vector_store %arg9[%swap3A_187], %swap3A_190 {strides = array<i32>} : memref<128xi32, #tpu.memory_space<vmem>>, vector<16xi32>,
      %get3A_191 = arith.constant 32 : index
      %get3A_192 = tpu.vector_load %arg8[%get3A_191] {strides = array<i32>} : memref<128xi32, #tpu.memory_space<vmem>>, vector<16xi32>,
      %get3A_193 = vector.shape_cast %get3A_192 : vector<16xi32> to vector<16xi32>
      %mul3A_194 = arith.muli %get3A_193, %add3A_158 : vector<16xi32>
      %and3A_195 = arith.constant 7 : i32
      %and3A_196 = vector.broadcast %and3A_195 : i32 to vector<16xi32>
      %and3A_197 = arith.andi %get3A_193, %and3A_196 : vector<16xi32>
      %add3A_198 = arith.constant 10000 : i32
      %add3A_199 = vector.broadcast %add3A_198 : i32 to vector<16xi32>
      %add3A_200 = arith.addi %add3A_199, %and3A_197 : vector<16xi32>
      %mul3A_201 = arith.muli %add3A_200, %sub3A_161 : vector<16xi32>
      %add3A_202 = arith.addi %mul3A_194, %mul3A_201 : vector<16xi32>
      %swap3A_203 = arith.constant 32 : index
      %swap3A_204 = tpu.vector_load %arg9[%swap3A_203] {strides = array<i32>} : memref<128xi32, #tpu.memory_space<vmem>>, vector<16xi32>,
      %swap3A_205 = vector.shape_cast %swap3A_204 : vector<16xi32> to vector<16xi32>
      %swap3A_206 = vector.shape_cast %add3A_202 : vector<16xi32> to vector<16xi32>
      tpu.vector_store %arg9[%swap3A_203], %swap3A_206 {strides = array<i32>} : memref<128xi32, #tpu.memory_space<vmem>>, vector<16xi32>,
      %get3A_207 = arith.constant 48 : index
      %get3A_208 = tpu.vector_load %arg8[%get3A_207] {strides = array<i32>} : memref<128xi32, #tpu.memory_space<vmem>>, vector<16xi32>,
      %get3A_209 = vector.shape_cast %get3A_208 : vector<16xi32> to vector<16xi32>
      %mul3A_210 = arith.muli %get3A_209, %add3A_158 : vector<16xi32>
      %and3A_211 = arith.constant 7 : i32
      %and3A_212 = vector.broadcast %and3A_211 : i32 to vector<16xi32>
      %and3A_213 = arith.andi %get3A_209, %and3A_212 : vector<16xi32>
      %add3A_214 = arith.constant 10000 : i32
      %add3A_215 = vector.broadcast %add3A_214 : i32 to vector<16xi32>
      %add3A_216 = arith.addi %add3A_215, %and3A_213 : vector<16xi32>
      %mul3A_217 = arith.muli %add3A_216, %sub3A_161 : vector<16xi32>
      %add3A_218 = arith.addi %mul3A_210, %mul3A_217 : vector<16xi32>
      %swap3A_219 = arith.constant 48 : index
      %swap3A_220 = tpu.vector_load %arg9[%swap3A_219] {strides = array<i32>} : memref<128xi32, #tpu.memory_space<vmem>>, vector<16xi32>,
      %swap3A_221 = vector.shape_cast %swap3A_220 : vector<16xi32> to vector<16xi32>
      %swap3A_222 = vector.shape_cast %add3A_218 : vector<16xi32> to vector<16xi32>
      tpu.vector_store %arg9[%swap3A_219], %swap3A_222 {strides = array<i32>} : memref<128xi32, #tpu.memory_space<vmem>>, vector<16xi32>,
      %get3A_223 = arith.constant 64 : index
      %get3A_224 = tpu.vector_load %arg8[%get3A_223] {strides = array<i32>} : memref<128xi32, #tpu.memory_space<vmem>>, vector<16xi32>,
      %get3A_225 = vector.shape_cast %get3A_224 : vector<16xi32> to vector<16xi32>
      %mul3A_226 = arith.muli %get3A_225, %add3A_158 : vector<16xi32>
      %and3A_227 = arith.constant 7 : i32
      %and3A_228 = vector.broadcast %and3A_227 : i32 to vector<16xi32>
      %and3A_229 = arith.andi %get3A_225, %and3A_228 : vector<16xi32>
      %add3A_230 = arith.constant 10000 : i32
      %add3A_231 = vector.broadcast %add3A_230 : i32 to vector<16xi32>
      %add3A_232 = arith.addi %add3A_231, %and3A_229 : vector<16xi32>
      %mul3A_233 = arith.muli %add3A_232, %sub3A_161 : vector<16xi32>
      %add3A_234 = arith.addi %mul3A_226, %mul3A_233 : vector<16xi32>
      %swap3A_235 = arith.constant 64 : index
      %swap3A_236 = tpu.vector_load %arg9[%swap3A_235] {strides = array<i32>} : memref<128xi32, #tpu.memory_space<vmem>>, vector<16xi32>,
      %swap3A_237 = vector.shape_cast %swap3A_236 : vector<16xi32> to vector<16xi32>
      %swap3A_238 = vector.shape_cast %add3A_234 : vector<16xi32> to vector<16xi32>
      tpu.vector_store %arg9[%swap3A_235], %swap3A_238 {strides = array<i32>} : memref<128xi32, #tpu.memory_space<vmem>>, vector<16xi32>,
      %get3A_239 = arith.constant 80 : index
      %get3A_240 = tpu.vector_load %arg8[%get3A_239] {strides = array<i32>} : memref<128xi32, #tpu.memory_space<vmem>>, vector<16xi32>,
      %get3A_241 = vector.shape_cast %get3A_240 : vector<16xi32> to vector<16xi32>
      %mul3A_242 = arith.muli %get3A_241, %add3A_158 : vector<16xi32>
      %and3A_243 = arith.constant 7 : i32
      %and3A_244 = vector.broadcast %and3A_243 : i32 to vector<16xi32>
      %and3A_245 = arith.andi %get3A_241, %and3A_244 : vector<16xi32>
      %add3A_246 = arith.constant 10000 : i32
      %add3A_247 = vector.broadcast %add3A_246 : i32 to vector<16xi32>
      %add3A_248 = arith.addi %add3A_247, %and3A_245 : vector<16xi32>
      %mul3A_249 = arith.muli %add3A_248, %sub3A_161 : vector<16xi32>
      %add3A_250 = arith.addi %mul3A_242, %mul3A_249 : vector<16xi32>
      %swap3A_251 = arith.constant 80 : index
      %swap3A_252 = tpu.vector_load %arg9[%swap3A_251] {strides = array<i32>} : memref<128xi32, #tpu.memory_space<vmem>>, vector<16xi32>,
      %swap3A_253 = vector.shape_cast %swap3A_252 : vector<16xi32> to vector<16xi32>
      %swap3A_254 = vector.shape_cast %add3A_250 : vector<16xi32> to vector<16xi32>
      tpu.vector_store %arg9[%swap3A_251], %swap3A_254 {strides = array<i32>} : memref<128xi32, #tpu.memory_space<vmem>>, vector<16xi32>,
      %get3A_255 = arith.constant 96 : index
      %get3A_256 = tpu.vector_load %arg8[%get3A_255] {strides = array<i32>} : memref<128xi32, #tpu.memory_space<vmem>>, vector<16xi32>,
      %get3A_257 = vector.shape_cast %get3A_256 : vector<16xi32> to vector<16xi32>
      %mul3A_258 = arith.muli %get3A_257, %add3A_158 : vector<16xi32>
      %and3A_259 = arith.constant 7 : i32
      %and3A_260 = vector.broadcast %and3A_259 : i32 to vector<16xi32>
      %and3A_261 = arith.andi %get3A_257, %and3A_260 : vector<16xi32>
      %add3A_262 = arith.constant 10000 : i32
      %add3A_263 = vector.broadcast %add3A_262 : i32 to vector<16xi32>
      %add3A_264 = arith.addi %add3A_263, %and3A_261 : vector<16xi32>
      %mul3A_265 = arith.muli %add3A_264, %sub3A_161 : vector<16xi32>
      %add3A_266 = arith.addi %mul3A_258, %mul3A_265 : vector<16xi32>
      %swap3A_267 = arith.constant 96 : index
      %swap3A_268 = tpu.vector_load %arg9[%swap3A_267] {strides = array<i32>} : memref<128xi32, #tpu.memory_space<vmem>>, vector<16xi32>,
      %swap3A_269 = vector.shape_cast %swap3A_268 : vector<16xi32> to vector<16xi32>
      %swap3A_270 = vector.shape_cast %add3A_266 : vector<16xi32> to vector<16xi32>
      tpu.vector_store %arg9[%swap3A_267], %swap3A_270 {strides = array<i32>} : memref<128xi32, #tpu.memory_space<vmem>>, vector<16xi32>,
      %get3A_271 = arith.constant 112 : index
      %get3A_272 = tpu.vector_load %arg8[%get3A_271] {strides = array<i32>} : memref<128xi32, #tpu.memory_space<vmem>>, vector<16xi32>,
      %get3A_273 = vector.shape_cast %get3A_272 : vector<16xi32> to vector<16xi32>
      %mul3A_274 = arith.muli %get3A_273, %add3A_158 : vector<16xi32>
      %and3A_275 = arith.constant 7 : i32
      %and3A_276 = vector.broadcast %and3A_275 : i32 to vector<16xi32>
      %and3A_277 = arith.andi %get3A_273, %and3A_276 : vector<16xi32>
      %add3A_278 = arith.constant 10000 : i32
      %add3A_279 = vector.broadcast %add3A_278 : i32 to vector<16xi32>
      %add3A_280 = arith.addi %add3A_279, %and3A_277 : vector<16xi32>
      %mul3A_281 = arith.muli %add3A_280, %sub3A_161 : vector<16xi32>
      %add3A_282 = arith.addi %mul3A_274, %mul3A_281 : vector<16xi32>
      %swap3A_283 = arith.constant 112 : index
      %swap3A_284 = tpu.vector_load %arg9[%swap3A_283] {strides = array<i32>} : memref<128xi32, #tpu.memory_space<vmem>>, vector<16xi32>,
      %swap3A_285 = vector.shape_cast %swap3A_284 : vector<16xi32> to vector<16xi32>
      %swap3A_286 = vector.shape_cast %add3A_282 : vector<16xi32> to vector<16xi32>
      tpu.vector_store %arg9[%swap3A_283], %swap3A_286 {strides = array<i32>} : memref<128xi32, #tpu.memory_space<vmem>>, vector<16xi32>,
      %add3A_287 = arith.constant 2 : i32
      %add3A_288 = arith.addi %mul3A_133, %add3A_287 : i32
      %mul3A_289 = arith.constant 16 : i32
      %mul3A_290 = arith.muli %add3A_288, %mul3A_289 : i32
      %add3A_291 = arith.addi %arg1, %mul3A_290 : i32
      %sub3A_292 = arith.constant 2500 : i32
      %sub3A_293 = arith.subi %add3A_291, %sub3A_292 : i32
      %shift_right_logical3A_294 = arith.constant 31 : i32
      %shift_right_logical3A_295 = arith.shrui %sub3A_293, %shift_right_logical3A_294 : i32
      %mul3A_296 = arith.muli %add3A_291, %shift_right_logical3A_295 : i32
      %mul3A_297 = arith.constant 128 : i32
      %mul3A_298 = arith.muli %mul3A_296, %mul3A_297 : i32
      %dma_start3A_299 = tpu.memref_slice %arg4[%mul3A_298] : memref<320000xi32, #tpu.memory_space<hbm>> -> memref<128xi32, #tpu.memory_space<hbm>>
      %dma_start3A_300 = tpu.memref_slice %arg4[%mul3A_298] : memref<320000xi32, #tpu.memory_space<hbm>> -> memref<128xi32, #tpu.memory_space<hbm>>
      tpu.enqueue_dma source(%dma_start3A_300 : memref<128xi32, #tpu.memory_space<hbm>>) target(%arg7 : memref<128xi32, #tpu.memory_space<vmem>>) target_semaphore(%arg13 : memref<!tpu.dma_semaphore, #tpu.memory_space<semaphore_mem>>)
      %dma_start3A_301 = tpu.memref_slice %arg5[%mul3A_298] : memref<320000xi32, #tpu.memory_space<hbm>> -> memref<128xi32, #tpu.memory_space<hbm>>
      %dma_start3A_302 = tpu.memref_slice %arg5[%mul3A_298] : memref<320000xi32, #tpu.memory_space<hbm>> -> memref<128xi32, #tpu.memory_space<hbm>>
      tpu.enqueue_dma source(%dma_start3A_302 : memref<128xi32, #tpu.memory_space<hbm>>) target(%arg8 : memref<128xi32, #tpu.memory_space<vmem>>) target_semaphore(%arg13 : memref<!tpu.dma_semaphore, #tpu.memory_space<semaphore_mem>>)
      %dma_wait3A_303 = arith.constant 0 : i32
      %dma_wait3A_304 = tpu.memref_slice %arg4[%dma_wait3A_303] : memref<320000xi32, #tpu.memory_space<hbm>> -> memref<128xi32, #tpu.memory_space<hbm>>
      %dma_wait3A_305 = arith.constant 0 : i32
      %dma_wait3A_306 = tpu.memref_slice %arg4[%dma_wait3A_305] : memref<320000xi32, #tpu.memory_space<hbm>> -> memref<128xi32, #tpu.memory_space<hbm>>
      tpu.wait_dma2 semaphore(%arg22 : memref<!tpu.dma_semaphore, #tpu.memory_space<semaphore_mem>>) src(%dma_wait3A_306 : memref<128xi32, #tpu.memory_space<hbm>>) dst(%arg16 : memref<128xi32, #tpu.memory_space<vmem>>)
      %dma_wait3A_307 = arith.constant 0 : i32
      %dma_wait3A_308 = tpu.memref_slice %arg5[%dma_wait3A_307] : memref<320000xi32, #tpu.memory_space<hbm>> -> memref<128xi32, #tpu.memory_space<hbm>>
      %dma_wait3A_309 = arith.constant 0 : i32
      %dma_wait3A_310 = tpu.memref_slice %arg5[%dma_wait3A_309] : memref<320000xi32, #tpu.memory_space<hbm>> -> memref<128xi32, #tpu.memory_space<hbm>>
      tpu.wait_dma2 semaphore(%arg22 : memref<!tpu.dma_semaphore, #tpu.memory_space<semaphore_mem>>) src(%dma_wait3A_310 : memref<128xi32, #tpu.memory_space<hbm>>) dst(%arg17 : memref<128xi32, #tpu.memory_space<vmem>>)
      %dma_start3A_311 = arith.constant 0 : i32
      %dma_start3A_312 = arith.constant 0 : i32
      %dma_start3A_313 = tpu.memref_slice %arg3[%dma_start3A_311, %dma_start3A_312] : memref<10000x16xf32, #tpu.memory_space<hbm>> -> memref<10000x16xf32, #tpu.memory_space<hbm>>
      tpu.enqueue_indirect_dma source(%dma_start3A_313 : memref<10000x16xf32, #tpu.memory_space<hbm>>) target(%arg19 : memref<128x16xf32, #tpu.memory_space<vmem>>) offsets(%arg17 : memref<128xi32, #tpu.memory_space<vmem>>) semaphore(%arg23 : memref<!tpu.dma_semaphore, #tpu.memory_space<semaphore_mem>>)
      %dma_start3A_314 = arith.constant 0 : i32
      %dma_start3A_315 = arith.constant 0 : i32
      %dma_start3A_316 = tpu.memref_slice %arg2[%arg0, %dma_start3A_314, %dma_start3A_315] : memref<2x10000x80xf32, #tpu.memory_space<hbm>> -> memref<1x10000x80xf32, #tpu.memory_space<hbm>>
      %dma_start3A_317 = tpu.memref_squeeze %dma_start3A_316 : memref<1x10000x80xf32, #tpu.memory_space<hbm>> -> memref<10000x80xf32, #tpu.memory_space<hbm>>
      %dma_start3A_318 = arith.constant 0 : i32
      %dma_start3A_319 = arith.constant 0 : i32
      %dma_start3A_320 = tpu.memref_slice %dma_start3A_317[%dma_start3A_318, %dma_start3A_319] : memref<10000x80xf32, #tpu.memory_space<hbm>> -> memref<10000x80xf32, #tpu.memory_space<hbm>>
      tpu.enqueue_indirect_dma source(%dma_start3A_320 : memref<10000x80xf32, #tpu.memory_space<hbm>>) target(%arg20 : memref<128x80xf32, #tpu.memory_space<vmem>>) offsets(%arg16 : memref<128xi32, #tpu.memory_space<vmem>>) semaphore(%arg23 : memref<!tpu.dma_semaphore, #tpu.memory_space<semaphore_mem>>)
      %parallel_loop3A = arith.constant 0 : i32
      %parallel_loop3A_321 = arith.constant 128 : i32
      %parallel_loop3A_322 = arith.constant 1 : i32
      scf.for %parallel_loop3A_526 = %parallel_loop3A to %parallel_loop3A_321 step %parallel_loop3A_322  : i32 {
        %parallel_loop3A_527 = arith.index_cast %parallel_loop3A_526 : i32 to index
        %parallel_loop3A_528 = arith.constant 64 : index
        %parallel_loop3A_529 = tpu.vector_load %arg11[%parallel_loop3A_527, %parallel_loop3A_528] {strides = array<i32>} : memref<128x80xf32, #tpu.memory_space<vmem>>, vector<1x16xf32>,
        %parallel_loop3A_530 = vector.shape_cast %parallel_loop3A_529 : vector<1x16xf32> to vector<16xf32>
        %parallel_loop3A_531 = arith.index_cast %parallel_loop3A_526 : i32 to index
        %parallel_loop3A_532 = arith.constant 0 : index
        %parallel_loop3A_533 = tpu.vector_load %arg10[%parallel_loop3A_531, %parallel_loop3A_532] {strides = array<i32>} : memref<128x16xf32, #tpu.memory_space<vmem>>, vector<1x16xf32>,
        %parallel_loop3A_534 = vector.shape_cast %parallel_loop3A_533 : vector<1x16xf32> to vector<16xf32>
        %parallel_loop3A_535 = arith.addf %parallel_loop3A_530, %parallel_loop3A_534 : vector<16xf32>
        %parallel_loop3A_536 = arith.constant 2.000000e-01 : f32
        %parallel_loop3A_537 = vector.broadcast %parallel_loop3A_536 : f32 to vector<16xf32>
        %parallel_loop3A_538 = arith.mulf %parallel_loop3A_535, %parallel_loop3A_537 : vector<16xf32>
        %parallel_loop3A_539 = arith.maximumf %parallel_loop3A_535, %parallel_loop3A_538 : vector<16xf32>
        %parallel_loop3A_540 = math.exp %parallel_loop3A_539 : vector<16xf32>
        %parallel_loop3A_541 = arith.index_cast %parallel_loop3A_526 : i32 to index
        %parallel_loop3A_542 = arith.constant 64 : index
        %parallel_loop3A_543 = tpu.vector_load %arg12[%parallel_loop3A_541, %parallel_loop3A_542] {strides = array<i32>} : memref<128x80xf32, #tpu.memory_space<vmem>>, vector<1x16xf32>,
        %parallel_loop3A_544 = vector.shape_cast %parallel_loop3A_543 : vector<1x16xf32> to vector<16xf32>
        %parallel_loop3A_545 = vector.shape_cast %parallel_loop3A_540 : vector<16xf32> to vector<1x16xf32>
        tpu.vector_store %arg12[%parallel_loop3A_541, %parallel_loop3A_542], %parallel_loop3A_545 {strides = array<i32>} : memref<128x80xf32, #tpu.memory_space<vmem>>, vector<1x16xf32>,
        %parallel_loop3A_546 = vector.shape_cast %add3A_28 : vector<16xi32> to vector<16x1xi32>
        %parallel_loop3A_547 = vector.shape_cast %parallel_loop3A_546 : vector<16x1xi32> to vector<16xi32>
        %parallel_loop3A_548 = tpu.dynamic_gather %parallel_loop3A_540[%parallel_loop3A_547] in [0] : vector<16xf32>, vector<16xi32> -> vector<16xf32>
        %parallel_loop3A_549 = arith.index_cast %parallel_loop3A_526 : i32 to index
        %parallel_loop3A_550 = arith.constant 0 : index
        %parallel_loop3A_551 = tpu.vector_load %arg11[%parallel_loop3A_549, %parallel_loop3A_550] {strides = array<i32>} : memref<128x80xf32, #tpu.memory_space<vmem>>, vector<1x16xf32>,
        %parallel_loop3A_552 = vector.shape_cast %parallel_loop3A_551 : vector<1x16xf32> to vector<16xf32>
        %parallel_loop3A_553 = arith.mulf %parallel_loop3A_552, %parallel_loop3A_548 : vector<16xf32>
        %parallel_loop3A_554 = arith.index_cast %parallel_loop3A_526 : i32 to index
        %parallel_loop3A_555 = arith.constant 0 : index
        %parallel_loop3A_556 = tpu.vector_load %arg12[%parallel_loop3A_554, %parallel_loop3A_555] {strides = array<i32>} : memref<128x80xf32, #tpu.memory_space<vmem>>, vector<1x16xf32>,
        %parallel_loop3A_557 = vector.shape_cast %parallel_loop3A_556 : vector<1x16xf32> to vector<16xf32>
        %parallel_loop3A_558 = vector.shape_cast %parallel_loop3A_553 : vector<16xf32> to vector<1x16xf32>
        tpu.vector_store %arg12[%parallel_loop3A_554, %parallel_loop3A_555], %parallel_loop3A_558 {strides = array<i32>} : memref<128x80xf32, #tpu.memory_space<vmem>>, vector<1x16xf32>,
        %parallel_loop3A_559 = vector.shape_cast %add3A_36 : vector<16xi32> to vector<16x1xi32>
        %parallel_loop3A_560 = vector.shape_cast %parallel_loop3A_559 : vector<16x1xi32> to vector<16xi32>
        %parallel_loop3A_561 = tpu.dynamic_gather %parallel_loop3A_540[%parallel_loop3A_560] in [0] : vector<16xf32>, vector<16xi32> -> vector<16xf32>
        %parallel_loop3A_562 = arith.index_cast %parallel_loop3A_526 : i32 to index
        %parallel_loop3A_563 = arith.constant 16 : index
        %parallel_loop3A_564 = tpu.vector_load %arg11[%parallel_loop3A_562, %parallel_loop3A_563] {strides = array<i32>} : memref<128x80xf32, #tpu.memory_space<vmem>>, vector<1x16xf32>,
        %parallel_loop3A_565 = vector.shape_cast %parallel_loop3A_564 : vector<1x16xf32> to vector<16xf32>
        %parallel_loop3A_566 = arith.mulf %parallel_loop3A_565, %parallel_loop3A_561 : vector<16xf32>
        %parallel_loop3A_567 = arith.index_cast %parallel_loop3A_526 : i32 to index
        %parallel_loop3A_568 = arith.constant 16 : index
        %parallel_loop3A_569 = tpu.vector_load %arg12[%parallel_loop3A_567, %parallel_loop3A_568] {strides = array<i32>} : memref<128x80xf32, #tpu.memory_space<vmem>>, vector<1x16xf32>,
        %parallel_loop3A_570 = vector.shape_cast %parallel_loop3A_569 : vector<1x16xf32> to vector<16xf32>
        %parallel_loop3A_571 = vector.shape_cast %parallel_loop3A_566 : vector<16xf32> to vector<1x16xf32>
        tpu.vector_store %arg12[%parallel_loop3A_567, %parallel_loop3A_568], %parallel_loop3A_571 {strides = array<i32>} : memref<128x80xf32, #tpu.memory_space<vmem>>, vector<1x16xf32>,
        %parallel_loop3A_572 = vector.shape_cast %add3A_44 : vector<16xi32> to vector<16x1xi32>
        %parallel_loop3A_573 = vector.shape_cast %parallel_loop3A_572 : vector<16x1xi32> to vector<16xi32>
        %parallel_loop3A_574 = tpu.dynamic_gather %parallel_loop3A_540[%parallel_loop3A_573] in [0] : vector<16xf32>, vector<16xi32> -> vector<16xf32>
        %parallel_loop3A_575 = arith.index_cast %parallel_loop3A_526 : i32 to index
        %parallel_loop3A_576 = arith.constant 32 : index
        %parallel_loop3A_577 = tpu.vector_load %arg11[%parallel_loop3A_575, %parallel_loop3A_576] {strides = array<i32>} : memref<128x80xf32, #tpu.memory_space<vmem>>, vector<1x16xf32>,
        %parallel_loop3A_578 = vector.shape_cast %parallel_loop3A_577 : vector<1x16xf32> to vector<16xf32>
        %parallel_loop3A_579 = arith.mulf %parallel_loop3A_578, %parallel_loop3A_574 : vector<16xf32>
        %parallel_loop3A_580 = arith.index_cast %parallel_loop3A_526 : i32 to index
        %parallel_loop3A_581 = arith.constant 32 : index
        %parallel_loop3A_582 = tpu.vector_load %arg12[%parallel_loop3A_580, %parallel_loop3A_581] {strides = array<i32>} : memref<128x80xf32, #tpu.memory_space<vmem>>, vector<1x16xf32>,
        %parallel_loop3A_583 = vector.shape_cast %parallel_loop3A_582 : vector<1x16xf32> to vector<16xf32>
        %parallel_loop3A_584 = vector.shape_cast %parallel_loop3A_579 : vector<16xf32> to vector<1x16xf32>
        tpu.vector_store %arg12[%parallel_loop3A_580, %parallel_loop3A_581], %parallel_loop3A_584 {strides = array<i32>} : memref<128x80xf32, #tpu.memory_space<vmem>>, vector<1x16xf32>,
        %parallel_loop3A_585 = vector.shape_cast %add3A_52 : vector<16xi32> to vector<16x1xi32>
        %parallel_loop3A_586 = vector.shape_cast %parallel_loop3A_585 : vector<16x1xi32> to vector<16xi32>
        %parallel_loop3A_587 = tpu.dynamic_gather %parallel_loop3A_540[%parallel_loop3A_586] in [0] : vector<16xf32>, vector<16xi32> -> vector<16xf32>
        %parallel_loop3A_588 = arith.index_cast %parallel_loop3A_526 : i32 to index
        %parallel_loop3A_589 = arith.constant 48 : index
        %parallel_loop3A_590 = tpu.vector_load %arg11[%parallel_loop3A_588, %parallel_loop3A_589] {strides = array<i32>} : memref<128x80xf32, #tpu.memory_space<vmem>>, vector<1x16xf32>,
        %parallel_loop3A_591 = vector.shape_cast %parallel_loop3A_590 : vector<1x16xf32> to vector<16xf32>
        %parallel_loop3A_592 = arith.mulf %parallel_loop3A_591, %parallel_loop3A_587 : vector<16xf32>
        %parallel_loop3A_593 = arith.index_cast %parallel_loop3A_526 : i32 to index
        %parallel_loop3A_594 = arith.constant 48 : index
        %parallel_loop3A_595 = tpu.vector_load %arg12[%parallel_loop3A_593, %parallel_loop3A_594] {strides = array<i32>} : memref<128x80xf32, #tpu.memory_space<vmem>>, vector<1x16xf32>,
        %parallel_loop3A_596 = vector.shape_cast %parallel_loop3A_595 : vector<1x16xf32> to vector<16xf32>
        %parallel_loop3A_597 = vector.shape_cast %parallel_loop3A_592 : vector<16xf32> to vector<1x16xf32>
        tpu.vector_store %arg12[%parallel_loop3A_593, %parallel_loop3A_594], %parallel_loop3A_597 {strides = array<i32>} : memref<128x80xf32, #tpu.memory_space<vmem>>, vector<1x16xf32>,
      } {sc.loop_unroll_factor = 8 : i64, sc.parallel_access}
      %dma_start3A_323 = arith.constant 0 : i32
      %dma_start3A_324 = arith.constant 0 : i32
      %dma_start3A_325 = tpu.memref_slice %arg26[%dma_start3A_323, %dma_start3A_324] : memref<10008x80xf32, #tpu.memory_space<vmem_shared>> -> memref<10008x80xf32, #tpu.memory_space<vmem_shared>>
      tpu.enqueue_indirect_dma source(%arg12 : memref<128x80xf32, #tpu.memory_space<vmem>>) target(%dma_start3A_325 : memref<10008x80xf32, #tpu.memory_space<vmem_shared>>) offsets(%arg9 : memref<128xi32, #tpu.memory_space<vmem>>) semaphore(%arg15 : memref<!tpu.dma_semaphore, #tpu.memory_space<semaphore_mem>>) {add = true}
      %add3A_326 = arith.constant 1 : i32
      %add3A_327 = arith.addi %mul3A_133, %add3A_326 : i32
      %dma_wait3A_328 = arith.constant 0 : i32
      %dma_wait3A_329 = arith.constant 0 : i32
      %dma_wait3A_330 = tpu.memref_slice %arg3[%dma_wait3A_328, %dma_wait3A_329] : memref<10000x16xf32, #tpu.memory_space<hbm>> -> memref<10000x16xf32, #tpu.memory_space<hbm>>
      tpu.wait_indirect_dma semaphore(%arg23 : memref<!tpu.dma_semaphore, #tpu.memory_space<semaphore_mem>>) src(%dma_wait3A_330 : memref<10000x16xf32, #tpu.memory_space<hbm>>) dst(%arg19 : memref<128x16xf32, #tpu.memory_space<vmem>>)
      %dma_wait3A_331 = arith.constant 0 : i32
      %dma_wait3A_332 = arith.constant 0 : i32
      %dma_wait3A_333 = tpu.memref_slice %arg2[%arg0, %dma_wait3A_331, %dma_wait3A_332] : memref<2x10000x80xf32, #tpu.memory_space<hbm>> -> memref<1x10000x80xf32, #tpu.memory_space<hbm>>
      %dma_wait3A_334 = tpu.memref_squeeze %dma_wait3A_333 : memref<1x10000x80xf32, #tpu.memory_space<hbm>> -> memref<10000x80xf32, #tpu.memory_space<hbm>>
      %dma_wait3A_335 = arith.constant 0 : i32
      %dma_wait3A_336 = arith.constant 0 : i32
      %dma_wait3A_337 = tpu.memref_slice %dma_wait3A_334[%dma_wait3A_335, %dma_wait3A_336] : memref<10000x80xf32, #tpu.memory_space<hbm>> -> memref<10000x80xf32, #tpu.memory_space<hbm>>
      tpu.wait_indirect_dma semaphore(%arg23 : memref<!tpu.dma_semaphore, #tpu.memory_space<semaphore_mem>>) src(%dma_wait3A_337 : memref<10000x80xf32, #tpu.memory_space<hbm>>) dst(%arg20 : memref<128x80xf32, #tpu.memory_space<vmem>>)
      %ge3A_338 = arith.constant 2 : i32
      %ge3A_339 = arith.cmpi sge, %add3A_327, %ge3A_338 : i32
      %convert_element_type3A_340 = arith.extui %ge3A_339 : i1 to i32
      %cond3A_341 = arith.constant 0 : i32
      %cond3A_342 = arith.cmpi ne, %convert_element_type3A_340, %cond3A_341 : i32
      scf.if %cond3A_342 {
        %dma_wait3A_526 = arith.constant 0 : i32
        %dma_wait3A_527 = arith.constant 0 : i32
        %dma_wait3A_528 = tpu.memref_slice %arg26[%dma_wait3A_526, %dma_wait3A_527] : memref<10008x80xf32, #tpu.memory_space<vmem_shared>> -> memref<10008x80xf32, #tpu.memory_space<vmem_shared>>
        tpu.wait_indirect_dma semaphore(%arg24 : memref<!tpu.dma_semaphore, #tpu.memory_space<semaphore_mem>>) src(%arg21 : memref<128x80xf32, #tpu.memory_space<vmem>>) dst(%dma_wait3A_528 : memref<10008x80xf32, #tpu.memory_space<vmem_shared>>)
      } else {
      }
      %mul3A_343 = arith.constant 16 : i32
      %mul3A_344 = arith.muli %add3A_327, %mul3A_343 : i32
      %add3A_345 = arith.addi %arg1, %mul3A_344 : i32
      %broadcast_in_dim3A_346 = arith.constant 0 : i32
      %broadcast_in_dim3A_347 = vector.broadcast %broadcast_in_dim3A_346 : i32 to vector<16xi32>
      %sub3A_348 = arith.constant 2500 : i32
      %sub3A_349 = arith.subi %add3A_345, %sub3A_348 : i32
      %shift_right_logical3A_350 = arith.constant 31 : i32
      %shift_right_logical3A_351 = arith.shrui %sub3A_349, %shift_right_logical3A_350 : i32
      %add3A_352 = vector.broadcast %shift_right_logical3A_351 : i32 to vector<16xi32>
      %add3A_353 = arith.addi %broadcast_in_dim3A_347, %add3A_352 : vector<16xi32>
      %sub3A_354 = arith.constant 1 : i32
      %sub3A_355 = vector.broadcast %sub3A_354 : i32 to vector<16xi32>
      %sub3A_356 = arith.subi %sub3A_355, %add3A_353 : vector<16xi32>
      %get3A_357 = arith.constant 0 : index
      %get3A_358 = tpu.vector_load %arg17[%get3A_357] {strides = array<i32>} : memref<128xi32, #tpu.memory_space<vmem>>, vector<16xi32>,
      %get3A_359 = vector.shape_cast %get3A_358 : vector<16xi32> to vector<16xi32>
      %mul3A_360 = arith.muli %get3A_359, %add3A_353 : vector<16xi32>
      %and3A_361 = arith.constant 7 : i32
      %and3A_362 = vector.broadcast %and3A_361 : i32 to vector<16xi32>
      %and3A_363 = arith.andi %get3A_359, %and3A_362 : vector<16xi32>
      %add3A_364 = arith.constant 10000 : i32
      %add3A_365 = vector.broadcast %add3A_364 : i32 to vector<16xi32>
      %add3A_366 = arith.addi %add3A_365, %and3A_363 : vector<16xi32>
      %mul3A_367 = arith.muli %add3A_366, %sub3A_356 : vector<16xi32>
      %add3A_368 = arith.addi %mul3A_360, %mul3A_367 : vector<16xi32>
      %swap3A_369 = arith.constant 0 : index
      %swap3A_370 = tpu.vector_load %arg18[%swap3A_369] {strides = array<i32>} : memref<128xi32, #tpu.memory_space<vmem>>, vector<16xi32>,
      %swap3A_371 = vector.shape_cast %swap3A_370 : vector<16xi32> to vector<16xi32>
      %swap3A_372 = vector.shape_cast %add3A_368 : vector<16xi32> to vector<16xi32>
      tpu.vector_store %arg18[%swap3A_369], %swap3A_372 {strides = array<i32>} : memref<128xi32, #tpu.memory_space<vmem>>, vector<16xi32>,
      %get3A_373 = arith.constant 16 : index
      %get3A_374 = tpu.vector_load %arg17[%get3A_373] {strides = array<i32>} : memref<128xi32, #tpu.memory_space<vmem>>, vector<16xi32>,
      %get3A_375 = vector.shape_cast %get3A_374 : vector<16xi32> to vector<16xi32>
      %mul3A_376 = arith.muli %get3A_375, %add3A_353 : vector<16xi32>
      %and3A_377 = arith.constant 7 : i32
      %and3A_378 = vector.broadcast %and3A_377 : i32 to vector<16xi32>
      %and3A_379 = arith.andi %get3A_375, %and3A_378 : vector<16xi32>
      %add3A_380 = arith.constant 10000 : i32
      %add3A_381 = vector.broadcast %add3A_380 : i32 to vector<16xi32>
      %add3A_382 = arith.addi %add3A_381, %and3A_379 : vector<16xi32>
      %mul3A_383 = arith.muli %add3A_382, %sub3A_356 : vector<16xi32>
      %add3A_384 = arith.addi %mul3A_376, %mul3A_383 : vector<16xi32>
      %swap3A_385 = arith.constant 16 : index
      %swap3A_386 = tpu.vector_load %arg18[%swap3A_385] {strides = array<i32>} : memref<128xi32, #tpu.memory_space<vmem>>, vector<16xi32>,
      %swap3A_387 = vector.shape_cast %swap3A_386 : vector<16xi32> to vector<16xi32>
      %swap3A_388 = vector.shape_cast %add3A_384 : vector<16xi32> to vector<16xi32>
      tpu.vector_store %arg18[%swap3A_385], %swap3A_388 {strides = array<i32>} : memref<128xi32, #tpu.memory_space<vmem>>, vector<16xi32>,
      %get3A_389 = arith.constant 32 : index
      %get3A_390 = tpu.vector_load %arg17[%get3A_389] {strides = array<i32>} : memref<128xi32, #tpu.memory_space<vmem>>, vector<16xi32>,
      %get3A_391 = vector.shape_cast %get3A_390 : vector<16xi32> to vector<16xi32>
      %mul3A_392 = arith.muli %get3A_391, %add3A_353 : vector<16xi32>
      %and3A_393 = arith.constant 7 : i32
      %and3A_394 = vector.broadcast %and3A_393 : i32 to vector<16xi32>
      %and3A_395 = arith.andi %get3A_391, %and3A_394 : vector<16xi32>
      %add3A_396 = arith.constant 10000 : i32
      %add3A_397 = vector.broadcast %add3A_396 : i32 to vector<16xi32>
      %add3A_398 = arith.addi %add3A_397, %and3A_395 : vector<16xi32>
      %mul3A_399 = arith.muli %add3A_398, %sub3A_356 : vector<16xi32>
      %add3A_400 = arith.addi %mul3A_392, %mul3A_399 : vector<16xi32>
      %swap3A_401 = arith.constant 32 : index
      %swap3A_402 = tpu.vector_load %arg18[%swap3A_401] {strides = array<i32>} : memref<128xi32, #tpu.memory_space<vmem>>, vector<16xi32>,
      %swap3A_403 = vector.shape_cast %swap3A_402 : vector<16xi32> to vector<16xi32>
      %swap3A_404 = vector.shape_cast %add3A_400 : vector<16xi32> to vector<16xi32>
      tpu.vector_store %arg18[%swap3A_401], %swap3A_404 {strides = array<i32>} : memref<128xi32, #tpu.memory_space<vmem>>, vector<16xi32>,
      %get3A_405 = arith.constant 48 : index
      %get3A_406 = tpu.vector_load %arg17[%get3A_405] {strides = array<i32>} : memref<128xi32, #tpu.memory_space<vmem>>, vector<16xi32>,
      %get3A_407 = vector.shape_cast %get3A_406 : vector<16xi32> to vector<16xi32>
      %mul3A_408 = arith.muli %get3A_407, %add3A_353 : vector<16xi32>
      %and3A_409 = arith.constant 7 : i32
      %and3A_410 = vector.broadcast %and3A_409 : i32 to vector<16xi32>
      %and3A_411 = arith.andi %get3A_407, %and3A_410 : vector<16xi32>
      %add3A_412 = arith.constant 10000 : i32
      %add3A_413 = vector.broadcast %add3A_412 : i32 to vector<16xi32>
      %add3A_414 = arith.addi %add3A_413, %and3A_411 : vector<16xi32>
      %mul3A_415 = arith.muli %add3A_414, %sub3A_356 : vector<16xi32>
      %add3A_416 = arith.addi %mul3A_408, %mul3A_415 : vector<16xi32>
      %swap3A_417 = arith.constant 48 : index
      %swap3A_418 = tpu.vector_load %arg18[%swap3A_417] {strides = array<i32>} : memref<128xi32, #tpu.memory_space<vmem>>, vector<16xi32>,
      %swap3A_419 = vector.shape_cast %swap3A_418 : vector<16xi32> to vector<16xi32>
      %swap3A_420 = vector.shape_cast %add3A_416 : vector<16xi32> to vector<16xi32>
      tpu.vector_store %arg18[%swap3A_417], %swap3A_420 {strides = array<i32>} : memref<128xi32, #tpu.memory_space<vmem>>, vector<16xi32>,
      %get3A_421 = arith.constant 64 : index
      %get3A_422 = tpu.vector_load %arg17[%get3A_421] {strides = array<i32>} : memref<128xi32, #tpu.memory_space<vmem>>, vector<16xi32>,
      %get3A_423 = vector.shape_cast %get3A_422 : vector<16xi32> to vector<16xi32>
      %mul3A_424 = arith.muli %get3A_423, %add3A_353 : vector<16xi32>
      %and3A_425 = arith.constant 7 : i32
      %and3A_426 = vector.broadcast %and3A_425 : i32 to vector<16xi32>
      %and3A_427 = arith.andi %get3A_423, %and3A_426 : vector<16xi32>
      %add3A_428 = arith.constant 10000 : i32
      %add3A_429 = vector.broadcast %add3A_428 : i32 to vector<16xi32>
      %add3A_430 = arith.addi %add3A_429, %and3A_427 : vector<16xi32>
      %mul3A_431 = arith.muli %add3A_430, %sub3A_356 : vector<16xi32>
      %add3A_432 = arith.addi %mul3A_424, %mul3A_431 : vector<16xi32>
      %swap3A_433 = arith.constant 64 : index
      %swap3A_434 = tpu.vector_load %arg18[%swap3A_433] {strides = array<i32>} : memref<128xi32, #tpu.memory_space<vmem>>, vector<16xi32>,
      %swap3A_435 = vector.shape_cast %swap3A_434 : vector<16xi32> to vector<16xi32>
      %swap3A_436 = vector.shape_cast %add3A_432 : vector<16xi32> to vector<16xi32>
      tpu.vector_store %arg18[%swap3A_433], %swap3A_436 {strides = array<i32>} : memref<128xi32, #tpu.memory_space<vmem>>, vector<16xi32>,
      %get3A_437 = arith.constant 80 : index
      %get3A_438 = tpu.vector_load %arg17[%get3A_437] {strides = array<i32>} : memref<128xi32, #tpu.memory_space<vmem>>, vector<16xi32>,
      %get3A_439 = vector.shape_cast %get3A_438 : vector<16xi32> to vector<16xi32>
      %mul3A_440 = arith.muli %get3A_439, %add3A_353 : vector<16xi32>
      %and3A_441 = arith.constant 7 : i32
      %and3A_442 = vector.broadcast %and3A_441 : i32 to vector<16xi32>
      %and3A_443 = arith.andi %get3A_439, %and3A_442 : vector<16xi32>
      %add3A_444 = arith.constant 10000 : i32
      %add3A_445 = vector.broadcast %add3A_444 : i32 to vector<16xi32>
      %add3A_446 = arith.addi %add3A_445, %and3A_443 : vector<16xi32>
      %mul3A_447 = arith.muli %add3A_446, %sub3A_356 : vector<16xi32>
      %add3A_448 = arith.addi %mul3A_440, %mul3A_447 : vector<16xi32>
      %swap3A_449 = arith.constant 80 : index
      %swap3A_450 = tpu.vector_load %arg18[%swap3A_449] {strides = array<i32>} : memref<128xi32, #tpu.memory_space<vmem>>, vector<16xi32>,
      %swap3A_451 = vector.shape_cast %swap3A_450 : vector<16xi32> to vector<16xi32>
      %swap3A_452 = vector.shape_cast %add3A_448 : vector<16xi32> to vector<16xi32>
      tpu.vector_store %arg18[%swap3A_449], %swap3A_452 {strides = array<i32>} : memref<128xi32, #tpu.memory_space<vmem>>, vector<16xi32>,
      %get3A_453 = arith.constant 96 : index
      %get3A_454 = tpu.vector_load %arg17[%get3A_453] {strides = array<i32>} : memref<128xi32, #tpu.memory_space<vmem>>, vector<16xi32>,
      %get3A_455 = vector.shape_cast %get3A_454 : vector<16xi32> to vector<16xi32>
      %mul3A_456 = arith.muli %get3A_455, %add3A_353 : vector<16xi32>
      %and3A_457 = arith.constant 7 : i32
      %and3A_458 = vector.broadcast %and3A_457 : i32 to vector<16xi32>
      %and3A_459 = arith.andi %get3A_455, %and3A_458 : vector<16xi32>
      %add3A_460 = arith.constant 10000 : i32
      %add3A_461 = vector.broadcast %add3A_460 : i32 to vector<16xi32>
      %add3A_462 = arith.addi %add3A_461, %and3A_459 : vector<16xi32>
      %mul3A_463 = arith.muli %add3A_462, %sub3A_356 : vector<16xi32>
      %add3A_464 = arith.addi %mul3A_456, %mul3A_463 : vector<16xi32>
      %swap3A_465 = arith.constant 96 : index
      %swap3A_466 = tpu.vector_load %arg18[%swap3A_465] {strides = array<i32>} : memref<128xi32, #tpu.memory_space<vmem>>, vector<16xi32>,
      %swap3A_467 = vector.shape_cast %swap3A_466 : vector<16xi32> to vector<16xi32>
      %swap3A_468 = vector.shape_cast %add3A_464 : vector<16xi32> to vector<16xi32>
      tpu.vector_store %arg18[%swap3A_465], %swap3A_468 {strides = array<i32>} : memref<128xi32, #tpu.memory_space<vmem>>, vector<16xi32>,
      %get3A_469 = arith.constant 112 : index
      %get3A_470 = tpu.vector_load %arg17[%get3A_469] {strides = array<i32>} : memref<128xi32, #tpu.memory_space<vmem>>, vector<16xi32>,
      %get3A_471 = vector.shape_cast %get3A_470 : vector<16xi32> to vector<16xi32>
      %mul3A_472 = arith.muli %get3A_471, %add3A_353 : vector<16xi32>
      %and3A_473 = arith.constant 7 : i32
      %and3A_474 = vector.broadcast %and3A_473 : i32 to vector<16xi32>
      %and3A_475 = arith.andi %get3A_471, %and3A_474 : vector<16xi32>
      %add3A_476 = arith.constant 10000 : i32
      %add3A_477 = vector.broadcast %add3A_476 : i32 to vector<16xi32>
      %add3A_478 = arith.addi %add3A_477, %and3A_475 : vector<16xi32>
      %mul3A_479 = arith.muli %add3A_478, %sub3A_356 : vector<16xi32>
      %add3A_480 = arith.addi %mul3A_472, %mul3A_479 : vector<16xi32>
      %swap3A_481 = arith.constant 112 : index
      %swap3A_482 = tpu.vector_load %arg18[%swap3A_481] {strides = array<i32>} : memref<128xi32, #tpu.memory_space<vmem>>, vector<16xi32>,
      %swap3A_483 = vector.shape_cast %swap3A_482 : vector<16xi32> to vector<16xi32>
      %swap3A_484 = vector.shape_cast %add3A_480 : vector<16xi32> to vector<16xi32>
      tpu.vector_store %arg18[%swap3A_481], %swap3A_484 {strides = array<i32>} : memref<128xi32, #tpu.memory_space<vmem>>, vector<16xi32>,
      %add3A_485 = arith.constant 2 : i32
      %add3A_486 = arith.addi %add3A_327, %add3A_485 : i32
      %mul3A_487 = arith.constant 16 : i32
      %mul3A_488 = arith.muli %add3A_486, %mul3A_487 : i32
      %add3A_489 = arith.addi %arg1, %mul3A_488 : i32
      %sub3A_490 = arith.constant 2500 : i32
      %sub3A_491 = arith.subi %add3A_489, %sub3A_490 : i32
      %shift_right_logical3A_492 = arith.constant 31 : i32
      %shift_right_logical3A_493 = arith.shrui %sub3A_491, %shift_right_logical3A_492 : i32
      %mul3A_494 = arith.muli %add3A_489, %shift_right_logical3A_493 : i32
      %mul3A_495 = arith.constant 128 : i32
      %mul3A_496 = arith.muli %mul3A_494, %mul3A_495 : i32
      %dma_start3A_497 = tpu.memref_slice %arg4[%mul3A_496] : memref<320000xi32, #tpu.memory_space<hbm>> -> memref<128xi32, #tpu.memory_space<hbm>>
      %dma_start3A_498 = tpu.memref_slice %arg4[%mul3A_496] : memref<320000xi32, #tpu.memory_space<hbm>> -> memref<128xi32, #tpu.memory_space<hbm>>
      tpu.enqueue_dma source(%dma_start3A_498 : memref<128xi32, #tpu.memory_space<hbm>>) target(%arg16 : memref<128xi32, #tpu.memory_space<vmem>>) target_semaphore(%arg22 : memref<!tpu.dma_semaphore, #tpu.memory_space<semaphore_mem>>)
      %dma_start3A_499 = tpu.memref_slice %arg5[%mul3A_496] : memref<320000xi32, #tpu.memory_space<hbm>> -> memref<128xi32, #tpu.memory_space<hbm>>
      %dma_start3A_500 = tpu.memref_slice %arg5[%mul3A_496] : memref<320000xi32, #tpu.memory_space<hbm>> -> memref<128xi32, #tpu.memory_space<hbm>>
      tpu.enqueue_dma source(%dma_start3A_500 : memref<128xi32, #tpu.memory_space<hbm>>) target(%arg17 : memref<128xi32, #tpu.memory_space<vmem>>) target_semaphore(%arg22 : memref<!tpu.dma_semaphore, #tpu.memory_space<semaphore_mem>>)
      %dma_wait3A_501 = arith.constant 0 : i32
      %dma_wait3A_502 = tpu.memref_slice %arg4[%dma_wait3A_501] : memref<320000xi32, #tpu.memory_space<hbm>> -> memref<128xi32, #tpu.memory_space<hbm>>
      %dma_wait3A_503 = arith.constant 0 : i32
      %dma_wait3A_504 = tpu.memref_slice %arg4[%dma_wait3A_503] : memref<320000xi32, #tpu.memory_space<hbm>> -> memref<128xi32, #tpu.memory_space<hbm>>
      tpu.wait_dma2 semaphore(%arg13 : memref<!tpu.dma_semaphore, #tpu.memory_space<semaphore_mem>>) src(%dma_wait3A_504 : memref<128xi32, #tpu.memory_space<hbm>>) dst(%arg7 : memref<128xi32, #tpu.memory_space<vmem>>)
      %dma_wait3A_505 = arith.constant 0 : i32
      %dma_wait3A_506 = tpu.memref_slice %arg5[%dma_wait3A_505] : memref<320000xi32, #tpu.memory_space<hbm>> -> memref<128xi32, #tpu.memory_space<hbm>>
      %dma_wait3A_507 = arith.constant 0 : i32
      %dma_wait3A_508 = tpu.memref_slice %arg5[%dma_wait3A_507] : memref<320000xi32, #tpu.memory_space<hbm>> -> memref<128xi32, #tpu.memory_space<hbm>>
      tpu.wait_dma2 semaphore(%arg13 : memref<!tpu.dma_semaphore, #tpu.memory_space<semaphore_mem>>) src(%dma_wait3A_508 : memref<128xi32, #tpu.memory_space<hbm>>) dst(%arg8 : memref<128xi32, #tpu.memory_space<vmem>>)
      %dma_start3A_509 = arith.constant 0 : i32
      %dma_start3A_510 = arith.constant 0 : i32
      %dma_start3A_511 = tpu.memref_slice %arg3[%dma_start3A_509, %dma_start3A_510] : memref<10000x16xf32, #tpu.memory_space<hbm>> -> memref<10000x16xf32, #tpu.memory_space<hbm>>
      tpu.enqueue_indirect_dma source(%dma_start3A_511 : memref<10000x16xf32, #tpu.memory_space<hbm>>) target(%arg10 : memref<128x16xf32, #tpu.memory_space<vmem>>) offsets(%arg8 : memref<128xi32, #tpu.memory_space<vmem>>) semaphore(%arg14 : memref<!tpu.dma_semaphore, #tpu.memory_space<semaphore_mem>>)
      %dma_start3A_512 = arith.constant 0 : i32
      %dma_start3A_513 = arith.constant 0 : i32
      %dma_start3A_514 = tpu.memref_slice %arg2[%arg0, %dma_start3A_512, %dma_start3A_513] : memref<2x10000x80xf32, #tpu.memory_space<hbm>> -> memref<1x10000x80xf32, #tpu.memory_space<hbm>>
      %dma_start3A_515 = tpu.memref_squeeze %dma_start3A_514 : memref<1x10000x80xf32, #tpu.memory_space<hbm>> -> memref<10000x80xf32, #tpu.memory_space<hbm>>
      %dma_start3A_516 = arith.constant 0 : i32
      %dma_start3A_517 = arith.constant 0 : i32
      %dma_start3A_518 = tpu.memref_slice %dma_start3A_515[%dma_start3A_516, %dma_start3A_517] : memref<10000x80xf32, #tpu.memory_space<hbm>> -> memref<10000x80xf32, #tpu.memory_space<hbm>>
      tpu.enqueue_indirect_dma source(%dma_start3A_518 : memref<10000x80xf32, #tpu.memory_space<hbm>>) target(%arg11 : memref<128x80xf32, #tpu.memory_space<vmem>>) offsets(%arg7 : memref<128xi32, #tpu.memory_space<vmem>>) semaphore(%arg14 : memref<!tpu.dma_semaphore, #tpu.memory_space<semaphore_mem>>)
      %parallel_loop3A_519 = arith.constant 0 : i32
      %parallel_loop3A_520 = arith.constant 128 : i32
      %parallel_loop3A_521 = arith.constant 1 : i32
      scf.for %parallel_loop3A_526 = %parallel_loop3A_519 to %parallel_loop3A_520 step %parallel_loop3A_521  : i32 {
        %parallel_loop3A_527 = arith.index_cast %parallel_loop3A_526 : i32 to index
        %parallel_loop3A_528 = arith.constant 64 : index
        %parallel_loop3A_529 = tpu.vector_load %arg20[%parallel_loop3A_527, %parallel_loop3A_528] {strides = array<i32>} : memref<128x80xf32, #tpu.memory_space<vmem>>, vector<1x16xf32>,
        %parallel_loop3A_530 = vector.shape_cast %parallel_loop3A_529 : vector<1x16xf32> to vector<16xf32>
        %parallel_loop3A_531 = arith.index_cast %parallel_loop3A_526 : i32 to index
        %parallel_loop3A_532 = arith.constant 0 : index
        %parallel_loop3A_533 = tpu.vector_load %arg19[%parallel_loop3A_531, %parallel_loop3A_532] {strides = array<i32>} : memref<128x16xf32, #tpu.memory_space<vmem>>, vector<1x16xf32>,
        %parallel_loop3A_534 = vector.shape_cast %parallel_loop3A_533 : vector<1x16xf32> to vector<16xf32>
        %parallel_loop3A_535 = arith.addf %parallel_loop3A_530, %parallel_loop3A_534 : vector<16xf32>
        %parallel_loop3A_536 = arith.constant 2.000000e-01 : f32
        %parallel_loop3A_537 = vector.broadcast %parallel_loop3A_536 : f32 to vector<16xf32>
        %parallel_loop3A_538 = arith.mulf %parallel_loop3A_535, %parallel_loop3A_537 : vector<16xf32>
        %parallel_loop3A_539 = arith.maximumf %parallel_loop3A_535, %parallel_loop3A_538 : vector<16xf32>
        %parallel_loop3A_540 = math.exp %parallel_loop3A_539 : vector<16xf32>
        %parallel_loop3A_541 = arith.index_cast %parallel_loop3A_526 : i32 to index
        %parallel_loop3A_542 = arith.constant 64 : index
        %parallel_loop3A_543 = tpu.vector_load %arg21[%parallel_loop3A_541, %parallel_loop3A_542] {strides = array<i32>} : memref<128x80xf32, #tpu.memory_space<vmem>>, vector<1x16xf32>,
        %parallel_loop3A_544 = vector.shape_cast %parallel_loop3A_543 : vector<1x16xf32> to vector<16xf32>
        %parallel_loop3A_545 = vector.shape_cast %parallel_loop3A_540 : vector<16xf32> to vector<1x16xf32>
        tpu.vector_store %arg21[%parallel_loop3A_541, %parallel_loop3A_542], %parallel_loop3A_545 {strides = array<i32>} : memref<128x80xf32, #tpu.memory_space<vmem>>, vector<1x16xf32>,
        %parallel_loop3A_546 = vector.shape_cast %add3A_28 : vector<16xi32> to vector<16x1xi32>
        %parallel_loop3A_547 = vector.shape_cast %parallel_loop3A_546 : vector<16x1xi32> to vector<16xi32>
        %parallel_loop3A_548 = tpu.dynamic_gather %parallel_loop3A_540[%parallel_loop3A_547] in [0] : vector<16xf32>, vector<16xi32> -> vector<16xf32>
        %parallel_loop3A_549 = arith.index_cast %parallel_loop3A_526 : i32 to index
        %parallel_loop3A_550 = arith.constant 0 : index
        %parallel_loop3A_551 = tpu.vector_load %arg20[%parallel_loop3A_549, %parallel_loop3A_550] {strides = array<i32>} : memref<128x80xf32, #tpu.memory_space<vmem>>, vector<1x16xf32>,
        %parallel_loop3A_552 = vector.shape_cast %parallel_loop3A_551 : vector<1x16xf32> to vector<16xf32>
        %parallel_loop3A_553 = arith.mulf %parallel_loop3A_552, %parallel_loop3A_548 : vector<16xf32>
        %parallel_loop3A_554 = arith.index_cast %parallel_loop3A_526 : i32 to index
        %parallel_loop3A_555 = arith.constant 0 : index
        %parallel_loop3A_556 = tpu.vector_load %arg21[%parallel_loop3A_554, %parallel_loop3A_555] {strides = array<i32>} : memref<128x80xf32, #tpu.memory_space<vmem>>, vector<1x16xf32>,
        %parallel_loop3A_557 = vector.shape_cast %parallel_loop3A_556 : vector<1x16xf32> to vector<16xf32>
        %parallel_loop3A_558 = vector.shape_cast %parallel_loop3A_553 : vector<16xf32> to vector<1x16xf32>
        tpu.vector_store %arg21[%parallel_loop3A_554, %parallel_loop3A_555], %parallel_loop3A_558 {strides = array<i32>} : memref<128x80xf32, #tpu.memory_space<vmem>>, vector<1x16xf32>,
        %parallel_loop3A_559 = vector.shape_cast %add3A_36 : vector<16xi32> to vector<16x1xi32>
        %parallel_loop3A_560 = vector.shape_cast %parallel_loop3A_559 : vector<16x1xi32> to vector<16xi32>
        %parallel_loop3A_561 = tpu.dynamic_gather %parallel_loop3A_540[%parallel_loop3A_560] in [0] : vector<16xf32>, vector<16xi32> -> vector<16xf32>
        %parallel_loop3A_562 = arith.index_cast %parallel_loop3A_526 : i32 to index
        %parallel_loop3A_563 = arith.constant 16 : index
        %parallel_loop3A_564 = tpu.vector_load %arg20[%parallel_loop3A_562, %parallel_loop3A_563] {strides = array<i32>} : memref<128x80xf32, #tpu.memory_space<vmem>>, vector<1x16xf32>,
        %parallel_loop3A_565 = vector.shape_cast %parallel_loop3A_564 : vector<1x16xf32> to vector<16xf32>
        %parallel_loop3A_566 = arith.mulf %parallel_loop3A_565, %parallel_loop3A_561 : vector<16xf32>
        %parallel_loop3A_567 = arith.index_cast %parallel_loop3A_526 : i32 to index
        %parallel_loop3A_568 = arith.constant 16 : index
        %parallel_loop3A_569 = tpu.vector_load %arg21[%parallel_loop3A_567, %parallel_loop3A_568] {strides = array<i32>} : memref<128x80xf32, #tpu.memory_space<vmem>>, vector<1x16xf32>,
        %parallel_loop3A_570 = vector.shape_cast %parallel_loop3A_569 : vector<1x16xf32> to vector<16xf32>
        %parallel_loop3A_571 = vector.shape_cast %parallel_loop3A_566 : vector<16xf32> to vector<1x16xf32>
        tpu.vector_store %arg21[%parallel_loop3A_567, %parallel_loop3A_568], %parallel_loop3A_571 {strides = array<i32>} : memref<128x80xf32, #tpu.memory_space<vmem>>, vector<1x16xf32>,
        %parallel_loop3A_572 = vector.shape_cast %add3A_44 : vector<16xi32> to vector<16x1xi32>
        %parallel_loop3A_573 = vector.shape_cast %parallel_loop3A_572 : vector<16x1xi32> to vector<16xi32>
        %parallel_loop3A_574 = tpu.dynamic_gather %parallel_loop3A_540[%parallel_loop3A_573] in [0] : vector<16xf32>, vector<16xi32> -> vector<16xf32>
        %parallel_loop3A_575 = arith.index_cast %parallel_loop3A_526 : i32 to index
        %parallel_loop3A_576 = arith.constant 32 : index
        %parallel_loop3A_577 = tpu.vector_load %arg20[%parallel_loop3A_575, %parallel_loop3A_576] {strides = array<i32>} : memref<128x80xf32, #tpu.memory_space<vmem>>, vector<1x16xf32>,
        %parallel_loop3A_578 = vector.shape_cast %parallel_loop3A_577 : vector<1x16xf32> to vector<16xf32>
        %parallel_loop3A_579 = arith.mulf %parallel_loop3A_578, %parallel_loop3A_574 : vector<16xf32>
        %parallel_loop3A_580 = arith.index_cast %parallel_loop3A_526 : i32 to index
        %parallel_loop3A_581 = arith.constant 32 : index
        %parallel_loop3A_582 = tpu.vector_load %arg21[%parallel_loop3A_580, %parallel_loop3A_581] {strides = array<i32>} : memref<128x80xf32, #tpu.memory_space<vmem>>, vector<1x16xf32>,
        %parallel_loop3A_583 = vector.shape_cast %parallel_loop3A_582 : vector<1x16xf32> to vector<16xf32>
        %parallel_loop3A_584 = vector.shape_cast %parallel_loop3A_579 : vector<16xf32> to vector<1x16xf32>
        tpu.vector_store %arg21[%parallel_loop3A_580, %parallel_loop3A_581], %parallel_loop3A_584 {strides = array<i32>} : memref<128x80xf32, #tpu.memory_space<vmem>>, vector<1x16xf32>,
        %parallel_loop3A_585 = vector.shape_cast %add3A_52 : vector<16xi32> to vector<16x1xi32>
        %parallel_loop3A_586 = vector.shape_cast %parallel_loop3A_585 : vector<16x1xi32> to vector<16xi32>
        %parallel_loop3A_587 = tpu.dynamic_gather %parallel_loop3A_540[%parallel_loop3A_586] in [0] : vector<16xf32>, vector<16xi32> -> vector<16xf32>
        %parallel_loop3A_588 = arith.index_cast %parallel_loop3A_526 : i32 to index
        %parallel_loop3A_589 = arith.constant 48 : index
        %parallel_loop3A_590 = tpu.vector_load %arg20[%parallel_loop3A_588, %parallel_loop3A_589] {strides = array<i32>} : memref<128x80xf32, #tpu.memory_space<vmem>>, vector<1x16xf32>,
        %parallel_loop3A_591 = vector.shape_cast %parallel_loop3A_590 : vector<1x16xf32> to vector<16xf32>
        %parallel_loop3A_592 = arith.mulf %parallel_loop3A_591, %parallel_loop3A_587 : vector<16xf32>
        %parallel_loop3A_593 = arith.index_cast %parallel_loop3A_526 : i32 to index
        %parallel_loop3A_594 = arith.constant 48 : index
        %parallel_loop3A_595 = tpu.vector_load %arg21[%parallel_loop3A_593, %parallel_loop3A_594] {strides = array<i32>} : memref<128x80xf32, #tpu.memory_space<vmem>>, vector<1x16xf32>,
        %parallel_loop3A_596 = vector.shape_cast %parallel_loop3A_595 : vector<1x16xf32> to vector<16xf32>
        %parallel_loop3A_597 = vector.shape_cast %parallel_loop3A_592 : vector<16xf32> to vector<1x16xf32>
        tpu.vector_store %arg21[%parallel_loop3A_593, %parallel_loop3A_594], %parallel_loop3A_597 {strides = array<i32>} : memref<128x80xf32, #tpu.memory_space<vmem>>, vector<1x16xf32>,
      } {sc.loop_unroll_factor = 8 : i64, sc.parallel_access}
      %dma_start3A_522 = arith.constant 0 : i32
      %dma_start3A_523 = arith.constant 0 : i32
      %dma_start3A_524 = tpu.memref_slice %arg26[%dma_start3A_522, %dma_start3A_523] : memref<10008x80xf32, #tpu.memory_space<vmem_shared>> -> memref<10008x80xf32, #tpu.memory_space<vmem_shared>>
      tpu.enqueue_indirect_dma source(%arg21 : memref<128x80xf32, #tpu.memory_space<vmem>>) target(%dma_start3A_524 : memref<10008x80xf32, #tpu.memory_space<vmem_shared>>) offsets(%arg18 : memref<128xi32, #tpu.memory_space<vmem>>) semaphore(%arg24 : memref<!tpu.dma_semaphore, #tpu.memory_space<semaphore_mem>>) {add = true}
      %scan3A_525 = arith.constant 0 : i32
      scf.yield %scan3A_525 : i32
    }
    %scan3A_99 = arith.constant 79 : i32
    %dma_wait3A_100 = arith.constant 0 : i32
    %dma_wait3A_101 = arith.constant 0 : i32
    %dma_wait3A_102 = tpu.memref_slice %arg3[%dma_wait3A_100, %dma_wait3A_101] : memref<10000x16xf32, #tpu.memory_space<hbm>> -> memref<10000x16xf32, #tpu.memory_space<hbm>>
    tpu.wait_indirect_dma semaphore(%arg14 : memref<!tpu.dma_semaphore, #tpu.memory_space<semaphore_mem>>) src(%dma_wait3A_102 : memref<10000x16xf32, #tpu.memory_space<hbm>>) dst(%arg10 : memref<128x16xf32, #tpu.memory_space<vmem>>)
    %dma_wait3A_103 = arith.constant 0 : i32
    %dma_wait3A_104 = arith.constant 0 : i32
    %dma_wait3A_105 = tpu.memref_slice %arg2[%arg0, %dma_wait3A_103, %dma_wait3A_104] : memref<2x10000x80xf32, #tpu.memory_space<hbm>> -> memref<1x10000x80xf32, #tpu.memory_space<hbm>>
    %dma_wait3A_106 = tpu.memref_squeeze %dma_wait3A_105 : memref<1x10000x80xf32, #tpu.memory_space<hbm>> -> memref<10000x80xf32, #tpu.memory_space<hbm>>
    %dma_wait3A_107 = arith.constant 0 : i32
    %dma_wait3A_108 = arith.constant 0 : i32
    %dma_wait3A_109 = tpu.memref_slice %dma_wait3A_106[%dma_wait3A_107, %dma_wait3A_108] : memref<10000x80xf32, #tpu.memory_space<hbm>> -> memref<10000x80xf32, #tpu.memory_space<hbm>>
    tpu.wait_indirect_dma semaphore(%arg14 : memref<!tpu.dma_semaphore, #tpu.memory_space<semaphore_mem>>) src(%dma_wait3A_109 : memref<10000x80xf32, #tpu.memory_space<hbm>>) dst(%arg11 : memref<128x80xf32, #tpu.memory_space<vmem>>)
    %dma_wait3A_110 = arith.constant 0 : i32
    %dma_wait3A_111 = tpu.memref_slice %arg4[%dma_wait3A_110] : memref<320000xi32, #tpu.memory_space<hbm>> -> memref<128xi32, #tpu.memory_space<hbm>>
    %dma_wait3A_112 = arith.constant 0 : i32
    %dma_wait3A_113 = tpu.memref_slice %arg4[%dma_wait3A_112] : memref<320000xi32, #tpu.memory_space<hbm>> -> memref<128xi32, #tpu.memory_space<hbm>>
    tpu.wait_dma2 semaphore(%arg22 : memref<!tpu.dma_semaphore, #tpu.memory_space<semaphore_mem>>) src(%dma_wait3A_113 : memref<128xi32, #tpu.memory_space<hbm>>) dst(%arg16 : memref<128xi32, #tpu.memory_space<vmem>>)
    %dma_wait3A_114 = arith.constant 0 : i32
    %dma_wait3A_115 = tpu.memref_slice %arg5[%dma_wait3A_114] : memref<320000xi32, #tpu.memory_space<hbm>> -> memref<128xi32, #tpu.memory_space<hbm>>
    %dma_wait3A_116 = arith.constant 0 : i32
    %dma_wait3A_117 = tpu.memref_slice %arg5[%dma_wait3A_116] : memref<320000xi32, #tpu.memory_space<hbm>> -> memref<128xi32, #tpu.memory_space<hbm>>
    tpu.wait_dma2 semaphore(%arg22 : memref<!tpu.dma_semaphore, #tpu.memory_space<semaphore_mem>>) src(%dma_wait3A_117 : memref<128xi32, #tpu.memory_space<hbm>>) dst(%arg17 : memref<128xi32, #tpu.memory_space<vmem>>)
    %dma_wait3A_118 = arith.constant 0 : i32
    %dma_wait3A_119 = arith.constant 0 : i32
    %dma_wait3A_120 = tpu.memref_slice %arg26[%dma_wait3A_118, %dma_wait3A_119] : memref<10008x80xf32, #tpu.memory_space<vmem_shared>> -> memref<10008x80xf32, #tpu.memory_space<vmem_shared>>
    tpu.wait_indirect_dma semaphore(%arg15 : memref<!tpu.dma_semaphore, #tpu.memory_space<semaphore_mem>>) src(%arg12 : memref<128x80xf32, #tpu.memory_space<vmem>>) dst(%dma_wait3A_120 : memref<10008x80xf32, #tpu.memory_space<vmem_shared>>)
    %dma_wait3A_121 = arith.constant 0 : i32
    %dma_wait3A_122 = arith.constant 0 : i32
    %dma_wait3A_123 = tpu.memref_slice %arg26[%dma_wait3A_121, %dma_wait3A_122] : memref<10008x80xf32, #tpu.memory_space<vmem_shared>> -> memref<10008x80xf32, #tpu.memory_space<vmem_shared>>
    tpu.wait_indirect_dma semaphore(%arg24 : memref<!tpu.dma_semaphore, #tpu.memory_space<semaphore_mem>>) src(%arg21 : memref<128x80xf32, #tpu.memory_space<vmem>>) dst(%dma_wait3A_123 : memref<10008x80xf32, #tpu.memory_space<vmem_shared>>)
    %barrier3A_124 = arith.constant 0 : index
    tpu.barrier barrier_id(%barrier3A_124)
    "tpu.region"() ({
      %run_scoped3A = tpu.sem_alloc : memref<!tpu.dma_semaphore, #tpu.memory_space<semaphore_mem>>
      %dma_start3A_130 = arith.constant 0 : i32
      %dma_start3A_131 = tpu.memref_slice %arg6[%arg0, %mul3A_0, %dma_start3A_130] : memref<2x10000x80xf32, #tpu.memory_space<hbm>> -> memref<1x624x80xf32, #tpu.memory_space<hbm>>
      %dma_start3A_132 = tpu.memref_squeeze %dma_start3A_131 : memref<1x624x80xf32, #tpu.memory_space<hbm>> -> memref<624x80xf32, #tpu.memory_space<hbm>>
      %dma_start3A_133 = arith.constant 0 : i32
      %dma_start3A_134 = tpu.memref_slice %arg26[%mul3A_0, %dma_start3A_133] : memref<10008x80xf32, #tpu.memory_space<vmem_shared>> -> memref<624x80xf32, #tpu.memory_space<vmem_shared>>
      tpu.enqueue_dma source(%dma_start3A_134 : memref<624x80xf32, #tpu.memory_space<vmem_shared>>) target(%dma_start3A_132 : memref<624x80xf32, #tpu.memory_space<hbm>>) target_semaphore(%run_scoped3A : memref<!tpu.dma_semaphore, #tpu.memory_space<semaphore_mem>>)
      %dma_wait3A_135 = arith.constant 0 : i32
      %dma_wait3A_136 = tpu.memref_slice %arg6[%arg0, %mul3A_0, %dma_wait3A_135] : memref<2x10000x80xf32, #tpu.memory_space<hbm>> -> memref<1x624x80xf32, #tpu.memory_space<hbm>>
      %dma_wait3A_137 = tpu.memref_squeeze %dma_wait3A_136 : memref<1x624x80xf32, #tpu.memory_space<hbm>> -> memref<624x80xf32, #tpu.memory_space<hbm>>
      %dma_wait3A_138 = arith.constant 0 : i32
      %dma_wait3A_139 = tpu.memref_slice %arg26[%mul3A_0, %dma_wait3A_138] : memref<10008x80xf32, #tpu.memory_space<vmem_shared>> -> memref<624x80xf32, #tpu.memory_space<vmem_shared>>
      tpu.wait_dma2 semaphore(%run_scoped3A : memref<!tpu.dma_semaphore, #tpu.memory_space<semaphore_mem>>) src(%dma_wait3A_139 : memref<624x80xf32, #tpu.memory_space<vmem_shared>>) dst(%dma_wait3A_137 : memref<624x80xf32, #tpu.memory_space<hbm>>)
      tpu.yield
    }) : () -> ()
    %eq3A_125 = arith.constant 15 : i32
    %eq3A_126 = arith.cmpi eq, %arg1, %eq3A_125 : i32
    %convert_element_type3A_127 = arith.extui %eq3A_126 : i1 to i32
    %cond3A_128 = arith.constant 0 : i32
    %cond3A_129 = arith.cmpi ne, %convert_element_type3A_127, %cond3A_128 : i32
    scf.if %cond3A_129 {
      "tpu.region"() ({
        %run_scoped3A = tpu.sem_alloc : memref<!tpu.dma_semaphore, #tpu.memory_space<semaphore_mem>>
        %dma_start3A_130 = arith.constant 9984 : i32
        %dma_start3A_131 = arith.constant 0 : i32
        %dma_start3A_132 = tpu.memref_slice %arg6[%arg0, %dma_start3A_130, %dma_start3A_131] : memref<2x10000x80xf32, #tpu.memory_space<hbm>> -> memref<1x16x80xf32, #tpu.memory_space<hbm>>
        %dma_start3A_133 = tpu.memref_squeeze %dma_start3A_132 : memref<1x16x80xf32, #tpu.memory_space<hbm>> -> memref<16x80xf32, #tpu.memory_space<hbm>>
        %dma_start3A_134 = arith.constant 9984 : i32
        %dma_start3A_135 = arith.constant 0 : i32
        %dma_start3A_136 = tpu.memref_slice %arg26[%dma_start3A_134, %dma_start3A_135] : memref<10008x80xf32, #tpu.memory_space<vmem_shared>> -> memref<16x80xf32, #tpu.memory_space<vmem_shared>>
        tpu.enqueue_dma source(%dma_start3A_136 : memref<16x80xf32, #tpu.memory_space<vmem_shared>>) target(%dma_start3A_133 : memref<16x80xf32, #tpu.memory_space<hbm>>) target_semaphore(%run_scoped3A : memref<!tpu.dma_semaphore, #tpu.memory_space<semaphore_mem>>)
        %dma_wait3A_137 = arith.constant 9984 : i32
        %dma_wait3A_138 = arith.constant 0 : i32
        %dma_wait3A_139 = tpu.memref_slice %arg6[%arg0, %dma_wait3A_137, %dma_wait3A_138] : memref<2x10000x80xf32, #tpu.memory_space<hbm>> -> memref<1x16x80xf32, #tpu.memory_space<hbm>>
        %dma_wait3A_140 = tpu.memref_squeeze %dma_wait3A_139 : memref<1x16x80xf32, #tpu.memory_space<hbm>> -> memref<16x80xf32, #tpu.memory_space<hbm>>
        %dma_wait3A_141 = arith.constant 9984 : i32
        %dma_wait3A_142 = arith.constant 0 : i32
        %dma_wait3A_143 = tpu.memref_slice %arg26[%dma_wait3A_141, %dma_wait3A_142] : memref<10008x80xf32, #tpu.memory_space<vmem_shared>> -> memref<16x80xf32, #tpu.memory_space<vmem_shared>>
        tpu.wait_dma2 semaphore(%run_scoped3A : memref<!tpu.dma_semaphore, #tpu.memory_space<semaphore_mem>>) src(%dma_wait3A_143 : memref<16x80xf32, #tpu.memory_space<vmem_shared>>) dst(%dma_wait3A_140 : memref<16x80xf32, #tpu.memory_space<hbm>>)
        tpu.yield
      }) : () -> ()
    } else {
    }
    return
  }
}

module attributes {stable_mosaic.version = 14 : i64} {
  func.func @_prep_body(%arg0: i32, %arg1: memref<2000x128xf32, #tpu.memory_space<vmem>>, %arg2: memref<128x128xf32, #tpu.memory_space<vmem>>, %arg3: memref<128x16xf32, #tpu.memory_space<vmem>>, %arg4: memref<128x16xf32, #tpu.memory_space<vmem>>, %arg5: memref<2000x128xf32, #tpu.memory_space<vmem>>, %arg6: memref<2000x16xf32, #tpu.memory_space<vmem>>, %arg7: memref<2000x16xf32, #tpu.memory_space<vmem>>) attributes {dimension_semantics = [#tpu.dimension_semantics<arbitrary>], iteration_bounds = array<i64: 5>, scalar_prefetch = 0 : i64, scratch_operands = 0 : i64, tpu.core_type = #tpu.core_type<tc>, window_params = [{transform_indices = @transform_0, window_bounds = array<i64: 2000, 128>}, {pipeline_mode = #tpu.pipeline_mode<synchronous>, transform_indices = @transform_1, window_bounds = array<i64: 128, 128>}, {pipeline_mode = #tpu.pipeline_mode<synchronous>, transform_indices = @transform_2, window_bounds = array<i64: 128, 16>}, {pipeline_mode = #tpu.pipeline_mode<synchronous>, transform_indices = @transform_3, window_bounds = array<i64: 128, 16>}, {transform_indices = @transform_4, window_bounds = array<i64: 2000, 128>}, {transform_indices = @transform_5, window_bounds = array<i64: 2000, 16>}, {transform_indices = @transform_6, window_bounds = array<i64: 2000, 16>}]} {
    %get3A = arith.constant 0 : index
    %get3A_0 = arith.constant 0 : index
    %get3A_1 = vector.load %arg1[%get3A, %get3A_0] : memref<2000x128xf32, #tpu.memory_space<vmem>>, vector<2000x128xf32>
    %get3A_2 = arith.constant 0 : index
    %get3A_3 = arith.constant 0 : index
    %get3A_4 = vector.load %arg2[%get3A_2, %get3A_3] : memref<128x128xf32, #tpu.memory_space<vmem>>, vector<128x128xf32>
    %dot_general3A = arith.constant dense<0.000000e+00> : vector<2000x128xf32>
    %dot_general3A_5 = tpu.matmul %get3A_1, %get3A_4, %dot_general3A {dimension_numbers = #tpu.dot_dimension_numbers<[1], [0], [0], [1], [0, 0, 1, 1], [], []>, transpose_lhs_hint = false} : vector<2000x128xf32>, vector<128x128xf32>, vector<2000x128xf32> -> vector<2000x128xf32>
    %swap3A = arith.constant 0 : index
    %swap3A_6 = arith.constant 0 : index
    %swap3A_7 = vector.load %arg5[%swap3A, %swap3A_6] : memref<2000x128xf32, #tpu.memory_space<vmem>>, vector<2000x128xf32>
    tpu.vector_store %arg5[%swap3A, %swap3A_6], %dot_general3A_5 {strides = array<i32>} : memref<2000x128xf32, #tpu.memory_space<vmem>>, vector<2000x128xf32>,
    %get3A_8 = arith.constant 0 : index
    %get3A_9 = arith.constant 0 : index
    %get3A_10 = vector.load %arg3[%get3A_8, %get3A_9] : memref<128x16xf32, #tpu.memory_space<vmem>>, vector<128x16xf32>
    %dot_general3A_11 = arith.constant dense<0.000000e+00> : vector<2000x16xf32>
    %dot_general3A_12 = tpu.matmul %dot_general3A_5, %get3A_10, %dot_general3A_11 {dimension_numbers = #tpu.dot_dimension_numbers<[1], [0], [0], [1], [0, 0, 1, 1], [], []>, transpose_lhs_hint = false} : vector<2000x128xf32>, vector<128x16xf32>, vector<2000x16xf32> -> vector<2000x16xf32>
    %swap3A_13 = arith.constant 0 : index
    %swap3A_14 = arith.constant 0 : index
    %swap3A_15 = vector.load %arg6[%swap3A_13, %swap3A_14] : memref<2000x16xf32, #tpu.memory_space<vmem>>, vector<2000x16xf32>
    tpu.vector_store %arg6[%swap3A_13, %swap3A_14], %dot_general3A_12 {strides = array<i32>} : memref<2000x16xf32, #tpu.memory_space<vmem>>, vector<2000x16xf32>,
    %get3A_16 = arith.constant 0 : index
    %get3A_17 = arith.constant 0 : index
    %get3A_18 = vector.load %arg4[%get3A_16, %get3A_17] : memref<128x16xf32, #tpu.memory_space<vmem>>, vector<128x16xf32>
    %dot_general3A_19 = arith.constant dense<0.000000e+00> : vector<2000x16xf32>
    %dot_general3A_20 = tpu.matmul %dot_general3A_5, %get3A_18, %dot_general3A_19 {dimension_numbers = #tpu.dot_dimension_numbers<[1], [0], [0], [1], [0, 0, 1, 1], [], []>, transpose_lhs_hint = false} : vector<2000x128xf32>, vector<128x16xf32>, vector<2000x16xf32> -> vector<2000x16xf32>
    %swap3A_21 = arith.constant 0 : index
    %swap3A_22 = arith.constant 0 : index
    %swap3A_23 = vector.load %arg7[%swap3A_21, %swap3A_22] : memref<2000x16xf32, #tpu.memory_space<vmem>>, vector<2000x16xf32>
    tpu.vector_store %arg7[%swap3A_21, %swap3A_22], %dot_general3A_20 {strides = array<i32>} : memref<2000x16xf32, #tpu.memory_space<vmem>>, vector<2000x16xf32>,
    return
  }
  func.func @transform_0(%arg0: i32) -> (i32, i32) {
    %c0_i32 = arith.constant 0 : i32
    %c0_i32_0 = arith.constant 0 : i32
    return %arg0, %c0_i32 : i32, i32
  }
  func.func @transform_1(%arg0: i32) -> (i32, i32) {
    %c0_i32 = arith.constant 0 : i32
    %c0_i32_0 = arith.constant 0 : i32
    %c0_i32_1 = arith.constant 0 : i32
    return %c0_i32, %c0_i32_0 : i32, i32
  }
  func.func @transform_2(%arg0: i32) -> (i32, i32) {
    %c0_i32 = arith.constant 0 : i32
    %c0_i32_0 = arith.constant 0 : i32
    %c0_i32_1 = arith.constant 0 : i32
    return %c0_i32, %c0_i32_0 : i32, i32
  }
  func.func @transform_3(%arg0: i32) -> (i32, i32) {
    %c0_i32 = arith.constant 0 : i32
    %c0_i32_0 = arith.constant 0 : i32
    %c0_i32_1 = arith.constant 0 : i32
    return %c0_i32, %c0_i32_0 : i32, i32
  }
  func.func @transform_4(%arg0: i32) -> (i32, i32) {
    %c0_i32 = arith.constant 0 : i32
    %c0_i32_0 = arith.constant 0 : i32
    return %arg0, %c0_i32 : i32, i32
  }
  func.func @transform_5(%arg0: i32) -> (i32, i32) {
    %c0_i32 = arith.constant 0 : i32
    %c0_i32_0 = arith.constant 0 : i32
    return %arg0, %c0_i32 : i32, i32
  }
  func.func @transform_6(%arg0: i32) -> (i32, i32) {
    %c0_i32 = arith.constant 0 : i32
    %c0_i32_0 = arith.constant 0 : i32
    return %arg0, %c0_i32 : i32, i32
  }
}

module attributes {stable_mosaic.version = 14 : i64} {
  func.func @_fin_body(%arg0: i32, %arg1: memref<2000x128xf32, #tpu.memory_space<vmem>>, %arg2: memref<2000x128xf32, #tpu.memory_space<vmem>>, %arg3: memref<2000x16xf32, #tpu.memory_space<vmem>>, %arg4: memref<2000x16xf32, #tpu.memory_space<vmem>>, %arg5: memref<2x2000x80xf32, #tpu.memory_space<vmem>>, %arg6: memref<16x128xf32, #tpu.memory_space<vmem>>, %arg7: memref<1x128xf32, #tpu.memory_space<vmem>>, %arg8: memref<2000x128xf32, #tpu.memory_space<vmem>>) attributes {dimension_semantics = [#tpu.dimension_semantics<arbitrary>], iteration_bounds = array<i64: 5>, scalar_prefetch = 0 : i64, scratch_operands = 0 : i64, tpu.core_type = #tpu.core_type<tc>, window_params = [{transform_indices = @transform_0, window_bounds = array<i64: 2000, 128>}, {transform_indices = @transform_1, window_bounds = array<i64: 2000, 128>}, {transform_indices = @transform_2, window_bounds = array<i64: 2000, 16>}, {transform_indices = @transform_3, window_bounds = array<i64: 2000, 16>}, {transform_indices = @transform_4, window_bounds = array<i64: 2, 2000, 80>}, {pipeline_mode = #tpu.pipeline_mode<synchronous>, transform_indices = @transform_5, window_bounds = array<i64: 16, 128>}, {pipeline_mode = #tpu.pipeline_mode<synchronous>, transform_indices = @transform_6, window_bounds = array<i64: 1, 128>}, {transform_indices = @transform_7, window_bounds = array<i64: 2000, 128>}]} {
    %get3A = arith.constant 0 : index
    %get3A_0 = arith.constant 0 : index
    %get3A_1 = vector.load %arg3[%get3A, %get3A_0] : memref<2000x16xf32, #tpu.memory_space<vmem>>, vector<2000x16xf32>
    %get3A_2 = arith.constant 0 : index
    %get3A_3 = arith.constant 0 : index
    %get3A_4 = vector.load %arg4[%get3A_2, %get3A_3] : memref<2000x16xf32, #tpu.memory_space<vmem>>, vector<2000x16xf32>
    %add3A = arith.addf %get3A_1, %get3A_4 : vector<2000x16xf32>
    %mul3A = arith.constant 2.000000e-01 : f32
    %mul3A_5 = vector.broadcast %mul3A : f32 to vector<2000x16xf32>
    %mul3A_6 = arith.mulf %add3A, %mul3A_5 : vector<2000x16xf32>
    %max3A = arith.maximumf %add3A, %mul3A_6 : vector<2000x16xf32>
    %exp3A = math.exp %max3A : vector<2000x16xf32>
    %get3A_7 = arith.constant 0 : index
    %get3A_8 = arith.constant 0 : index
    %get3A_9 = vector.load %arg6[%get3A_7, %get3A_8] : memref<16x128xf32, #tpu.memory_space<vmem>>, vector<16x128xf32>
    %get3A_10 = vector.shape_cast %get3A_9 : vector<16x128xf32> to vector<16x128xf32>
    %dot_general3A = arith.constant dense<0.000000e+00> : vector<2000x128xf32>
    %dot_general3A_11 = tpu.matmul %exp3A, %get3A_10, %dot_general3A {dimension_numbers = #tpu.dot_dimension_numbers<[1], [0], [0], [1], [0, 0, 1, 1], [], []>, transpose_lhs_hint = false} : vector<2000x16xf32>, vector<16x128xf32>, vector<2000x128xf32> -> vector<2000x128xf32>
    %get3A_12 = arith.constant 0 : index
    %get3A_13 = arith.constant 0 : index
    %get3A_14 = arith.constant 64 : index
    %get3A_15 = vector.load %arg5[%get3A_12, %get3A_13, %get3A_14] : memref<2x2000x80xf32, #tpu.memory_space<vmem>>, vector<1x2000x16xf32>
    %get3A_16 = vector.shape_cast %get3A_15 : vector<1x2000x16xf32> to vector<2000x16xf32>
    %add3A_17 = arith.addf %get3A_16, %exp3A : vector<2000x16xf32>
    %get3A_18 = arith.constant 0 : index
    %get3A_19 = arith.constant 0 : index
    %get3A_20 = vector.load %arg6[%get3A_18, %get3A_19] : memref<16x128xf32, #tpu.memory_space<vmem>>, vector<16x128xf32>
    %get3A_21 = vector.shape_cast %get3A_20 : vector<16x128xf32> to vector<16x128xf32>
    %dot_general3A_22 = arith.constant dense<0.000000e+00> : vector<2000x128xf32>
    %dot_general3A_23 = tpu.matmul %add3A_17, %get3A_21, %dot_general3A_22 {dimension_numbers = #tpu.dot_dimension_numbers<[1], [0], [0], [1], [0, 0, 1, 1], [], []>, transpose_lhs_hint = false} : vector<2000x16xf32>, vector<16x128xf32>, vector<2000x128xf32> -> vector<2000x128xf32>
    %get3A_24 = arith.constant 0 : index
    %get3A_25 = arith.constant 0 : index
    %get3A_26 = arith.constant 0 : index
    %get3A_27 = vector.load %arg5[%get3A_24, %get3A_25, %get3A_26] : memref<2x2000x80xf32, #tpu.memory_space<vmem>>, vector<1x2000x64xf32>
    %get3A_28 = vector.shape_cast %get3A_27 : vector<1x2000x64xf32> to vector<2000x64xf32>
    %get3A_29 = arith.constant 1 : index
    %get3A_30 = arith.constant 0 : index
    %get3A_31 = arith.constant 0 : index
    %get3A_32 = vector.load %arg5[%get3A_29, %get3A_30, %get3A_31] : memref<2x2000x80xf32, #tpu.memory_space<vmem>>, vector<1x2000x64xf32>
    %get3A_33 = vector.shape_cast %get3A_32 : vector<1x2000x64xf32> to vector<2000x64xf32>
    %concatenate3A = tpu.concatenate %get3A_28, %get3A_33 in 1 : vector<2000x64xf32>, vector<2000x64xf32> -> vector<2000x128xf32>
    %get3A_34 = arith.constant 0 : index
    %get3A_35 = arith.constant 0 : index
    %get3A_36 = vector.load %arg2[%get3A_34, %get3A_35] : memref<2000x128xf32, #tpu.memory_space<vmem>>, vector<2000x128xf32>
    %mul3A_37 = arith.mulf %get3A_36, %dot_general3A_11 : vector<2000x128xf32>
    %add3A_38 = arith.addf %concatenate3A, %mul3A_37 : vector<2000x128xf32>
    %div3A = arith.divf %add3A_38, %dot_general3A_23 : vector<2000x128xf32>
    %get3A_39 = arith.constant 0 : index
    %get3A_40 = arith.constant 0 : index
    %get3A_41 = vector.load %arg7[%get3A_39, %get3A_40] : memref<1x128xf32, #tpu.memory_space<vmem>>, vector<1x128xf32>
    %add3A_42 = vector.broadcast %get3A_41 : vector<1x128xf32> to vector<2000x128xf32>
    %add3A_43 = arith.addf %div3A, %add3A_42 : vector<2000x128xf32>
    %get3A_44 = arith.constant 0 : index
    %get3A_45 = arith.constant 0 : index
    %get3A_46 = vector.load %arg1[%get3A_44, %get3A_45] : memref<2000x128xf32, #tpu.memory_space<vmem>>, vector<2000x128xf32>
    %add3A_47 = arith.addf %add3A_43, %get3A_46 : vector<2000x128xf32>
    %swap3A = arith.constant 0 : index
    %swap3A_48 = arith.constant 0 : index
    %swap3A_49 = vector.load %arg8[%swap3A, %swap3A_48] : memref<2000x128xf32, #tpu.memory_space<vmem>>, vector<2000x128xf32>
    tpu.vector_store %arg8[%swap3A, %swap3A_48], %add3A_47 {strides = array<i32>} : memref<2000x128xf32, #tpu.memory_space<vmem>>, vector<2000x128xf32>,
    return
  }
  func.func @transform_0(%arg0: i32) -> (i32, i32) {
    %c0_i32 = arith.constant 0 : i32
    %c0_i32_0 = arith.constant 0 : i32
    return %arg0, %c0_i32 : i32, i32
  }
  func.func @transform_1(%arg0: i32) -> (i32, i32) {
    %c0_i32 = arith.constant 0 : i32
    %c0_i32_0 = arith.constant 0 : i32
    return %arg0, %c0_i32 : i32, i32
  }
  func.func @transform_2(%arg0: i32) -> (i32, i32) {
    %c0_i32 = arith.constant 0 : i32
    %c0_i32_0 = arith.constant 0 : i32
    return %arg0, %c0_i32 : i32, i32
  }
  func.func @transform_3(%arg0: i32) -> (i32, i32) {
    %c0_i32 = arith.constant 0 : i32
    %c0_i32_0 = arith.constant 0 : i32
    return %arg0, %c0_i32 : i32, i32
  }
  func.func @transform_4(%arg0: i32) -> (i32, i32, i32) {
    %c0_i32 = arith.constant 0 : i32
    %c0_i32_0 = arith.constant 0 : i32
    %c0_i32_1 = arith.constant 0 : i32
    return %c0_i32, %arg0, %c0_i32_0 : i32, i32, i32
  }
  func.func @transform_5(%arg0: i32) -> (i32, i32) {
    %c0_i32 = arith.constant 0 : i32
    %c0_i32_0 = arith.constant 0 : i32
    %c0_i32_1 = arith.constant 0 : i32
    return %c0_i32, %c0_i32_0 : i32, i32
  }
  func.func @transform_6(%arg0: i32) -> (i32, i32) {
    %c0_i32 = arith.constant 0 : i32
    %c0_i32_0 = arith.constant 0 : i32
    %c0_i32_1 = arith.constant 0 : i32
    return %c0_i32, %c0_i32_0 : i32, i32
  }
  func.func @transform_7(%arg0: i32) -> (i32, i32) {
    %c0_i32 = arith.constant 0 : i32
    %c0_i32_0 = arith.constant 0 : i32
    return %arg0, %c0_i32 : i32, i32
  }
}

</mosaic_0001>

<sc_bundles>
// kernel: kernel.5.cloned.1.call-start
scs
__scs_entry_jumppad:
0x0: {  	(pc) =	sbr.rel $0x88, $3  }
0x1: {  	(tag) =	ssettag $0x0;
	lr =	simm.s32 $0x1  }
0x2: {  	[smem:$0x3F9B] =	sst lr;
	_ =	strace $0xD0000000  }
0x3: {  	_ = 	snop  }
0x4: {  	_ = 	snop  }
0x5: {  	_ = 	snop  }
0x6: {  	_ = 	snop  }
0x7: {  	_ = 	snop  }
__scs_overlays_trampoline_lowered:
0x8: {  	[smem:$0x3FAA] =	sst s0  }
0x9: {  	[smem:$0x3FAB] =	sst s1  }
0xa: {  	[smem:$0x3FAC] =	sst s2  }
0xb: {  	[smem:$0x3FAD] =	sst s3  }
0xc: {  	[smem:$0x3FAE] =	sst s4  }
0xd: {  	[smem:$0x3FAF] =	sst s5  }
0xe: {  	[smem:$0x3FB0] =	sst s6  }
0xf: {  	[smem:$0x3FB1] =	sst s7  }
0x10: {  	[smem:$0x3FB2] =	sst s8  }
0x11: {  	[smem:$0x3FB3] =	sst s9;
	s0 =	simm.s32 @!p0 $0x0  }
0x12: {  	s1 =	sld [smem:$0x3F99];
	s0 =	simm.s32 @p0 $0x1  }
0x13: {  	[smem:$0x3FB4] =	sst s0;
	s0 =	simm.s32 @!p1 $0x0  }
0x14: {  	s2 =	sld [smem:$0x3F98];
	s0 =	simm.s32 @p1 $0x1  }
0x15: {  	[smem:$0x3FB5] =	sst s0;
	s0 =	simm.s32 @!p2 $0x0  }
0x16: {  	s3 =	sld [smem:$0x3FDB];
	s0 =	simm.s32 @p2 $0x1  }
0x17: {  	s4 =	simm.s32 $0x1BF5;
	[smem:$0x3FB7] =	sst s0  }
0x18: {  	s0 =	sld [smem:$0x3F9A];
	_ =	swait.ge [sflag:s4], $0x0  }
0x19: {  	s7 =	sld [smem:$0x3F9B]  }
0x1a: {  	s8 =	sadd.s32 $0xFFFFE003, lr  }
0x1b: {  	s9 =	sadd.s32 $0xFFFFFEF7, lr;
	s5 =	simm.s32 $0xFFFFFFFF;
	p2 =	slt.u32 s8, $0xFFFFF086  }
0x1c: {  	p1 =	slt.u32 s9, $0xF7A;
	s5 =	simm.s32 @!p2 $0x0  }
0x1d: {  	s5 =	simm.s32 @p1 $0x1;
	p0 =	seq.s32 s7, s2  }
0x1e: {  	s7 =	smul.u32 @!p0 $0xF7A, s2;
	p2 =	seq.s32 @!p0 s5, $0x0  }
0x1f: {  	s9 =	smul.u32 $0xF7A, s1;
	s8 =	simm.s32 @!p0 $0x1BF5;
	p2 =	por !p2, p0  }
0x20: {  	[sflag:s8] =	ssyncset.s32 @!p0 $0xFFFFF086;
	s6 =	sadd.s32 @!p0 s3, s7;
	s7 =	simm.s32 @!p0 $0x108  }
0x21: {  	s3 =	sadd.s32 s3, s9;
	s6 =	sadd.s32 @!p0 $0x88, s6;
	s7 =	simm.s32 @p2 $0x1082  }
0x22: {  	[simem:s7], [sflag:s8] =	dma.local @!p0 [hbm:s6], $0xF7A  }
0x23: {  	s9 =	sor.u32 $0xD0000000, s2;
	s6 =	simm.s32 $0x108;
	_ =	swait.ge @!p0 [sflag:s8], $0x0  }
0x24: {  	s3 =	sadd.s32 $0x88, s3;
	s6 =	simm.s32 @!p1 $0x1082;
	[sflag:s4] =	ssyncset.s32 $0xFFFFF086  }
0x25: {  	[simem:s6], [sflag:s4] =	dma.local [hbm:s3], $0xF7A  }
0x26: {  	[smem:$0x3F9B] =	sst s1;
	(tag) =	ssettag s2;
	_ =	strace s9  }
0x27: {  	s1 =	sld [smem:$0x3FAB]  }
0x28: {  	s2 =	sld [smem:$0x3FAC]  }
0x29: {  	s4 =	sld [smem:$0x3FAE]  }
0x2a: {  	p0 =	seq.s32 s5, $0x0;
	s5 =	sld [smem:$0x3FAF]  }
0x2b: {  	s6 =	sld [smem:$0x3FB0]  }
0x2c: {  	s7 =	sld [smem:$0x3FB1]  }
0x2d: {  	s3 =	simm.s32 $0x108;
	s8 =	sld [smem:$0x3FB2]  }
0x2e: {  	s3 =	simm.s32 @!p0 $0x1082;
	s9 =	sld [smem:$0x3FB3]  }
0x2f: {  	lr =	sadd.s32 s0, s3;
	s0 =	sld [smem:$0x3FAA]  }
0x30: {  	s3 =	sld [smem:$0x3FAD]  }
0x31: {  	[smem:$0x3FB6] =	sst s10  }
0x32: {  	s10 =	sld [smem:$0x3FB4];
	_ =	sdelay $0x3  }
0x33: {  	p0 =	seq.s32 s10, $0x1;
	s10 =	sld [smem:$0x3FB6];
	_ =	sdelay $0x3  }
0x34: {  	[smem:$0x3FB6] =	sst s10  }
0x35: {  	s10 =	sld [smem:$0x3FB5];
	_ =	sdelay $0x3  }
0x36: {  	p1 =	seq.s32 s10, $0x1;
	s10 =	sld [smem:$0x3FB6];
	_ =	sdelay $0x3  }
0x37: {  	[smem:$0x3FB6] =	sst s10  }
0x38: {  	s10 =	sld [smem:$0x3FB7]  }
0x39: {  	_ = 	snop;
	(pc) =	sbr.ind lr, $3  }
0x3a: {  	_ = 	snop  }
0x3b: {  	_ = 	snop  }
0x3c: {  	p2 =	seq.s32 s10, $0x1;
	s10 =	sld [smem:$0x3FB6]  }
0x3d: {  	_ =	shalt  }
0x3e: {  	_ =	shalt  }
0x3f: {  	_ =	shalt  }
0x40: {  	_ =	shalt  }
0x41: {  	_ =	shalt  }
0x42: {  	_ =	shalt  }
0x43: {  	_ =	shalt  }
0x44: {  	_ =	shalt  }
0x45: {  	_ =	shalt  }
0x46: {  	_ =	shalt  }
0x47: {  	_ =	shalt  }
0x48: {  	_ =	shalt  }
0x49: {  	_ =	shalt  }
0x4a: {  	_ =	shalt  }
0x4b: {  	_ =	shalt  }
0x4c: {  	_ =	shalt  }
0x4d: {  	_ =	shalt  }
0x4e: {  	_ =	shalt  }
0x4f: {  	_ =	shalt  }
0x50: {  	_ =	shalt  }
0x51: {  	_ =	shalt  }
0x52: {  	_ =	shalt  }
0x53: {  	_ =	shalt  }
0x54: {  	_ =	shalt  }
0x55: {  	_ =	shalt  }
0x56: {  	_ =	shalt  }
0x57: {  	_ =	shalt  }
0x58: {  	_ =	shalt  }
0x59: {  	_ =	shalt  }
0x5a: {  	_ =	shalt  }
0x5b: {  	_ =	shalt  }
0x5c: {  	_ =	shalt  }
0x5d: {  	_ =	shalt  }
0x5e: {  	_ =	shalt  }
0x5f: {  	_ =	shalt  }
0x60: {  	_ =	shalt  }
0x61: {  	_ =	shalt  }
0x62: {  	_ =	shalt  }
0x63: {  	_ =	shalt  }
0x64: {  	_ =	shalt  }
0x65: {  	_ =	shalt  }
0x66: {  	_ =	shalt  }
0x67: {  	_ =	shalt  }
0x68: {  	_ =	shalt  }
0x69: {  	_ =	shalt  }
0x6a: {  	_ =	shalt  }
0x6b: {  	_ =	shalt  }
0x6c: {  	_ =	shalt  }
0x6d: {  	_ =	shalt  }
0x6e: {  	_ =	shalt  }
0x6f: {  	_ =	shalt  }
0x70: {  	_ =	shalt  }
0x71: {  	_ =	shalt  }
0x72: {  	_ =	shalt  }
0x73: {  	_ =	shalt  }
0x74: {  	_ =	shalt  }
0x75: {  	_ =	shalt  }
0x76: {  	_ =	shalt  }
0x77: {  	_ =	shalt  }
0x78: {  	_ =	shalt  }
0x79: {  	_ =	shalt  }
0x7a: {  	_ =	shalt  }
0x7b: {  	_ =	shalt  }
0x7c: {  	_ =	shalt  }
0x7d: {  	_ =	shalt  }
0x7e: {  	_ =	shalt  }
0x7f: {  	_ =	shalt  }
0x80: {  	_ =	shalt  }
0x81: {  	_ =	shalt  }
0x82: {  	_ =	shalt  }
0x83: {  	_ =	shalt  }
0x84: {  	_ =	shalt  }
0x85: {  	_ =	shalt  }
0x86: {  	_ =	shalt  }
0x87: {  	_ =	shalt  }
.Lfunc_end0:
.L_simem_size_0:
called_computation_lowered:
.L_overlay_start_0:
0x88: {  	s2 =	sld [smem:$0x3FD9]  }
0x89: {  	s3 =	sld [smem:$0x3FFE];
	_ =	sdelay $0x1  }
0x8a: {  	s1 =	srdreg.scid  }
0x8b: {  	s0 =	sand.u32 $0x1, s1  }
0x8c: {  	s17 =	sshll.u32 s0, $0xA;
	s2 =	sadd.s32 s3, s2  }
0x8d: {  	s2 =	sadd.s32 s2, s17  }
0x8e: {  	[smem:$0x3FC2] =	sst s2  }
0x8f: {  	_ = 	snop  }
0x90: {  	s2 =	sld [smem:$0x3FD0];
	(tm) =	ssettm $0x1  }
0x91: {  	s18 =	sld [smem:$0x3FFB];
	_ =	sdelay $0x3  }
0x92: {  	_ =	strace s18  }
0x93: {  	s3 =	sld [smem:$0x3FFC];
	_ =	sdelay $0x3  }
0x94: {  	_ =	strace s3  }
0x95: {  	s3 =	sld [smem:$0x3FFD];
	_ =	sdelay $0x3  }
0x96: {  	_ =	strace s3  }
0x97: {  	_ =	strace $0x8FFFFFFF  }
0x98: {  	s19 =	sld [smem:$0x3FDB];
	_ =	sdelay $0x1  }
0x99: {  	s4 =	simm.s32 $_scs_section_size  }
0x9a: {  	s5 =	simm.s32 $_size__tile_overlayer_lowered;
	s6 =	simm.s32 $_tile_overlayer_lowered  }
0x9b: {  	s22 =	simm.s32 $0x1BFF;
	s21 =	sshll.u32 s6, $0x1;
	s3 =	sadd.s32 s4, s19  }
0x9c: {  	s7 =	simm.s32 $0x0;
	s20 =	sshll.u32 s5, $0x1;
	s5 =	sadd.s32 s21, s3  }
0x9d: {  	[timem:s7], [sflag:s22] =	dma.local [hbm:s5], s20  }
0x9e: {  	_ =	swait.ge [sflag:s22], s20  }
0x9f: {  	s4 =	ssub.s32 $0x0, s20;
	[sflag:s22] =	ssyncset.done $0x0  }
0xa0: {  	[sflag:s22] =	ssyncadd.s32 s4;
	_ =	sdelay $0x1  }
0xa1: {  	s23 =	simm.s32 $0x1B8B  }
0xa2: {  	_ =	swait.ge [sflag:s23], $0x1  }
0xa3: {  	[sflag:s23] =	ssyncset.done $0x0  }
0xa4: {  	s25 =	simm.s32 $0x1B8E;
	s24 =	sld [smem:$0x3FFE];
	[sflag:s23] =	ssyncadd.s32 $0xFFFFFFFF  }
0xa5: {  	s26 =	simm.s32 $execute0_lowered;
	[smem:$0x3FD2] =	sst s25  }
0xa6: {  	s5 =	sshll.u32 s26, $0x1;
	_ =	strace $0x80000046;
	[dreg:$0x1] =	wrdreg $0xFFFFFFFF  }
0xa7: {  	s28 =	simm.s32 $_size_execute0_lowered;
	s3 =	sadd.s32 s3, s5;
	[dreg:$0x0] =	wrdreg $0x0  }
0xa8: {  	s5 =	sshll.u32 s28, $0x1;
	[dreg:$0x2] =	wrdreg s3  }
0xa9: {  	[dreg:$0x3] =	wrdreg s5  }
0xaa: {  	[dreg:$0x4] =	wrdreg $0xC0  }
0xab: {  	_ =	task [dreg:s7], $0x5FFFF  }
0xac: {  	[dreg:$0x1] =	wrdreg $0xFFFFFFFF  }
0xad: {  	[dreg:$0x0] =	wrdreg $0x60  }
0xae: {  	[dreg:$0x2] =	wrdreg s24  }
0xaf: {  	[dreg:$0x3] =	wrdreg s2  }
0xb0: {  	[dreg:$0x4] =	wrdreg $0xD3800  }
0xb1: {  	[dreg:$0x5] =	wrdreg $0x9  }
0xb2: {  	_ =	task.clear_ibuf [dreg:s7], $0x6FFFF;
	_ =	strace $0x90000046  }
0xb3: {  	s29 =	simm.s32 $0x9;
	_ =	strace $0x80000048  }
0xb4: {  	_ =	swait.ge [sflag:s29], $0x1  }
0xb5: {  	[sflag:s29] =	ssyncadd.s32 $0xFFFFFFFF  }
0xb6: {  	_ =	strace $0x90000048  }
0xb7: {  	_ =	sfence  }
0xb8: {  	s30 =	sld [smem:$0x0];
	_ =	sdelay $0x2  }
0xb9: {  	s31 =	sshll.u32 s1, $0xD;
	s1 =	sshrl.u32 s1, $0x2  }
0xba: {  	s3 =	sand.u32 $0x4000, s31;
	s1 =	sadd.s32 s1, s30  }
0xbb: {  	s0 =	sor.u32 s3, s0;
	s1 =	sshll.u32 s1, $0x11  }
0xbc: {  	s0 =	sor.u32 s1, s0  }
0xbd: {  	s0 =	sadd.s32 $0x8F2B, s0  }
0xbe: {  	[sflag:s0] =	ssyncadd.remote.s32 $0x1  }
0xbf: {  	_ =	sfence.sel $0xFFFF  }
0xc0: {  	[dreg:$0x0] =	wrdreg $0xFFFFFFFF;
	(pc) =	sbr.abs _section_cstart, $3  }
0xc1: {  	[dreg:$0x1] =	wrdreg $0xFFFFFFFF  }
0xc2: {  	_ =	task.clear_ibuf [dreg:s7], $0x2FFFF;
	_ =	strace $0x9FFFFFFF  }
0xc3: {  	(tm) =	ssettm $0x7FFFFFFF  }
tec
execute0_lowered:
.L_overlay_start_1:
0x0: {  	(tag) =	ssettag $0x1  }
0x1: {  	s0 =	rddreg [dreg:$0x0];
	s2 =	srdreg.scid  }
0x2: {  	s1 =	rddreg [dreg:$0x1];
	s4 =	simm.s32 $0x0;
	s15 =	stileid.u32  }
0x3: {  	s28 =	simm.s32 $0x80;
	s29 =	simm.s32 $0x1;
	s30 =	simm.s32 $0x180  }
0x4: {  	s31 =	simm.s32 $0x980;
	s3 =	sand.u32 $0x1, s2;
	s2 =	rddreg [dreg:$0x2]  }
0x5: {  	[smem:$0x7FF] =	sst s4;
	s10 =	smul.u32 $0x30C00, s15;
	s5 =	sadd.s32 $0x31A00, s0  }
0x6: {  	s6 =	sadd.s32 $0x36A00, s0;
	s13 =	smul.u32 $0xC300, s15;
	s23 =	sshll.u32 s15, $0x4  }
0x7: {  	p0 =	sne.s32 s15, $0xF;
	s22 =	sor.u32 $0x20, s15;
	s7 =	smul.u32 $0xC3500, s3  }
0x8: {  	_ =	strace $0x80000047;
	s11 =	ssub.s32 $0x2, s3;
	s17 =	sshll.u32 s3, $0x2  }
0x9: {  	s21 =	sadd.s32 $0xC3000, s2;
	s19 =	sshllo.u32 s3, $0x2;
	s24 =	sadd.s32 s1, s23  }
0xa: {  	s3 =	sor.u32 $0x100, s23;
	s12 =	sshrl.u32 s11, $0x1;
	s10 =	sshrl.u32 s10, $0x2  }
0xb: {  	s20 =	sadd.s32 s13, s2;
	s18 =	sor.u32 $0x1, s17;
	[dreg:$0xc] =	wrdreg s24  }
0xc: {  	s24 =	sadd.s32 $0xFFFFF63C, s15;
	[dreg:$0xa] =	wrdreg s21;
	s8 =	sshrl.u32 s7, $0x3  }
0xd: {  	s11 =	ssub.s32 s11, s12;
	s10 =	sadd.s32 s10, s2;
	s7 =	sadd.s32 s13, s7  }
0xe: {  	s13 =	simm.s32 $0x7;
	[dreg:$0x4] =	wrdreg s20;
	s25 =	sadd.s32 $0x2080, s10  }
0xf: {  	v1 =	vmov s18;
	s18 =	simm.s32 $0x8B00;
	s26 =	sadd.s32 $0x4100, s10;
	[dreg:$0x5] =	wrdreg s25  }
0x10: {  	s9 =	sadd.s32 s8, s0;
	s14 =	sadd.s32 $0x6180, s10;
	[dreg:$0x6] =	wrdreg s26  }
0x11: {  	s0 =	sadd.s32 $0x40800, s0;
	s16 =	sadd.s32 $0x8200, s10;
	[dreg:$0x7] =	wrdreg s14  }
0x12: {  	s10 =	sadd.s32 $0xA280, s10;
	s7 =	sshrl.u32 s7, $0x3;
	[dreg:$0x8] =	wrdreg s16  }
0x13: {  	[dreg:$0x9] =	wrdreg s10;
	s14 =	sor.u32 $0x2, s17;
	s16 =	sadd.s32 s6, s23  }
0x14: {  	s7 =	sadd.s32 s0, s7;
	s0 =	sadd.s32 s0, s8;
	s25 =	sadd.s32 s6, s3  }
0x15: {  	s3 =	sadd.s32 s1, s3;
	s26 =	smax.u32 s11, $0x1;
	[dreg:$0xb] =	wrdreg s16  }
0x16: {  	s23 =	sor.u32 $0x30, s15;
	s8 =	simm.s32 $0x2;
	[dreg:$0xd] =	wrdreg s7  }
0x17: {  	v0 =	vmov s17;
	s15 =	simm.s32 $0x5;
	s17 =	simm.s32 $0x5A80;
	[dreg:$0xe] =	wrdreg s25  }
0x18: {  	s11 =	simm.s32 $0x0;
	s16 =	sadd.s32 $0xC00, s9;
	[dreg:$0xf] =	wrdreg s3  }
0x19: {  	s0 =	sadd.s32 $0x18600, s0;
	[dreg:$0x11] =	wrdreg s26;
	s3 =	simm.s32 $0x5A00  }
0x1a: {  	v4 =	vimm.f32 $0.0e+00;
	v3 =	vmov s19;
	s9 =	simm.s32 $0x4;
	v2 =	vmov s14;
	[dreg:$0x10] =	wrdreg s0;
	s0 =	simm.s32 $0x5980  }
.LBB2_1:
0x1b: {  	[dreg:$0x12] =	wrdreg s11;
	s10 =	simm.s32 $0x140;
	s7 =	simm.s32 $0x0  }
.LBB2_2:
0x1c: {  	p1 =	sne.s32 s10, $0x80C0;
	[tilespmem:s7+$0xB340] =	vst v4;
	s11 =	smov.u32 s10;
	s10 =	sadd.s32 $0x140, s10  }
.Ltmp0:
0x1d: {  	[tilespmem:s7+$0xB330] =	vst v4;
	(pc) =	sbr.rel @p1 .LBB2_2-.Ltmp0, $4  }
0x1e: {  	[tilespmem:s7+$0xB320] =	vst v4  }
0x1f: {  	[tilespmem:s7+$0xB300] =	vst v4  }
0x20: {  	[tilespmem:s7+$0xB310] =	vst v4  }
0x21: {  	s7 =	sshra.s32 s11, $0x2  }
0x22: {  	[tilespmem:s7+$0xB340] =	vst v4  }
0x23: {  	[tilespmem:s7+$0xB330] =	vst v4  }
0x24: {  	[tilespmem:s7+$0xB320] =	vst v4  }
0x25: {  	[tilespmem:s7+$0xB300] =	vst v4  }
0x26: {  	[tilespmem:s7+$0xB310] =	vst v4;
	s10 =	simm.s32 $0xB300  }
0x27: {  	[spmem:s20] =	stream.linear.scatter [tilespmem:s10], [sflag:$0x7], $0x2080, $0x38;
	[tilespmem:$0x196F8] =	vst v63  }
0x28: {  	_ =	swait.ge [sflag:s13], $0x2080  }
0x29: {  	[sflag:s13] =	ssyncset.done $0x0  }
0x2a: {  	s26 =	rddreg [dreg:$0x5];
	[sflag:s13] =	ssyncadd.s32 $0xFFFFDF80  }
0x2b: {  	[spmem:s26] =	stream.linear.scatter [tilespmem:s10], [sflag:$0x7], $0x2080, $0x38;
	[tilespmem:$0x196F8] =	vst v63  }
0x2c: {  	_ =	swait.ge [sflag:s13], $0x2080  }
0x2d: {  	[sflag:s13] =	ssyncset.done $0x0  }
0x2e: {  	s11 =	rddreg [dreg:$0x6];
	[sflag:s13] =	ssyncadd.s32 $0xFFFFDF80  }
0x2f: {  	[spmem:s11] =	stream.linear.scatter [tilespmem:s10], [sflag:$0x7], $0x2080, $0x38;
	[tilespmem:$0x196F8] =	vst v63  }
0x30: {  	_ =	swait.ge [sflag:s13], $0x2080  }
0x31: {  	[sflag:s13] =	ssyncset.done $0x0  }
0x32: {  	s12 =	rddreg [dreg:$0x7];
	[sflag:s13] =	ssyncadd.s32 $0xFFFFDF80  }
0x33: {  	[spmem:s12] =	stream.linear.scatter [tilespmem:s10], [sflag:$0x7], $0x2080, $0x38;
	[tilespmem:$0x196F8] =	vst v63  }
0x34: {  	_ =	swait.ge [sflag:s13], $0x2080  }
0x35: {  	[sflag:s13] =	ssyncset.done $0x0  }
0x36: {  	s14 =	rddreg [dreg:$0x8];
	[sflag:s13] =	ssyncadd.s32 $0xFFFFDF80  }
0x37: {  	[spmem:s14] =	stream.linear.scatter [tilespmem:s10], [sflag:$0x7], $0x2080, $0x38;
	[tilespmem:$0x196F8] =	vst v63  }
0x38: {  	_ =	swait.ge [sflag:s13], $0x2080  }
0x39: {  	[sflag:s13] =	ssyncset.done $0x0  }
0x3a: {  	s19 =	rddreg [dreg:$0x9];
	[sflag:s13] =	ssyncadd.s32 $0xFFFFDF80  }
0x3b: {  	[spmem:s19] =	stream.linear.scatter [tilespmem:s10], [sflag:$0x7], $0x2080, $0x38;
	[tilespmem:$0x196F8] =	vst v63  }
0x3c: {  	_ =	swait.ge [sflag:s13], $0x2080  }
0x3d: {  	[sflag:s13] =	ssyncset.done $0x0  }
0x3e: {  	s7 =	simm.s32 @!p0 $0xB300;
	[sflag:s13] =	ssyncadd.s32 $0xFFFFDF80  }
0x3f: {  	[spmem:s21] =	stream.linear.scatter @!p0 [tilespmem:s7], [sflag:$0x7], $0x780, $0x38;
	[tilespmem:$0x196F8] =	vst v63  }
0x40: {  	s7 =	simm.s32 @!p0 $0x7  }
0x41: {  	_ =	swait.ge @!p0 [sflag:s7], $0x780  }
0x42: {  	[sflag:s7] =	ssyncset.done @!p0 $0x0  }
0x43: {  	[sflag:s7] =	ssyncadd.s32 @!p0 $0xFFFFF880  }
0x44: {  	[bflag:$0x0] =	sbarrier.arrive $0xFFFF  }
0x45: {  	s19 =	simm.s32 $0x0;
	s20 =	rddreg [dreg:$0xb]  }
0x46: {  	[tilespmem:s19], [sflag:$0x1] =	stream.linear.gather [hbm4b:s20+s19], $0x80, $0x38;
	[tilespmem:$0x196F8] =	vst v63  }
0x47: {  	s21 =	rddreg [dreg:$0xc]  }
0x48: {  	[tilespmem:s28], [sflag:$0x1] =	stream.linear.gather [hbm4b:s21+s19], $0x80, $0x38;
	[tilespmem:$0x196F8] =	vst v63  }
0x49: {  	_ =	swait.ge [sflag:s29], $0x80  }
0x4a: {  	[sflag:s29] =	ssyncset.done $0x0  }
0x4b: {  	[sflag:s29] =	ssyncadd.s32 $0xFFFFFF80  }
0x4c: {  	_ =	swait.ge [sflag:s29], $0x80  }
0x4d: {  	[sflag:s29] =	ssyncset.done $0x0  }
0x4e: {  	[sflag:s29] =	ssyncadd.s32 $0xFFFFFF80  }
0x4f: {  	[tilespmem:s30], [sflag:$0x2] =	stream.indirect.gather [hbm4b:s5+s28], $0x10, s28, s28, $0xb8;
	[tilespmem:$0x196F8] =	vst v63  }
0x50: {  	_ = 	snop  }
0x51: {  	[tilespmem:s31], [sflag:$0x2] =	stream.indirect.gather [hbm4b:s16+s28], $0x50, s19, s28, $0xb8;
	[tilespmem:$0x196F8] =	vst v63  }
0x52: {  	s25 =	rddreg [dreg:$0xe]  }
0x53: {  	[tilespmem:s0], [sflag:$0x4] =	stream.linear.gather [hbm4b:s25+s19], $0x80, $0x38;
	[tilespmem:$0x196F8] =	vst v63  }
0x54: {  	s26 =	rddreg [dreg:$0xf]  }
0x55: {  	[tilespmem:s3], [sflag:$0x4] =	stream.linear.gather [hbm4b:s26+s19], $0x80, $0x38;
	[tilespmem:$0x196F8] =	vst v63  }
.LBB2_4:
0x56: {  	_ =	swait.ge [sflag:s8], $0x800  }
0x57: {  	[sflag:s8] =	ssyncset.done $0x0  }
0x58: {  	[sflag:s8] =	ssyncadd.s32 $0xFFFFF800  }
0x59: {  	_ =	swait.ge [sflag:s8], $0x2800  }
0x5a: {  	p1 =	seq.s32 s19, $0x0;
	[sflag:s8] =	ssyncset.done $0x0  }
0x5b: {  	s7 =	simm.s32 @!p1 $0x3;
	[sflag:s8] =	ssyncadd.s32 $0xFFFFD800  }
0x5c: {  	_ =	swait.ge @!p1 [sflag:s7], $0x2800  }
0x5d: {  	[sflag:s7] =	ssyncset.done @!p1 $0x0  }
0x5e: {  	[sflag:s7] =	ssyncadd.s32 @!p1 $0xFFFFD800  }
0x5f: {  	v5 =	vld [tilespmem:$0x80]  }
0x60: {  	v6 =	vld [tilespmem:$0x90]  }
0x61: {  	v7 =	vld [tilespmem:$0xA0]  }
0x62: {  	s20 =	sshll.u32 s19, $0x5;
	v8 =	vld [tilespmem:$0xB0]  }
0x63: {  	s7 =	sadd.s32 s20, s24;
	v11 =	vld [tilespmem:$0xC0]  }
0x64: {  	s10 =	sshrl.u32 s7, $0x1F  }
0x65: {  	v9 =	vmov s10  }
0x66: {  	v9 =	vxor.u32 $0x1, v9;
	v10 =	vand.u32 $0x7, v5;
	v5 =	vmul.u32 s10, v5  }
0x67: {  	v12 =	vand.u32 $0x7, v6;
	v6 =	vmul.u32 s10, v6;
	v13 =	vand.u32 $0x7, v7  }
0x68: {  	v7 =	vmul.u32 s10, v7;
	v15 =	vand.u32 $0x7, v8;
	v16 =	vand.u32 $0x7, v11  }
0x69: {  	v14 =	vld [tilespmem:$0xD0];
	v8 =	vmul.u32 s10, v8;
	v10 =	vor.u32 $0x2710, v10;
	v12 =	vor.u32 $0x2710, v12  }
0x6a: {  	v17 =	vld [tilespmem:$0xE0];
	v13 =	vor.u32 $0x2710, v13;
	v15 =	vor.u32 $0x2710, v15;
	v16 =	vor.u32 $0x2710, v16  }
0x6b: {  	v18 =	vld [tilespmem:$0xF0];
	v10 =	vmul.u32 v9, v10;
	v12 =	vmul.u32 v9, v12;
	v13 =	vmul.u32 v9, v13  }
0x6c: {  	v11 =	vmul.u32 s10, v11;
	v15 =	vmul.u32 v9, v15;
	v16 =	vmul.u32 v9, v16  }
0x6d: {  	v5 =	vadd.s32 v5, v10;
	v6 =	vadd.s32 v6, v12;
	v7 =	vadd.s32 v7, v13  }
0x6e: {  	v10 =	vand.u32 $0x7, v14;
	[tilespmem:$0x100] =	vst v5;
	v5 =	vadd.s32 v8, v15;
	v8 =	vadd.s32 v11, v16  }
0x6f: {  	[tilespmem:$0x110] =	vst v6;
	v6 =	vmul.u32 s10, v14;
	v10 =	vor.u32 $0x2710, v10;
	v11 =	vand.u32 $0x7, v17  }
0x70: {  	[tilespmem:$0x120] =	vst v7;
	v7 =	vmul.u32 v9, v10;
	v10 =	vor.u32 $0x2710, v11;
	v11 =	vand.u32 $0x7, v18  }
0x71: {  	[tilespmem:$0x130] =	vst v5;
	v5 =	vmul.u32 s10, v17;
	v10 =	vmul.u32 v9, v10;
	v11 =	vor.u32 $0x2710, v11  }
0x72: {  	s13 =	sadd.s32 s22, s20;
	[tilespmem:$0x140] =	vst v8;
	v6 =	vadd.s32 v6, v7;
	v7 =	vmul.u32 s10, v18;
	v8 =	vmul.u32 v9, v11  }
0x73: {  	p2 =	slt.u32 s13, $0x9C4;
	s10 =	sshll.u32 s13, $0x4;
	[tilespmem:$0x150] =	vst v6;
	v5 =	vadd.s32 v5, v10  }
0x74: {  	s10 =	simm.s32 @!p2 $0x0;
	[tilespmem:$0x160] =	vst v5;
	v5 =	vadd.s32 v7, v8  }
0x75: {  	s11 =	sadd.s32 s6, s10;
	[tilespmem:$0x170] =	vst v5  }
0x76: {  	[tilespmem:s4], [sflag:$0x1] =	stream.linear.gather [hbm4b:s11+s4], $0x80, $0x38;
	[tilespmem:$0x196F8] =	vst v63  }
0x77: {  	s10 =	sadd.s32 s1, s10  }
0x78: {  	[tilespmem:s28], [sflag:$0x1] =	stream.linear.gather [hbm4b:s10+s4], $0x80, $0x38;
	[tilespmem:$0x196F8] =	vst v63  }
0x79: {  	_ =	swait.ge [sflag:s9], $0x80  }
0x7a: {  	[sflag:s9] =	ssyncset.done $0x0  }
0x7b: {  	[sflag:s9] =	ssyncadd.s32 $0xFFFFFF80  }
0x7c: {  	_ =	swait.ge [sflag:s9], $0x80  }
0x7d: {  	[sflag:s9] =	ssyncset.done $0x0  }
0x7e: {  	s14 =	simm.s32 $0x5B00;
	[sflag:s9] =	ssyncadd.s32 $0xFFFFFF80  }
0x7f: {  	[tilespmem:s14], [sflag:$0x5] =	stream.indirect.gather [hbm4b:s5+s28], $0x10, s3, s28, $0xb8;
	[tilespmem:$0x196F8] =	vst v63  }
0x80: {  	s21 =	simm.s32 $0x6300;
	s12 =	simm.s32 $0xAC0  }
0x81: {  	[tilespmem:s21], [sflag:$0x5] =	stream.indirect.gather [hbm4b:s16+s28], $0x50, s0, s28, $0xb8;
	[tilespmem:$0x196F8] =	vst v63  }
0x82: {  	s25 =	simm.s32 $0x1C0;
	v5 =	vld [tilespmem:s12+$0x130]  }
0x83: {  	v6 =	vld [tilespmem:s25+$0x30];
	_ =	sdelay $0x1  }
0x84: {  	v7 =	vld [tilespmem:s25+$0xFFFFFFC0]  }
0x85: {  	v8 =	vld [tilespmem:s12+$0xFFFFFF50]  }
0x86: {  	v9 =	vld [tilespmem:s25+$0xFFFFFFD0]  }
0x87: {  	v10 =	vld [tilespmem:s12+$0xFFFFFFA0];
	v5 =	vadd.f32 v6, v5  }
0x88: {  	v11 =	vld [tilespmem:s25+$0xFFFFFFE0]  }
0x89: {  	v12 =	vld [tilespmem:s25+$0xFFFFFFF0];
	v13 =	vmul.f32 $2.000000030e-01, v5  }
0x8a: {  	v14 =	vld [tilespmem:s12+$0x40]  }
0x8b: {  	v6 =	vld [tilespmem:s12+$0xFFFFFFF0];
	v5 =	vmax.f32 v5, v13  }
0x8c: {  	v15 =	vld [tilespmem:s25+$0x0];
	v5 =	vmul.f32 $1.442695020e+00, v5  }
0x8d: {  	v16 =	vld [tilespmem:s12+$0xE0];
	v8 =	vadd.f32 v9, v8  }
0x8e: {  	v9 =	vld [tilespmem:s12+$0x90];
	v10 =	vadd.f32 v11, v10;
	(erf) = vpow2.f32 v5  }
0x8f: {  	v11 =	vld [tilespmem:s25+$0x10];
	v13 =	vmul.f32 $2.000000030e-01, v8  }
0x90: {  	v6 =	vadd.f32 v12, v6;
	v12 =	vld [tilespmem:s25+$0x20];
	v5 =	vmul.f32 $2.000000030e-01, v10  }
0x91: {  	v8 =	vmax.f32 v8, v13;
	v13 =	vld [tilespmem:s12+$0xFFFFFF00]  }
0x92: {  	v8 =	vmul.f32 $1.442695020e+00, v8;
	v5 =	vmax.f32 v10, v5  }
0x93: {  	v14 =	vadd.f32 v15, v14;
	v10 =	vmul.f32 $2.000000030e-01, v6;
	v5 =	vmul.f32 $1.442695020e+00, v5  }
0x94: {  	v9 =	vadd.f32 v11, v9;
	(erf) = vpow2.f32 v8  }
0x95: {  	v8 =	vadd.f32 v12, v16;
	v6 =	vmax.f32 v6, v10;
	v10 =	vmul.f32 $2.000000030e-01, v14  }
0x96: {  	v11 =	vmul.f32 $2.000000030e-01, v9;
	v7 =	vadd.f32 v7, v13;
	v6 =	vmul.f32 $1.442695020e+00, v6  }
0x97: {  	s13 =	simm.s32 $0x32C0;
	v12 =	vmul.f32 $2.000000030e-01, v8;
	(erf) = vpow2.f32 v5;
	v10 =	vmax.f32 v14, v10;
	v5 =	vpop (erf)  }
0x98: {  	v9 =	vmax.f32 v9, v11;
	v11 =	vmul.f32 $2.000000030e-01, v7;
	v10 =	vmul.f32 $1.442695020e+00, v10;
	[tilespmem:s13+$0x130] =	vst v5  }
0x99: {  	s26 =	simm.s32 $0x240;
	v8 =	vmax.f32 v8, v12;
	(erf) = vpow2.f32 v6;
	v6 =	vmul.f32 $1.442695020e+00, v9;
	v9 =	vld [tilespmem:s12+$0xF0]  }
0x9a: {  	v26 =	vld [tilespmem:s26+$0xFFFFFFC0];
	v7 =	vmax.f32 v7, v11;
	v8 =	vmul.f32 $1.442695020e+00, v8;
	(erf) = vpow2.f32 v10  }
0x9b: {  	v31 =	vld [tilespmem:s26+$0xFFFFFFD0];
	(erf) = vpow2.f32 v6;
	v6 =	vmul.f32 $1.442695020e+00, v7  }
0x9c: {  	v37 =	vld [tilespmem:s26+$0xFFFFFFE0];
	v7 =	vperm.xlane v5, v0;
	(erf) = vpow2.f32 v8  }
0x9d: {  	v42 =	vld [tilespmem:s26+$0xFFFFFFF0];
	s25 =	simm.s32 $0xD40;
	(erf) = vpow2.f32 v6  }
0x9e: {  	v29 =	vld [tilespmem:s25+$0xFFFFFF50];
	v6 =	vmul.f32 v9, v7  }
0x9f: {  	v34 =	vld [tilespmem:s25+$0xFFFFFFA0];
	v8 =	vpop (erf)  }
0xa0: {  	v40 =	vld [tilespmem:s25+$0xFFFFFFF0];
	[tilespmem:s13+$0xFFFFFF50] =	vst v8;
	v7 =	vpop (erf)  }
0xa1: {  	v9 =	vld [tilespmem:s12+$0xFFFFFF10];
	[tilespmem:s13+$0xFFFFFFA0] =	vst v7  }
0xa2: {  	v15 =	vperm.xlane v8, v0;
	[tilespmem:s13+$0xF0] =	vst v6;
	v11 =	vld [tilespmem:s12+$0xFFFFFF60];
	v6 =	vpop (erf)  }
0xa3: {  	v10 =	vld [tilespmem:s12+$0x100];
	[tilespmem:s13+$0xFFFFFFF0] =	vst v6;
	v13 =	vpop (erf)  }
0xa4: {  	v16 =	vld [tilespmem:s12+$0xFFFFFFB0];
	[tilespmem:s13+$0x40] =	vst v13;
	v14 =	vpop (erf)  }
0xa5: {  	v18 =	vperm.xlane v5, v1;
	v17 =	vld [tilespmem:s12+$0x0];
	[tilespmem:s13+$0x90] =	vst v14;
	v12 =	vpop (erf)  }
0xa6: {  	v19 =	vperm.xlane v7, v0;
	v9 =	vmul.f32 v9, v15;
	v20 =	vld [tilespmem:s12+$0x50];
	[tilespmem:s13+$0xE0] =	vst v12;
	v15 =	vpop (erf)  }
0xa7: {  	v21 =	vperm.xlane v6, v0;
	[tilespmem:s13+$0xFFFFFF00] =	vst v15;
	v22 =	vld [tilespmem:s12+$0xA0]  }
0xa8: {  	v11 =	vmul.f32 v11, v19;
	v10 =	vmul.f32 v10, v18;
	v19 =	vld [tilespmem:s12+$0xFFFFFEC0]  }
0xa9: {  	v61 =	vld [tilespmem:s26+$0x10];
	[tilespmem:s13+$0xFFFFFF10] =	vst v9;
	v9 =	vperm.xlane v14, v0;
	v18 =	vperm.xlane v13, v0  }
0xaa: {  	v29 =	vadd.f32 v31, v29;
	[tilespmem:s13+$0x100] =	vst v10;
	v10 =	vperm.xlane v12, v0;
	v16 =	vmul.f32 v16, v21;
	v21 =	vld [tilespmem:s12+$0xFFFFFF20]  }
0xab: {  	v31 =	vadd.f32 v37, v34;
	[tilespmem:s13+$0xFFFFFF60] =	vst v11;
	v11 =	vperm.xlane v15, v0;
	v17 =	vmul.f32 v17, v18;
	v18 =	vld [tilespmem:s12+$0x110]  }
0xac: {  	v62 =	vadd.f32 v42, v40;
	v9 =	vmul.f32 v20, v9;
	v20 =	vld [tilespmem:s12+$0xFFFFFF70];
	[tilespmem:s13+$0xFFFFFFB0] =	vst v16;
	v10 =	vmul.f32 v22, v10  }
0xad: {  	v44 =	vmul.f32 $2.000000030e-01, v29;
	v16 =	vld [tilespmem:s12+$0xFFFFFFC0];
	[tilespmem:s13+$0x0] =	vst v17;
	v11 =	vmul.f32 v19, v11  }
0xae: {  	v45 =	vmul.f32 $2.000000030e-01, v31;
	v48 =	vmul.f32 $2.000000030e-01, v62;
	[tilespmem:s13+$0xA0] =	vst v10;
	v10 =	vld [tilespmem:s25+$0x130]  }
0xaf: {  	v41 =	vperm.xlane v5, v2;
	v24 =	vperm.xlane v8, v1;
	[tilespmem:s13+$0xFFFFFEC0] =	vst v11;
	v11 =	vld [tilespmem:s26+$0x30]  }
0xb0: {  	v25 =	vperm.xlane v8, v2;
	v27 =	vperm.xlane v7, v1;
	v17 =	vld [tilespmem:s12+$0x10];
	[tilespmem:s13+$0x50] =	vst v9  }
0xb1: {  	v30 =	vperm.xlane v7, v2;
	v28 =	vperm.xlane v6, v1;
	v19 =	vld [tilespmem:s12+$0x60]  }
0xb2: {  	v32 =	vperm.xlane v13, v1;
	v21 =	vmul.f32 v21, v24;
	v24 =	vld [tilespmem:s25+$0x40]  }
0xb3: {  	v33 =	vperm.xlane v14, v1;
	v36 =	vperm.xlane v12, v1;
	v22 =	vld [tilespmem:s12+$0xB0]  }
0xb4: {  	v35 =	vperm.xlane v15, v1;
	v20 =	vmul.f32 v20, v27;
	v27 =	vld [tilespmem:s26+$0x0];
	v38 =	vadd.f32 v11, v10  }
0xb5: {  	v39 =	vperm.xlane v15, v2;
	v9 =	vperm.xlane v6, v2;
	v23 =	vld [tilespmem:s12+$0xFFFFFED0]  }
0xb6: {  	v46 =	vld [tilespmem:s26+$0x20];
	v18 =	vmul.f32 v18, v41;
	v43 =	vmul.f32 $2.000000030e-01, v38  }
0xb7: {  	v16 =	vmul.f32 v16, v28;
	v28 =	vld [tilespmem:s25+$0x90];
	v17 =	vmul.f32 v17, v32  }
0xb8: {  	v63 =	vld [tilespmem:s25+$0xE0];
	v19 =	vmul.f32 v19, v33;
	v10 =	vperm.xlane v13, v2;
	v38 =	vmax.f32 v38, v43  }
0xb9: {  	v47 =	vld [tilespmem:s25+$0xFFFFFF00];
	[tilespmem:s13+$0xFFFFFF20] =	vst v21;
	v22 =	vmul.f32 v22, v36;
	v24 =	vadd.f32 v27, v24;
	v38 =	vmul.f32 $1.442695020e+00, v38  }
0xba: {  	[tilespmem:s13+$0x110] =	vst v18;
	v18 =	vld [tilespmem:s12+$0xFFFFFF30];
	v23 =	vmul.f32 v23, v35;
	v27 =	vmax.f32 v29, v44;
	v29 =	vmax.f32 v31, v45  }
0xbb: {  	v31 =	vmax.f32 v62, v48;
	[tilespmem:s13+$0x60] =	vst v19;
	v19 =	vperm.xlane v8, v3;
	(erf) = vpow2.f32 v38  }
0xbc: {  	v27 =	vmul.f32 $1.442695020e+00, v27;
	v28 =	vadd.f32 v61, v28;
	v49 =	vmul.f32 $2.000000030e-01, v24;
	[tilespmem:s13+$0xFFFFFED0] =	vst v23  }
0xbd: {  	v23 =	vmul.f32 $1.442695020e+00, v29;
	v29 =	vmul.f32 $1.442695020e+00, v31;
	v31 =	vld [tilespmem:s12+$0xFFFFFEE0]  }
0xbe: {  	v26 =	vadd.f32 v26, v47;
	v21 =	vmul.f32 $2.000000030e-01, v28;
	(erf) = vpow2.f32 v27  }
0xbf: {  	v18 =	vmul.f32 v18, v25;
	v24 =	vmax.f32 v24, v49;
	v27 =	vadd.f32 v46, v63  }
0xc0: {  	[tilespmem:s13+$0xFFFFFF70] =	vst v20;
	v24 =	vmul.f32 $1.442695020e+00, v24;
	v20 =	vmax.f32 v28, v21;
	v28 =	vmul.f32 $2.000000030e-01, v26  }
0xc1: {  	[tilespmem:s13+$0xFFFFFFC0] =	vst v16;
	(erf) = vpow2.f32 v23;
	v23 =	vmul.f32 $2.000000030e-01, v27  }
0xc2: {  	v50 =	vld [tilespmem:s12+$0x120];
	[tilespmem:s13+$0x10] =	vst v17;
	v20 =	vmul.f32 $1.442695020e+00, v20;
	v16 =	vmul.f32 v31, v39  }
0xc3: {  	[tilespmem:s13+$0xB0] =	vst v22;
	v25 =	vld [tilespmem:s12+$0x70];
	v31 =	vperm.xlane v12, v2;
	(erf) = vpow2.f32 v29;
	v23 =	vmax.f32 v27, v23  }
0xc4: {  	s21 =	simm.s32 $0x3540;
	v29 =	vld [tilespmem:s12+$0xFFFFFF80];
	(erf) = vpow2.f32 v24;
	v24 =	vmax.f32 v26, v28;
	[tilespmem:s13+$0xFFFFFEE0] =	vst v16;
	v23 =	vmul.f32 $1.442695020e+00, v23;
	v21 =	vpop (erf)  }
0xc5: {  	(erf) = vpow2.f32 v20;
	v17 =	vmul.f32 $1.442695020e+00, v24;
	v22 =	vld [tilespmem:s12+$0xFFFFFEF0];
	[tilespmem:s21+$0x130] =	vst v21  }
0xc6: {  	v20 =	vperm.xlane v15, v3;
	(erf) = vpow2.f32 v23;
	v26 =	vld [tilespmem:s25+$0xF0]  }
0xc7: {  	v28 =	vld [tilespmem:s12+$0x20];
	v23 =	vperm.xlane v21, v0;
	(erf) = vpow2.f32 v17;
	v16 =	vpop (erf)  }
0xc8: {  	v27 =	vld [tilespmem:s12+$0xFFFFFFD0];
	v17 =	vperm.xlane v7, v3;
	v7 =	vperm.xlane v5, v3;
	[tilespmem:s21+$0xFFFFFF50] =	vst v16  }
0xc9: {  	v5 =	vperm.xlane v6, v3;
	v6 =	vperm.xlane v13, v3;
	v13 =	vld [tilespmem:s25+$0xFFFFFF10]  }
0xca: {  	s26 =	simm.s32 $0xFC0;
	v15 =	vld [tilespmem:s12+$0xC0];
	v20 =	vmul.f32 v22, v20;
	v32 =	vmul.f32 v50, v7  }
0xcb: {  	[tilespmem:s13+$0xFFFFFF30] =	vst v18;
	v22 =	vld [tilespmem:s26+$0xFFFFFF00];
	v7 =	vperm.xlane v12, v3;
	v8 =	vmul.f32 v26, v23;
	v26 =	vpop (erf)  }
0xcc: {  	v12 =	vmul.f32 v29, v30;
	v30 =	vperm.xlane v16, v0;
	v23 =	vld [tilespmem:s12+$0xFFFFFF40];
	[tilespmem:s21+$0xFFFFFFA0] =	vst v26  }
0xcd: {  	v11 =	vperm.xlane v14, v2;
	v33 =	vpop (erf);
	[tilespmem:s21+$0xF0] =	vst v8;
	v24 =	vld [tilespmem:s25+$0xFFFFFF60]  }
0xce: {  	v13 =	vmul.f32 v13, v30;
	v8 =	vperm.xlane v14, v3;
	[tilespmem:s21+$0xFFFFFFF0] =	vst v33;
	v29 =	vpop (erf);
	v14 =	vld [tilespmem:s25+$0x100]  }
0xcf: {  	v51 =	vld [tilespmem:s25+$0xFFFFFFB0];
	[tilespmem:s21+$0x40] =	vst v29  }
0xd0: {  	v36 =	vpop (erf);
	[tilespmem:s21+$0xFFFFFF10] =	vst v13;
	v52 =	vld [tilespmem:s25+$0x0]  }
0xd1: {  	v53 =	vperm.xlane v21, v1;
	v31 =	vmul.f32 v15, v31;
	[tilespmem:s21+$0x90] =	vst v36;
	v41 =	vpop (erf);
	v44 =	vld [tilespmem:s25+$0xFFFFFF20]  }
0xd2: {  	v34 =	vperm.xlane v16, v1;
	v54 =	vperm.xlane v26, v0;
	v30 =	vld [tilespmem:s25+$0x50];
	[tilespmem:s21+$0xE0] =	vst v41;
	v42 =	vpop (erf)  }
0xd3: {  	v55 =	vperm.xlane v33, v0;
	v57 =	vperm.xlane v29, v0;
	[tilespmem:s21+$0xFFFFFF00] =	vst v42;
	v56 =	vld [tilespmem:s25+$0xA0]  }
0xd4: {  	s11 =	simm.s32 $0x2C0;
	v13 =	vperm.xlane v36, v0;
	v50 =	vperm.xlane v42, v1;
	v58 =	vld [tilespmem:s25+$0xFFFFFEC0]  }
0xd5: {  	v15 =	vperm.xlane v42, v3;
	v35 =	vmul.f32 v51, v55;
	v55 =	vld [tilespmem:s11+$0x30]  }
0xd6: {  	v24 =	vmul.f32 v24, v54;
	v37 =	vmul.f32 v52, v57;
	v52 =	vld [tilespmem:s26+$0x130]  }
0xd7: {  	v14 =	vmul.f32 v14, v53;
	v34 =	vmul.f32 v44, v34;
	v44 =	vld [tilespmem:s11+$0xFFFFFFC0]  }
0xd8: {  	v53 =	vperm.xlane v42, v2;
	[tilespmem:s21+$0xFFFFFF60] =	vst v24;
	v24 =	vperm.xlane v42, v0;
	v42 =	vld [tilespmem:s26+$0xFFFFFFA0]  }
0xd9: {  	[tilespmem:s21+$0x100] =	vst v14;
	v13 =	vmul.f32 v30, v13;
	v30 =	vld [tilespmem:s25+$0xFFFFFF70]  }
0xda: {  	v25 =	vmul.f32 v25, v11;
	[tilespmem:s21+$0xFFFFFFB0] =	vst v35;
	v35 =	vld [tilespmem:s26+$0xFFFFFF50]  }
0xdb: {  	v28 =	vmul.f32 v28, v10;
	v27 =	vmul.f32 v27, v9;
	v59 =	vld [tilespmem:s25+$0x110]  }
0xdc: {  	v18 =	vperm.xlane v16, v2;
	v14 =	vperm.xlane v41, v0;
	v45 =	vld [tilespmem:s25+$0xFFFFFFC0];
	[tilespmem:s21+$0x0] =	vst v37  }
0xdd: {  	v60 =	vperm.xlane v26, v1;
	v46 =	vperm.xlane v33, v1;
	v62 =	vld [tilespmem:s25+$0x10]  }
0xde: {  	v38 =	vperm.xlane v33, v2;
	v14 =	vmul.f32 v56, v14;
	v56 =	vld [tilespmem:s11+$0xFFFFFFE0]  }
0xdf: {  	v11 =	vperm.xlane v33, v3;
	v61 =	vmul.f32 v58, v24;
	[tilespmem:s21+$0x50] =	vst v13;
	v58 =	vld [tilespmem:s11+$0x10]  }
0xe0: {  	v40 =	vperm.xlane v29, v2;
	v10 =	vperm.xlane v29, v3;
	v47 =	vld [tilespmem:s25+$0x60]  }
0xe1: {  	v48 =	vperm.xlane v36, v1;
	v39 =	vperm.xlane v36, v2;
	[tilespmem:s21+$0xFFFFFEC0] =	vst v61;
	v61 =	vld [tilespmem:s11+$0xFFFFFFF0]  }
0xe2: {  	v13 =	vperm.xlane v21, v2;
	[tilespmem:s21+$0xA0] =	vst v14;
	v14 =	vperm.xlane v29, v1;
	v29 =	vld [tilespmem:s11+$0x0]  }
0xe3: {  	v24 =	vperm.xlane v26, v2;
	v63 =	vld [tilespmem:s25+$0xB0];
	v30 =	vmul.f32 v30, v60  }
0xe4: {  	v49 =	vld [tilespmem:s25+$0xFFFFFED0];
	v13 =	vmul.f32 v59, v13;
	v43 =	vmul.f32 v62, v14  }
0xe5: {  	[tilespmem:s13+$0xFFFFFFD0] =	vst v27;
	v60 =	vld [tilespmem:s26+$0xFFFFFFF0];
	v14 =	vperm.xlane v16, v3;
	v16 =	vperm.xlane v26, v3;
	v26 =	vadd.f32 v55, v52  }
0xe6: {  	v9 =	vperm.xlane v36, v3;
	v45 =	vmul.f32 v45, v46;
	v46 =	vld [tilespmem:s11+$0xFFFFFFD0];
	[tilespmem:s21+$0xFFFFFF70] =	vst v30  }
0xe7: {  	v51 =	vperm.xlane v41, v1;
	[tilespmem:s21+$0x110] =	vst v13;
	v27 =	vld [tilespmem:s25+$0xFFFFFF80];
	v62 =	vmul.f32 $2.000000030e-01, v26  }
0xe8: {  	v19 =	vmul.f32 v23, v19;
	v21 =	vperm.xlane v21, v3;
	v56 =	vadd.f32 v56, v42;
	v54 =	vld [tilespmem:s25+$0x120]  }
0xe9: {  	[tilespmem:s13+$0xFFFFFF80] =	vst v12;
	v13 =	vperm.xlane v41, v2;
	v37 =	vmul.f32 v63, v51;
	v63 =	vld [tilespmem:s26+$0x40];
	v12 =	vmax.f32 v26, v62  }
0xea: {  	[tilespmem:s13+$0x70] =	vst v25;
	v47 =	vmul.f32 v47, v48;
	v59 =	vadd.f32 v61, v60;
	v60 =	vld [tilespmem:s26+$0xE0];
	v57 =	vmul.f32 $1.442695020e+00, v12  }
0xeb: {  	[tilespmem:s13+$0xFFFFFF40] =	vst v19;
	v42 =	vmul.f32 $2.000000030e-01, v56;
	v49 =	vmul.f32 v49, v50;
	v61 =	vld [tilespmem:s11+$0x20];
	v55 =	vadd.f32 v46, v35  }
0xec: {  	[tilespmem:s21+$0xFFFFFF20] =	vst v34;
	v26 =	vld [tilespmem:s26+$0x90];
	v12 =	vperm.xlane v41, v3;
	(erf) = vpow2.f32 v57  }
0xed: {  	[tilespmem:s21+$0x60] =	vst v47;
	v47 =	vld [tilespmem:s25+$0xFFFFFF30];
	v62 =	vmul.f32 $2.000000030e-01, v59;
	v30 =	vmul.f32 $2.000000030e-01, v55  }
0xee: {  	[tilespmem:s21+$0xFFFFFFC0] =	vst v45;
	v51 =	vadd.f32 v44, v22;
	v19 =	vmul.f32 v27, v24;
	v21 =	vmul.f32 v54, v21  }
0xef: {  	[tilespmem:s21+$0x10] =	vst v43;
	v43 =	vmax.f32 v59, v62;
	v29 =	vadd.f32 v29, v63;
	v23 =	vmax.f32 v55, v30  }
0xf0: {  	[tilespmem:s13+$0xC0] =	vst v31;
	v48 =	vld [tilespmem:s25+$0xFFFFFFD0];
	v30 =	vmax.f32 v56, v42;
	v33 =	vmul.f32 $1.442695020e+00, v43;
	v23 =	vmul.f32 $1.442695020e+00, v23  }
0xf1: {  	[tilespmem:s21+$0xFFFFFED0] =	vst v49;
	v63 =	vld [tilespmem:s12+$0xFFFFFF90];
	v30 =	vmul.f32 $1.442695020e+00, v30;
	v26 =	vadd.f32 v58, v26;
	v46 =	vmul.f32 $2.000000030e-01, v29  }
0xf2: {  	[tilespmem:s21+$0xB0] =	vst v37;
	v37 =	vld [tilespmem:s12+$0xD0];
	v34 =	vadd.f32 v61, v60;
	v18 =	vmul.f32 v47, v18;
	(erf) = vpow2.f32 v23  }
0xf3: {  	v24 =	vld [tilespmem:s12+$0x80];
	[tilespmem:s21+$0x120] =	vst v21;
	v21 =	vmul.f32 $2.000000030e-01, v26;
	v23 =	vmax.f32 v29, v46;
	(erf) = vpow2.f32 v30  }
0xf4: {  	v42 =	vld [tilespmem:s25+$0xFFFFFEE0];
	v22 =	vmul.f32 $1.442695020e+00, v23;
	v23 =	vmul.f32 $2.000000030e-01, v34  }
0xf5: {  	s10 =	simm.s32 $0x37C0;
	[tilespmem:s13+$0xFFFFFEF0] =	vst v20;
	v55 =	vld [tilespmem:s25+$0x20];
	v21 =	vmax.f32 v26, v21;
	(erf) = vpow2.f32 v33;
	v26 =	vmul.f32 $2.000000030e-01, v51;
	v25 =	vpop (erf)  }
0xf6: {  	v56 =	vld [tilespmem:s25+$0x70];
	v54 =	vmul.f32 v63, v17;
	v17 =	vmul.f32 $1.442695020e+00, v21;
	v21 =	vmax.f32 v34, v23;
	[tilespmem:s10+$0x130] =	vst v25  }
0xf7: {  	[tilespmem:s21+$0xFFFFFF80] =	vst v19;
	(erf) = vpow2.f32 v22;
	v20 =	vmax.f32 v51, v26;
	v21 =	vmul.f32 $1.442695020e+00, v21;
	v26 =	vld [tilespmem:s26+$0xF0]  }
0xf8: {  	v36 =	vld [tilespmem:s25+$0xFFFFFF90];
	[tilespmem:s21+$0xFFFFFF30] =	vst v18;
	(erf) = vpow2.f32 v17;
	v17 =	vmul.f32 $1.442695020e+00, v20  }
0xf9: {  	[tilespmem:s13+$0x120] =	vst v32;
	v32 =	vld [tilespmem:s25+$0xFFFFFF40];
	v23 =	vmul.f32 v42, v53;
	(erf) = vpow2.f32 v21  }
0xfa: {  	[tilespmem:s13+$0x20] =	vst v28;
	v29 =	vld [tilespmem:s25+$0xC0];
	v20 =	vperm.xlane v25, v0;
	(erf) = vpow2.f32 v17  }
0xfb: {  	v48 =	vmul.f32 v48, v38;
	v40 =	vmul.f32 v55, v40;
	v22 =	vld [tilespmem:s12+$0xFFFFFFE0];
	[tilespmem:s13+$0xFFFFFF90] =	vst v54  }
0xfc: {  	v38 =	vmul.f32 v56, v39;
	[tilespmem:s21+$0xFFFFFEE0] =	vst v23;
	v23 =	vld [tilespmem:s12+$0x30];
	v27 =	vpop (erf);
	v17 =	vmul.f32 v26, v20  }
0xfd: {  	v63 =	vperm.xlane v25, v1;
	v28 =	vld [tilespmem:s25+$0xFFFFFEF0];
	[tilespmem:s10+$0xFFFFFF50] =	vst v27;
	v21 =	vperm.xlane v27, v0  }
0xfe: {  	v49 =	vperm.xlane v27, v1;
	v18 =	vperm.xlane v27, v2;
	v30 =	vpop (erf);
	v60 =	vld [tilespmem:s26+$0xFFFFFF10];
	[tilespmem:s10+$0xF0] =	vst v17  }
0xff: {  	[tilespmem:s10+$0xFFFFFFA0] =	vst v30;
	v57 =	vperm.xlane v30, v1;
	v19 =	vperm.xlane v30, v2;
	v26 =	vpop (erf);
	v62 =	vld [tilespmem:s26+$0x100]  }
0x100: {  	v20 =	vperm.xlane v30, v0;
	v61 =	vld [tilespmem:s26+$0xFFFFFF60];
	v46 =	vperm.xlane v26, v0;
	[tilespmem:s10+$0xFFFFFFF0] =	vst v26;
	v31 =	vpop (erf)  }
0x101: {  	v42 =	vperm.xlane v26, v1;
	v17 =	vperm.xlane v26, v2;
	v47 =	vld [tilespmem:s26+$0xFFFFFFB0];
	[tilespmem:s10+$0x40] =	vst v31;
	v33 =	vpop (erf)  }
0x102: {  	v50 =	vperm.xlane v31, v0;
	v43 =	vperm.xlane v31, v1;
	v34 =	vld [tilespmem:s26+$0x0];
	[tilespmem:s10+$0x90] =	vst v33;
	v35 =	vpop (erf)  }
0x103: {  	v51 =	vperm.xlane v33, v0;
	v21 =	vmul.f32 v60, v21;
	v52 =	vld [tilespmem:s26+$0x50];
	[tilespmem:s10+$0xE0] =	vst v35;
	v41 =	vpop (erf)  }
0x104: {  	v44 =	vperm.xlane v33, v1;
	[tilespmem:s10+$0xFFFFFF00] =	vst v41;
	v59 =	vld [tilespmem:s26+$0xA0];
	v53 =	vmul.f32 v62, v63  }
0x105: {  	v20 =	vmul.f32 v61, v20;
	v54 =	vperm.xlane v35, v0;
	[tilespmem:s10+$0xFFFFFF10] =	vst v21;
	v60 =	vld [tilespmem:s26+$0xFFFFFEC0]  }
0x106: {  	v58 =	vperm.xlane v41, v0;
	v21 =	vmul.f32 v47, v46;
	v61 =	vld [tilespmem:s26+$0xFFFFFF20];
	[tilespmem:s10+$0x100] =	vst v53  }
0x107: {  	v45 =	vperm.xlane v41, v1;
	[tilespmem:s10+$0xFFFFFF60] =	vst v20;
	v46 =	vmul.f32 v34, v50;
	v53 =	vld [tilespmem:s26+$0x110]  }
0x108: {  	v47 =	vperm.xlane v35, v1;
	v62 =	vld [tilespmem:s26+$0xFFFFFF70];
	v52 =	vmul.f32 v52, v51;
	[tilespmem:s10+$0xFFFFFFB0] =	vst v21  }
0x109: {  	v20 =	vperm.xlane v33, v2;
	v50 =	vld [tilespmem:s26+$0xFFFFFFC0];
	[tilespmem:s10+$0x0] =	vst v46;
	v54 =	vmul.f32 v59, v54  }
0x10a: {  	v51 =	vld [tilespmem:s26+$0x10];
	[tilespmem:s10+$0x50] =	vst v52;
	v59 =	vperm.xlane v25, v2;
	v58 =	vmul.f32 v60, v58  }
0x10b: {  	v34 =	vperm.xlane v41, v2;
	v60 =	vmul.f32 v61, v49;
	v49 =	vld [tilespmem:s26+$0x60];
	[tilespmem:s10+$0xA0] =	vst v54  }
0x10c: {  	v46 =	vperm.xlane v35, v2;
	[tilespmem:s10+$0xFFFFFEC0] =	vst v58;
	v52 =	vld [tilespmem:s26+$0xB0];
	v54 =	vmul.f32 v53, v59  }
0x10d: {  	s14 =	simm.s32 $0x1240;
	s12 =	simm.s32 $0x10;
	v21 =	vperm.xlane v31, v2;
	v55 =	vmul.f32 v62, v57;
	[tilespmem:s10+$0xFFFFFF20] =	vst v60;
	v53 =	vld [tilespmem:s26+$0xFFFFFED0]  }
.LBB2_5:
0x10e: {  	v39 =	vld [tilespmem:s14+$0x130];
	v42 =	vmul.f32 v50, v42;
	[tilespmem:s10+$0x110] =	vst v54;
	v29 =	vmul.f32 v29, v13;
	v13 =	vmov v46  }
0x10f: {  	v41 =	vperm.xlane v41, v3;
	s11 =	sadd.s32 $0x80, s11;
	[tilespmem:s10+$0xFFFFFF70] =	vst v55;
	v43 =	vmul.f32 v51, v43;
	v46 =	vld [tilespmem:s26+$0x120]  }
0x110: {  	s12 =	sadd.s32 $0x8, s12;
	v27 =	vperm.xlane v27, v3;
	v50 =	vld [tilespmem:s11+$0x30];
	[tilespmem:s10+$0xFFFFFFC0] =	vst v42;
	v42 =	vmul.f32 v49, v44  }
0x111: {  	v30 =	vperm.xlane v30, v3;
	p2 =	slt.u32 s12, $0x78;
	v44 =	vld [tilespmem:s11+$0xFFFFFFC0];
	[tilespmem:s10+$0x10] =	vst v43;
	v43 =	vmul.f32 v52, v47  }
0x112: {  	v25 =	vperm.xlane v25, v3;
	v47 =	vld [tilespmem:s14+$0xFFFFFF50];
	v45 =	vmul.f32 v53, v45;
	[tilespmem:s10+$0x60] =	vst v42  }
0x113: {  	v26 =	vperm.xlane v26, v3;
	v31 =	vperm.xlane v31, v3;
	v42 =	vld [tilespmem:s11+$0xFFFFFFD0];
	[tilespmem:s10+$0xB0] =	vst v43  }
0x114: {  	v33 =	vperm.xlane v33, v3;
	v43 =	vld [tilespmem:s14+$0xFFFFFFA0];
	[tilespmem:s10+$0xFFFFFED0] =	vst v45;
	v25 =	vmul.f32 v46, v25  }
0x115: {  	v35 =	vperm.xlane v35, v3;
	v28 =	vmul.f32 v28, v15;
	v45 =	vld [tilespmem:s11+$0xFFFFFFE0];
	v39 =	vadd.f32 v50, v39;
	[tilespmem:s21+$0xFFFFFFD0] =	vst v48  }
0x116: {  	v15 =	vmovc v41;
	v46 =	vld [tilespmem:s14+$0xFFFFFFF0];
	[tilespmem:s10+$0x120] =	vst v25;
	v25 =	vmul.f32 v32, v14;
	v32 =	vmul.f32 v36, v16;
	v14 =	vmov v27  }
0x117: {  	v22 =	vmul.f32 v22, v5;
	v5 =	vmovc v11;
	v11 =	vmovc v26;
	v16 =	vmov v30;
	v27 =	vld [tilespmem:s11+$0xFFFFFFF0];
	v36 =	vmul.f32 $2.000000030e-01, v39;
	[tilespmem:s21+$0x20] =	vst v40  }
0x118: {  	v23 =	vmul.f32 v23, v6;
	v24 =	vmul.f32 v24, v8;
	v26 =	vadd.f32 v42, v47;
	v30 =	vld [tilespmem:s14+$0x40];
	[tilespmem:s21+$0x70] =	vst v38  }
0x119: {  	v6 =	vmovc v10;
	v10 =	vmov v31;
	v38 =	vld [tilespmem:s11+$0x0];
	v40 =	vmax.f32 v39, v36;
	[tilespmem:s21+$0xC0] =	vst v29;
	v29 =	vmul.f32 v37, v7  }
0x11a: {  	v8 =	vmovc v9;
	v9 =	vmovc v33;
	v31 =	vmul.f32 $2.000000030e-01, v26;
	v36 =	vadd.f32 v45, v43;
	v37 =	vld [tilespmem:s14+$0x90];
	v39 =	vmul.f32 $1.442695020e+00, v40;
	[tilespmem:s21+$0xFFFFFEF0] =	vst v28  }
0x11b: {  	v7 =	vmov v12;
	v12 =	vmov v35;
	v28 =	vld [tilespmem:s11+$0x10];
	[tilespmem:s21+$0xFFFFFF40] =	vst v25  }
0x11c: {  	v25 =	vmul.f32 $2.000000030e-01, v36;
	v27 =	vadd.f32 v27, v46;
	v33 =	vld [tilespmem:s14+$0xE0];
	(erf) = vpow2.f32 v39;
	[tilespmem:s21+$0xFFFFFF90] =	vst v32  }
0x11d: {  	v26 =	vmax.f32 v26, v31;
	v31 =	vld [tilespmem:s11+$0x20];
	[tilespmem:s13+$0xFFFFFFE0] =	vst v22  }
0x11e: {  	v22 =	vld [tilespmem:s14+$0xFFFFFF00];
	v25 =	vmax.f32 v36, v25;
	v32 =	vmul.f32 $2.000000030e-01, v27;
	v30 =	vadd.f32 v38, v30;
	[tilespmem:s13+$0x30] =	vst v23  }
0x11f: {  	v23 =	vmul.f32 $1.442695020e+00, v26;
	v25 =	vmul.f32 $1.442695020e+00, v25;
	v26 =	vld [tilespmem:s26+$0xFFFFFEE0];
	[tilespmem:s13+$0x80] =	vst v24  }
0x120: {  	v24 =	vmax.f32 v27, v32;
	v27 =	vmul.f32 $2.000000030e-01, v30;
	v28 =	vadd.f32 v28, v37;
	v32 =	vld [tilespmem:s26+$0xFFFFFF30];
	[tilespmem:s13+$0xD0] =	vst v29;
	s13 =	smov.u32 s21;
	s21 =	smov.u32 s10  }
0x121: {  	v24 =	vmul.f32 $1.442695020e+00, v24;
	(erf) = vpow2.f32 v23;
	v35 =	vld [tilespmem:s26+$0xFFFFFF80]  }
0x122: {  	v23 =	vmax.f32 v30, v27;
	v27 =	vmul.f32 $2.000000030e-01, v28;
	v30 =	vadd.f32 v31, v33;
	v40 =	vld [tilespmem:s26+$0xFFFFFFD0]  }
0x123: {  	v31 =	vadd.f32 v44, v22;
	v22 =	vmul.f32 $1.442695020e+00, v23;
	(erf) = vpow2.f32 v25;
	v39 =	vld [tilespmem:s26+$0x20]  }
0x124: {  	s10 =	sadd.s32 $0x280, s10;
	v23 =	vmax.f32 v28, v27;
	v27 =	vmul.f32 $2.000000030e-01, v30;
	(erf) = vpow2.f32 v24;
	v38 =	vld [tilespmem:s26+$0x70]  }
0x125: {  	v24 =	vmul.f32 $2.000000030e-01, v31;
	v23 =	vmul.f32 $1.442695020e+00, v23;
	v25 =	vpop (erf);
	v29 =	vld [tilespmem:s26+$0xC0]  }
0x126: {  	v26 =	vmul.f32 v26, v34;
	v27 =	vmax.f32 v30, v27;
	[tilespmem:s10+$0x130] =	vst v25;
	(erf) = vpow2.f32 v22;
	v22 =	vld [tilespmem:s25+$0xFFFFFFE0]  }
0x127: {  	v24 =	vmax.f32 v31, v24;
	v31 =	vmul.f32 $1.442695020e+00, v27;
	v30 =	vld [tilespmem:s14+$0xF0];
	(erf) = vpow2.f32 v23  }
0x128: {  	v18 =	vmul.f32 v32, v18;
	v24 =	vmul.f32 $1.442695020e+00, v24;
	[tilespmem:s21+$0xFFFFFEE0] =	vst v26;
	v23 =	vld [tilespmem:s25+$0x30]  }
0x129: {  	v19 =	vmul.f32 v35, v19;
	(erf) = vpow2.f32 v31;
	v28 =	vld [tilespmem:s26+$0xFFFFFEF0]  }
0x12a: {  	v33 =	vperm.xlane v25, v0;
	(erf) = vpow2.f32 v24;
	v27 =	vpop (erf);
	[tilespmem:s21+$0xFFFFFF30] =	vst v18;
	v24 =	vld [tilespmem:s25+$0x80]  }
0x12b: {  	[tilespmem:s10+$0xFFFFFF50] =	vst v27;
	v34 =	vperm.xlane v27, v0;
	v48 =	vperm.xlane v27, v1;
	v32 =	vld [tilespmem:s26+$0xFFFFFF40]  }
0x12c: {  	v18 =	vperm.xlane v27, v2;
	v35 =	vld [tilespmem:s14+$0xFFFFFF10];
	v33 =	vmul.f32 v30, v33;
	v30 =	vpop (erf);
	[tilespmem:s21+$0xFFFFFF80] =	vst v19  }
0x12d: {  	[tilespmem:s10+$0xFFFFFFA0] =	vst v30;
	v37 =	vperm.xlane v30, v0;
	v55 =	vperm.xlane v30, v1;
	v26 =	vpop (erf);
	v36 =	vld [tilespmem:s26+$0xFFFFFF90]  }
0x12e: {  	v41 =	vld [tilespmem:s14+$0xFFFFFF60];
	v46 =	vperm.xlane v26, v0;
	v42 =	vperm.xlane v26, v1;
	[tilespmem:s10+$0xF0] =	vst v33  }
0x12f: {  	v19 =	vperm.xlane v30, v2;
	v52 =	vperm.xlane v26, v2;
	[tilespmem:s10+$0xFFFFFFF0] =	vst v26;
	v45 =	vld [tilespmem:s14+$0x100];
	v31 =	vpop (erf)  }
0x130: {  	v47 =	vld [tilespmem:s14+$0xFFFFFFB0];
	[tilespmem:s10+$0x40] =	vst v31;
	v49 =	vperm.xlane v31, v0;
	v43 =	vperm.xlane v31, v1;
	v33 =	vpop (erf)  }
0x131: {  	v34 =	vmul.f32 v35, v34;
	v50 =	vld [tilespmem:s14+$0x0];
	[tilespmem:s10+$0x90] =	vst v33;
	v51 =	vperm.xlane v33, v0  }
0x132: {  	v54 =	vperm.xlane v25, v1;
	v44 =	vperm.xlane v33, v1;
	v53 =	vld [tilespmem:s14+$0x50];
	v35 =	vpop (erf)  }
0x133: {  	v56 =	vmul.f32 v41, v37;
	[tilespmem:s10+$0xE0] =	vst v35;
	v57 =	vperm.xlane v35, v0;
	v41 =	vpop (erf);
	v37 =	vld [tilespmem:s25+$0xD0];
	s25 =	smov.u32 s26;
	s26 =	smov.u32 s14  }
0x134: {  	[tilespmem:s10+$0xFFFFFF00] =	vst v41;
	v58 =	vperm.xlane v41, v0;
	v59 =	vld [tilespmem:s14+$0xA0];
	v54 =	vmul.f32 v45, v54  }
0x135: {  	v45 =	vperm.xlane v41, v1;
	v60 =	vld [tilespmem:s14+$0xFFFFFEC0];
	[tilespmem:s10+$0xFFFFFF10] =	vst v34;
	v46 =	vmul.f32 v47, v46  }
0x136: {  	v47 =	vperm.xlane v35, v1;
	v61 =	vld [tilespmem:s14+$0xFFFFFF20];
	v49 =	vmul.f32 v50, v49;
	[tilespmem:s10+$0x100] =	vst v54  }
0x137: {  	v34 =	vperm.xlane v41, v2;
	[tilespmem:s10+$0xFFFFFF60] =	vst v56;
	v53 =	vmul.f32 v53, v51;
	v54 =	vld [tilespmem:s14+$0x110]  }
0x138: {  	v62 =	vperm.xlane v31, v2;
	v63 =	vperm.xlane v33, v2;
	v56 =	vld [tilespmem:s14+$0xFFFFFF70];
	[tilespmem:s10+$0xFFFFFFB0] =	vst v46  }
.Ltmp1:
0x139: {  	v46 =	vperm.xlane v35, v2;
	v50 =	vld [tilespmem:s14+$0xFFFFFFC0];
	[tilespmem:s10+$0x0] =	vst v49;
	v57 =	vmul.f32 v59, v57;
	(pc) =	sbr.rel @p2 .LBB2_5-.Ltmp1, $4  }
0x13a: {  	v58 =	vmul.f32 v60, v58;
	v51 =	vld [tilespmem:s14+$0x10];
	[tilespmem:s10+$0x50] =	vst v53;
	v53 =	vperm.xlane v25, v2  }
0x13b: {  	v59 =	vmul.f32 v61, v48;
	v49 =	vld [tilespmem:s14+$0x60];
	[tilespmem:s10+$0xA0] =	vst v57;
	v48 =	vmul.f32 v40, v17;
	v17 =	vmov v52  }
0x13c: {  	v40 =	vmul.f32 v39, v21;
	v21 =	vmov v62;
	[tilespmem:s10+$0xFFFFFEC0] =	vst v58;
	v52 =	vld [tilespmem:s14+$0xB0];
	v54 =	vmul.f32 v54, v53  }
0x13d: {  	v38 =	vmul.f32 v38, v20;
	v20 =	vmov v63;
	s14 =	sadd.s32 $0x280, s14;
	v53 =	vld [tilespmem:s26+$0xFFFFFED0];
	[tilespmem:s10+$0xFFFFFF20] =	vst v59;
	v55 =	vmul.f32 v56, v55  }
0x13e: {  	[tilespmem:s10+$0x110] =	vst v54  }
0x13f: {  	[tilespmem:s21+$0xFFFFFFD0] =	vst v48  }
0x140: {  	[tilespmem:s21+$0x20] =	vst v40  }
0x141: {  	v39 =	vmul.f32 v50, v42;
	[tilespmem:s10+$0xFFFFFF70] =	vst v55  }
0x142: {  	v13 =	vmul.f32 v29, v13;
	[tilespmem:s21+$0x70] =	vst v38  }
0x143: {  	v15 =	vmul.f32 v28, v15;
	[tilespmem:s10+$0xFFFFFFC0] =	vst v39  }
0x144: {  	v14 =	vmul.f32 v32, v14;
	[tilespmem:s21+$0xC0] =	vst v13  }
0x145: {  	v16 =	vmul.f32 v36, v16;
	[tilespmem:s21+$0xFFFFFEF0] =	vst v15  }
0x146: {  	[tilespmem:s21+$0xFFFFFF40] =	vst v14;
	v63 =	vmul.f32 v53, v45  }
0x147: {  	v5 =	vmul.f32 v22, v5;
	[tilespmem:s21+$0xFFFFFF90] =	vst v16  }
0x148: {  	v6 =	vmul.f32 v23, v6;
	v15 =	vld [tilespmem:s26+$0xFFFFFF30];
	[tilespmem:s10+$0xFFFFFED0] =	vst v63  }
0x149: {  	v8 =	vmul.f32 v24, v8;
	[tilespmem:s13+$0xFFFFFFE0] =	vst v5;
	v13 =	vld [tilespmem:s26+$0xFFFFFEE0]  }
0x14a: {  	v59 =	vmul.f32 v51, v43;
	[tilespmem:s13+$0x30] =	vst v6  }
0x14b: {  	v61 =	vmul.f32 v49, v44;
	v14 =	vld [tilespmem:s26+$0xFFFFFF80];
	[tilespmem:s13+$0x80] =	vst v8  }
0x14c: {  	v60 =	vld [tilespmem:s26+$0x120];
	[tilespmem:s10+$0x10] =	vst v59;
	v62 =	vmul.f32 v52, v47  }
0x14d: {  	v5 =	vld [tilespmem:s26+$0xFFFFFFD0];
	[tilespmem:s10+$0x60] =	vst v61;
	v15 =	vmul.f32 v15, v18  }
0x14e: {  	v6 =	vld [tilespmem:s26+$0x20];
	[tilespmem:s10+$0xB0] =	vst v62;
	v13 =	vmul.f32 v13, v34  }
0x14f: {  	v25 =	vperm.xlane v25, v3;
	v7 =	vmul.f32 v37, v7;
	v8 =	vld [tilespmem:s26+$0x70];
	[tilespmem:s10+$0xFFFFFF30] =	vst v15  }
0x150: {  	v16 =	vld [tilespmem:s26+$0xC0];
	[tilespmem:s10+$0xFFFFFEE0] =	vst v13;
	v13 =	vmul.f32 v14, v19  }
0x151: {  	[tilespmem:s13+$0xD0] =	vst v7;
	v25 =	vmul.f32 v60, v25;
	v15 =	vld [tilespmem:s26+$0xFFFFFF40]  }
0x152: {  	v18 =	vld [tilespmem:s25+$0x30];
	v5 =	vmul.f32 v5, v17;
	[tilespmem:s10+$0xFFFFFF80] =	vst v13  }
0x153: {  	[tilespmem:s10+$0x120] =	vst v25;
	v6 =	vmul.f32 v6, v21;
	v7 =	vld [tilespmem:s26+$0xFFFFFF90]  }
0x154: {  	v17 =	vld [tilespmem:s25+$0xFFFFFFE0];
	v8 =	vmul.f32 v8, v20;
	[tilespmem:s10+$0xFFFFFFD0] =	vst v5;
	v5 =	vperm.xlane v27, v3  }
0x155: {  	v16 =	vmul.f32 v16, v46;
	[tilespmem:s10+$0x20] =	vst v6;
	v14 =	vld [tilespmem:s26+$0xFFFFFEF0]  }
0x156: {  	v6 =	vperm.xlane v30, v3;
	[tilespmem:s10+$0x70] =	vst v8;
	v8 =	vld [tilespmem:s25+$0xD0];
	v5 =	vmul.f32 v15, v5  }
0x157: {  	v10 =	vmul.f32 v18, v10;
	[tilespmem:s10+$0xC0] =	vst v16;
	v19 =	vld [tilespmem:s25+$0x80]  }
0x158: {  	v13 =	vperm.xlane v41, v3;
	[tilespmem:s10+$0xFFFFFF40] =	vst v5;
	v5 =	vld [tilespmem:s26+$0x30];
	v6 =	vmul.f32 v7, v6  }
0x159: {  	v11 =	vmul.f32 v17, v11;
	[tilespmem:s21+$0x30] =	vst v10;
	v7 =	vld [tilespmem:s26+$0xFFFFFFE0]  }
0x15a: {  	v13 =	vmul.f32 v14, v13;
	[tilespmem:s10+$0xFFFFFF90] =	vst v6;
	v6 =	vld [tilespmem:s26+$0x80]  }
0x15b: {  	[tilespmem:s21+$0xFFFFFFE0] =	vst v11;
	v11 =	vld [tilespmem:s26+$0xD0];
	v8 =	vmul.f32 v8, v12;
	v14 =	vperm.xlane v31, v3  }
0x15c: {  	v9 =	vmul.f32 v19, v9;
	[tilespmem:s10+$0xFFFFFEF0] =	vst v13;
	v13 =	vperm.xlane v26, v3  }
0x15d: {  	v10 =	vperm.xlane v33, v3;
	[tilespmem:s21+$0xD0] =	vst v8;
	v5 =	vmul.f32 v5, v14  }
0x15e: {  	[tilespmem:s21+$0x80] =	vst v9;
	v9 =	vperm.xlane v35, v3;
	v7 =	vmul.f32 v7, v13  }
0x15f: {  	[tilespmem:s10+$0x30] =	vst v5;
	v6 =	vmul.f32 v6, v10  }
0x160: {  	[tilespmem:s10+$0xFFFFFFE0] =	vst v7;
	v7 =	vmul.f32 v11, v9  }
0x161: {  	[tilespmem:s10+$0x80] =	vst v6  }
0x162: {  	s14 =	simm.s32 $0x100;
	s11 =	simm.s32 $0x3180;
	[tilespmem:s10+$0xD0] =	vst v7  }
0x163: {  	[spmem:s2] =	stream.indirect.scatter.add.f32 [tilespmem:s11], [sflag:$0x3], $0x50, s14, s28, $0xb8;
	[tilespmem:$0x196F8] =	vst v63  }
0x164: {  	_ =	swait.ge [sflag:s15], $0x800  }
0x165: {  	[sflag:s15] =	ssyncset.done $0x0  }
0x166: {  	[sflag:s15] =	ssyncadd.s32 $0xFFFFF800  }
0x167: {  	_ =	swait.ge [sflag:s15], $0x2800  }
0x168: {  	[sflag:s15] =	ssyncset.done $0x0  }
0x169: {  	s10 =	simm.s32 @!p1 $0x6;
	[sflag:s15] =	ssyncadd.s32 $0xFFFFD800  }
0x16a: {  	_ =	swait.ge @!p1 [sflag:s10], $0x2800  }
0x16b: {  	[sflag:s10] =	ssyncset.done @!p1 $0x0  }
0x16c: {  	[sflag:s10] =	ssyncadd.s32 @!p1 $0xFFFFD800  }
0x16d: {  	v5 =	vld [tilespmem:$0x5A00]  }
0x16e: {  	v6 =	vld [tilespmem:$0x5A10]  }
0x16f: {  	v7 =	vld [tilespmem:$0x5A20]  }
0x170: {  	v8 =	vld [tilespmem:$0x5A30]  }
0x171: {  	s7 =	sadd.s32 $0x10, s7;
	v11 =	vld [tilespmem:$0x5A40]  }
0x172: {  	s7 =	sshrl.u32 s7, $0x1F  }
0x173: {  	v9 =	vmov s7  }
0x174: {  	v9 =	vxor.u32 $0x1, v9;
	v10 =	vand.u32 $0x7, v5;
	v5 =	vmul.u32 s7, v5  }
0x175: {  	v12 =	vand.u32 $0x7, v6;
	v6 =	vmul.u32 s7, v6;
	v13 =	vand.u32 $0x7, v7  }
0x176: {  	v7 =	vmul.u32 s7, v7;
	v15 =	vand.u32 $0x7, v8;
	v16 =	vand.u32 $0x7, v11  }
0x177: {  	v14 =	vld [tilespmem:$0x5A50];
	v8 =	vmul.u32 s7, v8;
	v10 =	vor.u32 $0x2710, v10;
	v12 =	vor.u32 $0x2710, v12  }
0x178: {  	v17 =	vld [tilespmem:$0x5A60];
	v13 =	vor.u32 $0x2710, v13;
	v15 =	vor.u32 $0x2710, v15;
	v16 =	vor.u32 $0x2710, v16  }
0x179: {  	v18 =	vld [tilespmem:$0x5A70];
	v10 =	vmul.u32 v9, v10;
	v12 =	vmul.u32 v9, v12;
	v13 =	vmul.u32 v9, v13  }
0x17a: {  	v11 =	vmul.u32 s7, v11;
	v15 =	vmul.u32 v9, v15;
	v16 =	vmul.u32 v9, v16  }
0x17b: {  	v5 =	vadd.s32 v5, v10;
	v6 =	vadd.s32 v6, v12;
	v7 =	vadd.s32 v7, v13  }
0x17c: {  	v10 =	vand.u32 $0x7, v14;
	[tilespmem:$0x5A80] =	vst v5;
	v5 =	vadd.s32 v8, v15;
	v8 =	vadd.s32 v11, v16  }
0x17d: {  	[tilespmem:$0x5A90] =	vst v6;
	v6 =	vmul.u32 s7, v14;
	v10 =	vor.u32 $0x2710, v10;
	v11 =	vand.u32 $0x7, v17  }
0x17e: {  	[tilespmem:$0x5AA0] =	vst v7;
	v7 =	vmul.u32 v9, v10;
	v10 =	vor.u32 $0x2710, v11;
	v11 =	vand.u32 $0x7, v18  }
0x17f: {  	[tilespmem:$0x5AB0] =	vst v5;
	v5 =	vmul.u32 s7, v17;
	v10 =	vmul.u32 v9, v10;
	v11 =	vor.u32 $0x2710, v11  }
0x180: {  	s20 =	sadd.s32 s23, s20;
	[tilespmem:$0x5AC0] =	vst v8;
	v6 =	vadd.s32 v6, v7;
	v7 =	vmul.u32 s7, v18;
	v8 =	vmul.u32 v9, v11  }
0x181: {  	p1 =	slt.u32 s20, $0x9C4;
	s7 =	sshll.u32 s20, $0x4;
	[tilespmem:$0x5AD0] =	vst v6;
	v5 =	vadd.s32 v5, v10  }
0x182: {  	s7 =	simm.s32 @!p1 $0x0;
	[tilespmem:$0x5AE0] =	vst v5;
	v5 =	vadd.s32 v7, v8  }
0x183: {  	s21 =	sadd.s32 s6, s7;
	[tilespmem:$0x5AF0] =	vst v5  }
0x184: {  	[tilespmem:s0], [sflag:$0x4] =	stream.linear.gather [hbm4b:s21+s4], $0x80, $0x38;
	[tilespmem:$0x196F8] =	vst v63  }
0x185: {  	s7 =	sadd.s32 s1, s7  }
0x186: {  	[tilespmem:s3], [sflag:$0x4] =	stream.linear.gather [hbm4b:s7+s4], $0x80, $0x38;
	[tilespmem:$0x196F8] =	vst v63  }
0x187: {  	_ =	swait.ge [sflag:s29], $0x80  }
0x188: {  	[sflag:s29] =	ssyncset.done $0x0  }
0x189: {  	[sflag:s29] =	ssyncadd.s32 $0xFFFFFF80  }
0x18a: {  	_ =	swait.ge [sflag:s29], $0x80  }
0x18b: {  	[sflag:s29] =	ssyncset.done $0x0  }
0x18c: {  	[sflag:s29] =	ssyncadd.s32 $0xFFFFFF80  }
0x18d: {  	[tilespmem:s30], [sflag:$0x2] =	stream.indirect.gather [hbm4b:s5+s28], $0x10, s28, s28, $0xb8;
	[tilespmem:$0x196F8] =	vst v63  }
0x18e: {  	s12 =	simm.s32 $0x6440  }
0x18f: {  	[tilespmem:s31], [sflag:$0x2] =	stream.indirect.gather [hbm4b:s16+s28], $0x50, s4, s28, $0xb8;
	[tilespmem:$0x196F8] =	vst v63  }
0x190: {  	s25 =	simm.s32 $0x5B40;
	v5 =	vld [tilespmem:s12+$0x130]  }
0x191: {  	v6 =	vld [tilespmem:s25+$0x30];
	_ =	sdelay $0x1  }
0x192: {  	v7 =	vld [tilespmem:s25+$0xFFFFFFC0]  }
0x193: {  	v8 =	vld [tilespmem:s12+$0xFFFFFF50]  }
0x194: {  	v9 =	vld [tilespmem:s25+$0xFFFFFFD0]  }
0x195: {  	v10 =	vld [tilespmem:s12+$0xFFFFFFA0];
	v5 =	vadd.f32 v6, v5  }
0x196: {  	v11 =	vld [tilespmem:s25+$0xFFFFFFE0]  }
0x197: {  	v12 =	vld [tilespmem:s25+$0xFFFFFFF0];
	v13 =	vmul.f32 $2.000000030e-01, v5  }
0x198: {  	v14 =	vld [tilespmem:s12+$0x40]  }
0x199: {  	v6 =	vld [tilespmem:s12+$0xFFFFFFF0];
	v5 =	vmax.f32 v5, v13  }
0x19a: {  	v15 =	vld [tilespmem:s25+$0x0];
	v5 =	vmul.f32 $1.442695020e+00, v5  }
0x19b: {  	v16 =	vld [tilespmem:s12+$0xE0];
	v8 =	vadd.f32 v9, v8  }
0x19c: {  	v9 =	vld [tilespmem:s12+$0x90];
	v10 =	vadd.f32 v11, v10;
	(erf) = vpow2.f32 v5  }
0x19d: {  	v11 =	vld [tilespmem:s25+$0x10];
	v13 =	vmul.f32 $2.000000030e-01, v8  }
0x19e: {  	v6 =	vadd.f32 v12, v6;
	v12 =	vld [tilespmem:s25+$0x20];
	v5 =	vmul.f32 $2.000000030e-01, v10  }
0x19f: {  	v8 =	vmax.f32 v8, v13;
	v13 =	vld [tilespmem:s12+$0xFFFFFF00]  }
0x1a0: {  	v8 =	vmul.f32 $1.442695020e+00, v8;
	v5 =	vmax.f32 v10, v5  }
0x1a1: {  	v14 =	vadd.f32 v15, v14;
	v10 =	vmul.f32 $2.000000030e-01, v6;
	v5 =	vmul.f32 $1.442695020e+00, v5  }
0x1a2: {  	v9 =	vadd.f32 v11, v9;
	(erf) = vpow2.f32 v8  }
0x1a3: {  	v8 =	vadd.f32 v12, v16;
	v6 =	vmax.f32 v6, v10;
	v10 =	vmul.f32 $2.000000030e-01, v14  }
0x1a4: {  	v11 =	vmul.f32 $2.000000030e-01, v9;
	v7 =	vadd.f32 v7, v13;
	v6 =	vmul.f32 $1.442695020e+00, v6  }
0x1a5: {  	s7 =	simm.s32 $0x8C40;
	v12 =	vmul.f32 $2.000000030e-01, v8;
	(erf) = vpow2.f32 v5;
	v10 =	vmax.f32 v14, v10;
	v5 =	vpop (erf)  }
0x1a6: {  	v9 =	vmax.f32 v9, v11;
	v11 =	vmul.f32 $2.000000030e-01, v7;
	v10 =	vmul.f32 $1.442695020e+00, v10;
	[tilespmem:s7+$0x130] =	vst v5  }
0x1a7: {  	s26 =	simm.s32 $0x5BC0;
	v8 =	vmax.f32 v8, v12;
	(erf) = vpow2.f32 v6;
	v6 =	vmul.f32 $1.442695020e+00, v9;
	v9 =	vld [tilespmem:s12+$0xF0]  }
0x1a8: {  	s13 =	simm.s32 $0x66C0;
	v26 =	vld [tilespmem:s26+$0xFFFFFFC0];
	v7 =	vmax.f32 v7, v11;
	v8 =	vmul.f32 $1.442695020e+00, v8;
	(erf) = vpow2.f32 v10  }
0x1a9: {  	v29 =	vld [tilespmem:s13+$0xFFFFFF50];
	(erf) = vpow2.f32 v6;
	v6 =	vmul.f32 $1.442695020e+00, v7  }
0x1aa: {  	v31 =	vld [tilespmem:s26+$0xFFFFFFD0];
	v7 =	vperm.xlane v5, v0;
	(erf) = vpow2.f32 v8  }
0x1ab: {  	v48 =	vld [tilespmem:s13+$0xFFFFFFA0];
	(erf) = vpow2.f32 v6  }
0x1ac: {  	v51 =	vld [tilespmem:s26+$0xFFFFFFE0];
	v6 =	vmul.f32 v9, v7  }
0x1ad: {  	v54 =	vld [tilespmem:s13+$0xFFFFFFF0];
	v8 =	vpop (erf)  }
0x1ae: {  	v56 =	vld [tilespmem:s26+$0xFFFFFFF0];
	[tilespmem:s7+$0xFFFFFF50] =	vst v8;
	v7 =	vpop (erf)  }
0x1af: {  	v9 =	vld [tilespmem:s12+$0xFFFFFF10];
	[tilespmem:s7+$0xFFFFFFA0] =	vst v7  }
0x1b0: {  	v15 =	vperm.xlane v8, v0;
	[tilespmem:s7+$0xF0] =	vst v6;
	v11 =	vld [tilespmem:s12+$0xFFFFFF60];
	v6 =	vpop (erf)  }
0x1b1: {  	v10 =	vld [tilespmem:s12+$0x100];
	[tilespmem:s7+$0xFFFFFFF0] =	vst v6;
	v13 =	vpop (erf)  }
0x1b2: {  	v16 =	vld [tilespmem:s12+$0xFFFFFFB0];
	[tilespmem:s7+$0x40] =	vst v13;
	v14 =	vpop (erf)  }
0x1b3: {  	v18 =	vperm.xlane v5, v1;
	v17 =	vld [tilespmem:s12+$0x0];
	[tilespmem:s7+$0x90] =	vst v14;
	v12 =	vpop (erf)  }
0x1b4: {  	v19 =	vperm.xlane v7, v0;
	v9 =	vmul.f32 v9, v15;
	v20 =	vld [tilespmem:s12+$0x50];
	[tilespmem:s7+$0xE0] =	vst v12;
	v15 =	vpop (erf)  }
0x1b5: {  	v21 =	vperm.xlane v6, v0;
	[tilespmem:s7+$0xFFFFFF00] =	vst v15;
	v22 =	vld [tilespmem:s12+$0xA0]  }
0x1b6: {  	v11 =	vmul.f32 v11, v19;
	v10 =	vmul.f32 v10, v18;
	v19 =	vld [tilespmem:s12+$0xFFFFFEC0]  }
0x1b7: {  	v58 =	vld [tilespmem:s26+$0x10];
	[tilespmem:s7+$0xFFFFFF10] =	vst v9;
	v9 =	vperm.xlane v14, v0;
	v18 =	vperm.xlane v13, v0  }
0x1b8: {  	v29 =	vadd.f32 v31, v29;
	[tilespmem:s7+$0x100] =	vst v10;
	v10 =	vperm.xlane v12, v0;
	v16 =	vmul.f32 v16, v21;
	v21 =	vld [tilespmem:s12+$0xFFFFFF20]  }
0x1b9: {  	v31 =	vadd.f32 v51, v48;
	[tilespmem:s7+$0xFFFFFF60] =	vst v11;
	v11 =	vperm.xlane v15, v0;
	v17 =	vmul.f32 v17, v18;
	v18 =	vld [tilespmem:s12+$0x110]  }
0x1ba: {  	v59 =	vadd.f32 v56, v54;
	v9 =	vmul.f32 v20, v9;
	v20 =	vld [tilespmem:s12+$0xFFFFFF70];
	[tilespmem:s7+$0xFFFFFFB0] =	vst v16;
	v10 =	vmul.f32 v22, v10  }
0x1bb: {  	v61 =	vmul.f32 $2.000000030e-01, v29;
	v16 =	vld [tilespmem:s12+$0xFFFFFFC0];
	[tilespmem:s7+$0x0] =	vst v17;
	v11 =	vmul.f32 v19, v11  }
0x1bc: {  	v62 =	vmul.f32 $2.000000030e-01, v31;
	v45 =	vmul.f32 $2.000000030e-01, v59;
	[tilespmem:s7+$0xA0] =	vst v10;
	v10 =	vld [tilespmem:s13+$0x130]  }
0x1bd: {  	v55 =	vperm.xlane v5, v2;
	v24 =	vperm.xlane v8, v1;
	[tilespmem:s7+$0xFFFFFEC0] =	vst v11;
	v11 =	vld [tilespmem:s26+$0x30]  }
0x1be: {  	v25 =	vperm.xlane v8, v2;
	v27 =	vperm.xlane v7, v1;
	v17 =	vld [tilespmem:s12+$0x10];
	[tilespmem:s7+$0x50] =	vst v9  }
0x1bf: {  	v30 =	vperm.xlane v7, v2;
	v28 =	vperm.xlane v6, v1;
	v19 =	vld [tilespmem:s12+$0x60]  }
0x1c0: {  	v46 =	vperm.xlane v13, v1;
	v21 =	vmul.f32 v21, v24;
	v24 =	vld [tilespmem:s13+$0x40]  }
0x1c1: {  	v47 =	vperm.xlane v14, v1;
	v50 =	vperm.xlane v12, v1;
	v22 =	vld [tilespmem:s12+$0xB0]  }
0x1c2: {  	v49 =	vperm.xlane v15, v1;
	v20 =	vmul.f32 v20, v27;
	v27 =	vld [tilespmem:s26+$0x0];
	v52 =	vadd.f32 v11, v10  }
0x1c3: {  	v53 =	vperm.xlane v15, v2;
	v9 =	vperm.xlane v6, v2;
	v23 =	vld [tilespmem:s12+$0xFFFFFED0]  }
0x1c4: {  	v60 =	vld [tilespmem:s13+$0xE0];
	v18 =	vmul.f32 v18, v55;
	v57 =	vmul.f32 $2.000000030e-01, v52  }
0x1c5: {  	v16 =	vmul.f32 v16, v28;
	v28 =	vld [tilespmem:s13+$0x90];
	v17 =	vmul.f32 v17, v46  }
0x1c6: {  	v63 =	vld [tilespmem:s26+$0x20];
	v19 =	vmul.f32 v19, v47;
	v10 =	vperm.xlane v13, v2;
	v38 =	vmax.f32 v52, v57  }
0x1c7: {  	v44 =	vld [tilespmem:s13+$0xFFFFFF00];
	[tilespmem:s7+$0xFFFFFF20] =	vst v21;
	v22 =	vmul.f32 v22, v50;
	v24 =	vadd.f32 v27, v24;
	v38 =	vmul.f32 $1.442695020e+00, v38  }
0x1c8: {  	[tilespmem:s7+$0x110] =	vst v18;
	v18 =	vld [tilespmem:s12+$0xFFFFFF30];
	v23 =	vmul.f32 v23, v49;
	v27 =	vmax.f32 v29, v61;
	v29 =	vmax.f32 v31, v62  }
0x1c9: {  	v31 =	vmax.f32 v59, v45;
	[tilespmem:s7+$0x60] =	vst v19;
	v19 =	vperm.xlane v8, v3;
	(erf) = vpow2.f32 v38  }
0x1ca: {  	v27 =	vmul.f32 $1.442695020e+00, v27;
	v28 =	vadd.f32 v58, v28;
	v46 =	vmul.f32 $2.000000030e-01, v24;
	[tilespmem:s7+$0xFFFFFED0] =	vst v23  }
0x1cb: {  	v23 =	vmul.f32 $1.442695020e+00, v29;
	v29 =	vmul.f32 $1.442695020e+00, v31;
	v31 =	vld [tilespmem:s12+$0xFFFFFEE0]  }
0x1cc: {  	v26 =	vadd.f32 v26, v44;
	v21 =	vmul.f32 $2.000000030e-01, v28;
	(erf) = vpow2.f32 v27  }
0x1cd: {  	s21 =	simm.s32 $0x6940;
	v18 =	vmul.f32 v18, v25;
	v24 =	vmax.f32 v24, v46;
	v27 =	vadd.f32 v63, v60  }
0x1ce: {  	[tilespmem:s7+$0xFFFFFF70] =	vst v20;
	v47 =	vld [tilespmem:s12+$0x120];
	v24 =	vmul.f32 $1.442695020e+00, v24;
	v20 =	vmax.f32 v28, v21;
	v28 =	vmul.f32 $2.000000030e-01, v26  }
0x1cf: {  	[tilespmem:s7+$0xFFFFFFC0] =	vst v16;
	v62 =	vld [tilespmem:s21+$0x130];
	(erf) = vpow2.f32 v23;
	v23 =	vmul.f32 $2.000000030e-01, v27  }
0x1d0: {  	s11 =	simm.s32 $0x5C40;
	[tilespmem:s7+$0x10] =	vst v17;
	v25 =	vld [tilespmem:s12+$0x70];
	v20 =	vmul.f32 $1.442695020e+00, v20;
	v16 =	vmul.f32 v31, v53  }
0x1d1: {  	[tilespmem:s7+$0xB0] =	vst v22;
	v46 =	vld [tilespmem:s11+$0xFFFFFFD0];
	v31 =	vperm.xlane v12, v2;
	(erf) = vpow2.f32 v29;
	v23 =	vmax.f32 v27, v23  }
0x1d2: {  	s20 =	simm.s32 $0x8EC0;
	v63 =	vld [tilespmem:s11+$0x30];
	(erf) = vpow2.f32 v24;
	v24 =	vmax.f32 v26, v28;
	[tilespmem:s7+$0xFFFFFEE0] =	vst v16;
	v23 =	vmul.f32 $1.442695020e+00, v23;
	v21 =	vpop (erf)  }
0x1d3: {  	(erf) = vpow2.f32 v20;
	v17 =	vmul.f32 $1.442695020e+00, v24;
	v22 =	vld [tilespmem:s12+$0xFFFFFEF0];
	[tilespmem:s20+$0x130] =	vst v21  }
0x1d4: {  	v20 =	vperm.xlane v15, v3;
	(erf) = vpow2.f32 v23;
	v26 =	vld [tilespmem:s13+$0xF0]  }
0x1d5: {  	v29 =	vld [tilespmem:s12+$0xFFFFFF80];
	v23 =	vperm.xlane v21, v0;
	(erf) = vpow2.f32 v17;
	v16 =	vpop (erf)  }
0x1d6: {  	v28 =	vld [tilespmem:s12+$0x20];
	v17 =	vperm.xlane v7, v3;
	v7 =	vperm.xlane v5, v3;
	[tilespmem:s20+$0xFFFFFF50] =	vst v16  }
0x1d7: {  	v5 =	vperm.xlane v6, v3;
	v6 =	vperm.xlane v13, v3;
	v13 =	vld [tilespmem:s13+$0xFFFFFF10]  }
0x1d8: {  	v27 =	vld [tilespmem:s12+$0xFFFFFFD0];
	v20 =	vmul.f32 v22, v20;
	v32 =	vmul.f32 v47, v7  }
0x1d9: {  	v15 =	vld [tilespmem:s12+$0xC0];
	v7 =	vperm.xlane v12, v3;
	v8 =	vmul.f32 v26, v23;
	v26 =	vpop (erf)  }
0x1da: {  	v22 =	vld [tilespmem:s21+$0xFFFFFF00];
	v12 =	vmul.f32 v29, v30;
	v30 =	vperm.xlane v16, v0;
	[tilespmem:s20+$0xFFFFFFA0] =	vst v26  }
0x1db: {  	v11 =	vperm.xlane v14, v2;
	v33 =	vpop (erf);
	[tilespmem:s20+$0xF0] =	vst v8;
	v24 =	vld [tilespmem:s13+$0xFFFFFF60]  }
0x1dc: {  	v13 =	vmul.f32 v13, v30;
	v8 =	vperm.xlane v14, v3;
	[tilespmem:s20+$0xFFFFFFF0] =	vst v33;
	v29 =	vpop (erf);
	v14 =	vld [tilespmem:s13+$0x100]  }
0x1dd: {  	v48 =	vld [tilespmem:s13+$0xFFFFFFB0];
	[tilespmem:s20+$0x40] =	vst v29  }
0x1de: {  	v25 =	vmul.f32 v25, v11;
	v28 =	vmul.f32 v28, v10;
	v36 =	vpop (erf);
	[tilespmem:s20+$0xFFFFFF10] =	vst v13;
	v49 =	vld [tilespmem:s13+$0x0]  }
0x1df: {  	v50 =	vperm.xlane v21, v1;
	v27 =	vmul.f32 v27, v9;
	[tilespmem:s20+$0x90] =	vst v36;
	v44 =	vld [tilespmem:s13+$0xFFFFFF20]  }
0x1e0: {  	[tilespmem:s7+$0xFFFFFF30] =	vst v18;
	v31 =	vmul.f32 v15, v31;
	v51 =	vperm.xlane v26, v0;
	v41 =	vpop (erf);
	v30 =	vld [tilespmem:s13+$0x50]  }
0x1e1: {  	v34 =	vperm.xlane v16, v1;
	v23 =	vld [tilespmem:s12+$0xFFFFFF40];
	v52 =	vperm.xlane v33, v0;
	[tilespmem:s20+$0xE0] =	vst v41;
	v42 =	vpop (erf)  }
0x1e2: {  	v54 =	vperm.xlane v29, v0;
	[tilespmem:s20+$0xFFFFFF00] =	vst v42;
	v53 =	vld [tilespmem:s13+$0xA0];
	v24 =	vmul.f32 v24, v51  }
0x1e3: {  	v13 =	vperm.xlane v36, v0;
	v55 =	vld [tilespmem:s13+$0xFFFFFEC0];
	v14 =	vmul.f32 v14, v50  }
0x1e4: {  	v35 =	vmul.f32 v48, v52;
	[tilespmem:s20+$0xFFFFFF60] =	vst v24;
	v34 =	vmul.f32 v44, v34;
	v44 =	vld [tilespmem:s11+$0xFFFFFFC0]  }
0x1e5: {  	v37 =	vmul.f32 v49, v54;
	[tilespmem:s20+$0x100] =	vst v14;
	v13 =	vmul.f32 v30, v13;
	v30 =	vld [tilespmem:s13+$0xFFFFFF70]  }
0x1e6: {  	v18 =	vperm.xlane v16, v2;
	v59 =	vperm.xlane v33, v1;
	[tilespmem:s20+$0xFFFFFFB0] =	vst v35;
	v56 =	vld [tilespmem:s13+$0x110]  }
0x1e7: {  	v15 =	vperm.xlane v42, v3;
	v14 =	vperm.xlane v41, v0;
	v45 =	vld [tilespmem:s13+$0xFFFFFFC0];
	[tilespmem:s20+$0x0] =	vst v37  }
0x1e8: {  	v50 =	vperm.xlane v42, v1;
	v24 =	vperm.xlane v42, v0;
	v58 =	vld [tilespmem:s13+$0x10]  }
0x1e9: {  	v14 =	vmul.f32 v53, v14;
	[tilespmem:s20+$0x50] =	vst v13;
	v53 =	vperm.xlane v42, v2;
	v42 =	vld [tilespmem:s21+$0xFFFFFFA0]  }
0x1ea: {  	v40 =	vperm.xlane v29, v2;
	v57 =	vmul.f32 v55, v24;
	v47 =	vld [tilespmem:s13+$0x60]  }
0x1eb: {  	v10 =	vperm.xlane v29, v3;
	[tilespmem:s20+$0xA0] =	vst v14;
	v14 =	vperm.xlane v29, v1;
	v29 =	vld [tilespmem:s11+$0x0]  }
0x1ec: {  	v38 =	vperm.xlane v33, v2;
	v35 =	vperm.xlane v26, v1;
	[tilespmem:s20+$0xFFFFFEC0] =	vst v57;
	v37 =	vld [tilespmem:s13+$0xB0]  }
0x1ed: {  	v60 =	vperm.xlane v36, v1;
	v13 =	vperm.xlane v21, v2;
	v49 =	vld [tilespmem:s13+$0xFFFFFED0]  }
0x1ee: {  	v24 =	vperm.xlane v26, v2;
	v30 =	vmul.f32 v30, v35;
	v35 =	vld [tilespmem:s21+$0xFFFFFF50]  }
0x1ef: {  	v13 =	vmul.f32 v56, v13;
	v56 =	vld [tilespmem:s11+$0xFFFFFFE0];
	v43 =	vmul.f32 v58, v14  }
0x1f0: {  	v14 =	vperm.xlane v16, v3;
	v16 =	vperm.xlane v26, v3;
	v26 =	vadd.f32 v63, v62;
	v63 =	vld [tilespmem:s21+$0x40]  }
0x1f1: {  	v11 =	vperm.xlane v33, v3;
	v61 =	vperm.xlane v41, v1;
	v58 =	vld [tilespmem:s11+$0x10]  }
0x1f2: {  	[tilespmem:s7+$0xFFFFFFD0] =	vst v27;
	v39 =	vperm.xlane v36, v2;
	v47 =	vmul.f32 v47, v60;
	v60 =	vld [tilespmem:s21+$0xFFFFFFF0]  }
0x1f3: {  	[tilespmem:s20+$0xFFFFFF70] =	vst v30;
	v62 =	vmul.f32 $2.000000030e-01, v26;
	v37 =	vmul.f32 v37, v61;
	v61 =	vld [tilespmem:s11+$0xFFFFFFF0]  }
0x1f4: {  	v9 =	vperm.xlane v36, v3;
	v19 =	vmul.f32 v23, v19;
	[tilespmem:s20+$0x110] =	vst v13;
	v27 =	vld [tilespmem:s13+$0xFFFFFF80]  }
0x1f5: {  	[tilespmem:s7+$0xFFFFFF80] =	vst v12;
	v21 =	vperm.xlane v21, v3;
	v54 =	vld [tilespmem:s13+$0x120];
	v55 =	vadd.f32 v46, v35;
	v12 =	vmax.f32 v26, v62  }
0x1f6: {  	[tilespmem:s7+$0x70] =	vst v25;
	v45 =	vmul.f32 v45, v59;
	v26 =	vld [tilespmem:s21+$0x90];
	v56 =	vadd.f32 v56, v42;
	v57 =	vmul.f32 $1.442695020e+00, v12  }
0x1f7: {  	[tilespmem:s7+$0xC0] =	vst v31;
	v13 =	vperm.xlane v41, v2;
	v30 =	vmul.f32 $2.000000030e-01, v55;
	v29 =	vadd.f32 v29, v63;
	v63 =	vld [tilespmem:s12+$0xFFFFFF90]  }
0x1f8: {  	[tilespmem:s7+$0xFFFFFF40] =	vst v19;
	v42 =	vmul.f32 $2.000000030e-01, v56;
	(erf) = vpow2.f32 v57;
	v59 =	vadd.f32 v61, v60;
	v60 =	vld [tilespmem:s21+$0xE0]  }
0x1f9: {  	[tilespmem:s20+$0xFFFFFF20] =	vst v34;
	v49 =	vmul.f32 v49, v50;
	v19 =	vmul.f32 v27, v24;
	v23 =	vmax.f32 v55, v30;
	v61 =	vld [tilespmem:s11+$0x20]  }
0x1fa: {  	[tilespmem:s20+$0xFFFFFFC0] =	vst v45;
	v21 =	vmul.f32 v54, v21;
	v30 =	vmax.f32 v56, v42;
	v23 =	vmul.f32 $1.442695020e+00, v23  }
0x1fb: {  	[tilespmem:s20+$0x10] =	vst v43;
	v46 =	vmul.f32 $2.000000030e-01, v29;
	v30 =	vmul.f32 $1.442695020e+00, v30;
	v26 =	vadd.f32 v58, v26  }
0x1fc: {  	v51 =	vadd.f32 v44, v22;
	v48 =	vld [tilespmem:s13+$0xFFFFFFD0];
	[tilespmem:s20+$0x60] =	vst v47;
	v62 =	vmul.f32 $2.000000030e-01, v59;
	(erf) = vpow2.f32 v23  }
0x1fd: {  	v47 =	vld [tilespmem:s13+$0xFFFFFF30];
	[tilespmem:s20+$0x120] =	vst v21;
	v23 =	vmax.f32 v29, v46;
	v54 =	vmul.f32 v63, v17;
	v21 =	vmul.f32 $2.000000030e-01, v26  }
0x1fe: {  	[tilespmem:s20+$0xB0] =	vst v37;
	v37 =	vld [tilespmem:s12+$0xD0];
	v22 =	vmul.f32 $1.442695020e+00, v23;
	v43 =	vmax.f32 v59, v62;
	v34 =	vadd.f32 v61, v60  }
0x1ff: {  	[tilespmem:s20+$0xFFFFFED0] =	vst v49;
	v24 =	vld [tilespmem:s12+$0x80];
	(erf) = vpow2.f32 v30;
	v33 =	vmul.f32 $1.442695020e+00, v43  }
0x200: {  	[tilespmem:s7+$0x20] =	vst v28;
	v42 =	vld [tilespmem:s13+$0xFFFFFEE0];
	v21 =	vmax.f32 v26, v21;
	v26 =	vmul.f32 $2.000000030e-01, v51;
	v23 =	vmul.f32 $2.000000030e-01, v34  }
0x201: {  	s10 =	simm.s32 $0x9140;
	[tilespmem:s7+$0xFFFFFEF0] =	vst v20;
	v55 =	vld [tilespmem:s13+$0x20];
	v17 =	vmul.f32 $1.442695020e+00, v21;
	(erf) = vpow2.f32 v33;
	v25 =	vpop (erf)  }
0x202: {  	v56 =	vld [tilespmem:s13+$0x70];
	v18 =	vmul.f32 v47, v18;
	(erf) = vpow2.f32 v22;
	v21 =	vmax.f32 v34, v23;
	[tilespmem:s10+$0x130] =	vst v25  }
0x203: {  	[tilespmem:s20+$0xFFFFFF80] =	vst v19;
	v20 =	vmax.f32 v51, v26;
	(erf) = vpow2.f32 v17;
	v21 =	vmul.f32 $1.442695020e+00, v21;
	v26 =	vld [tilespmem:s21+$0xF0]  }
0x204: {  	[tilespmem:s7+$0x120] =	vst v32;
	v12 =	vperm.xlane v41, v3;
	v36 =	vld [tilespmem:s13+$0xFFFFFF90];
	v17 =	vmul.f32 $1.442695020e+00, v20  }
0x205: {  	v29 =	vld [tilespmem:s13+$0xC0];
	[tilespmem:s20+$0xFFFFFF30] =	vst v18;
	v23 =	vmul.f32 v42, v53;
	v27 =	vpop (erf);
	(erf) = vpow2.f32 v21  }
0x206: {  	v32 =	vld [tilespmem:s13+$0xFFFFFF40];
	v20 =	vperm.xlane v25, v0;
	[tilespmem:s10+$0xFFFFFF50] =	vst v27;
	(erf) = vpow2.f32 v17  }
0x207: {  	v48 =	vmul.f32 v48, v38;
	[tilespmem:s7+$0xFFFFFF90] =	vst v54;
	v40 =	vmul.f32 v55, v40;
	v60 =	vld [tilespmem:s21+$0xFFFFFF10]  }
0x208: {  	v38 =	vmul.f32 v56, v39;
	v22 =	vld [tilespmem:s12+$0xFFFFFFE0];
	[tilespmem:s20+$0xFFFFFEE0] =	vst v23;
	v30 =	vpop (erf);
	v17 =	vmul.f32 v26, v20  }
0x209: {  	v63 =	vperm.xlane v25, v1;
	v23 =	vld [tilespmem:s12+$0x30];
	v21 =	vperm.xlane v27, v0;
	[tilespmem:s10+$0xFFFFFFA0] =	vst v30  }
0x20a: {  	v49 =	vperm.xlane v27, v1;
	v18 =	vperm.xlane v27, v2;
	v61 =	vld [tilespmem:s21+$0xFFFFFF60];
	v26 =	vpop (erf);
	[tilespmem:s10+$0xF0] =	vst v17  }
0x20b: {  	v57 =	vperm.xlane v30, v1;
	v19 =	vperm.xlane v30, v2;
	[tilespmem:s10+$0xFFFFFFF0] =	vst v26;
	v31 =	vpop (erf);
	v62 =	vld [tilespmem:s21+$0x100]  }
0x20c: {  	v28 =	vld [tilespmem:s13+$0xFFFFFEF0];
	v20 =	vperm.xlane v30, v0;
	[tilespmem:s10+$0x40] =	vst v31;
	v33 =	vpop (erf);
	v21 =	vmul.f32 v60, v21  }
0x20d: {  	v46 =	vperm.xlane v26, v0;
	v42 =	vperm.xlane v26, v1;
	v47 =	vld [tilespmem:s21+$0xFFFFFFB0];
	[tilespmem:s10+$0x90] =	vst v33  }
0x20e: {  	v17 =	vperm.xlane v26, v2;
	v50 =	vperm.xlane v31, v0;
	v34 =	vld [tilespmem:s21+$0x0];
	[tilespmem:s10+$0xFFFFFF10] =	vst v21;
	v35 =	vpop (erf)  }
0x20f: {  	v43 =	vperm.xlane v31, v1;
	v20 =	vmul.f32 v61, v20;
	v52 =	vld [tilespmem:s21+$0x50];
	[tilespmem:s10+$0xE0] =	vst v35;
	v41 =	vpop (erf)  }
0x210: {  	v51 =	vperm.xlane v33, v0;
	[tilespmem:s10+$0xFFFFFF00] =	vst v41;
	v59 =	vld [tilespmem:s21+$0xA0];
	v53 =	vmul.f32 v62, v63  }
0x211: {  	v44 =	vperm.xlane v33, v1;
	[tilespmem:s10+$0xFFFFFF60] =	vst v20;
	v20 =	vperm.xlane v33, v2;
	v60 =	vld [tilespmem:s21+$0xFFFFFEC0]  }
0x212: {  	v61 =	vld [tilespmem:s21+$0xFFFFFF20];
	v54 =	vperm.xlane v35, v0;
	v21 =	vmul.f32 v47, v46;
	[tilespmem:s10+$0x100] =	vst v53  }
0x213: {  	v58 =	vperm.xlane v41, v0;
	v46 =	vmul.f32 v34, v50;
	v53 =	vld [tilespmem:s21+$0x110]  }
0x214: {  	v45 =	vperm.xlane v41, v1;
	v62 =	vld [tilespmem:s21+$0xFFFFFF70];
	v52 =	vmul.f32 v52, v51;
	[tilespmem:s10+$0xFFFFFFB0] =	vst v21  }
0x215: {  	v47 =	vperm.xlane v35, v1;
	v50 =	vld [tilespmem:s21+$0xFFFFFFC0];
	[tilespmem:s10+$0x0] =	vst v46;
	v54 =	vmul.f32 v59, v54  }
0x216: {  	v51 =	vld [tilespmem:s21+$0x10];
	[tilespmem:s10+$0x50] =	vst v52;
	v59 =	vperm.xlane v25, v2;
	v58 =	vmul.f32 v60, v58  }
0x217: {  	v34 =	vperm.xlane v41, v2;
	v60 =	vmul.f32 v61, v49;
	v49 =	vld [tilespmem:s21+$0x60];
	[tilespmem:s10+$0xA0] =	vst v54  }
0x218: {  	v46 =	vperm.xlane v35, v2;
	[tilespmem:s10+$0xFFFFFEC0] =	vst v58;
	v52 =	vld [tilespmem:s21+$0xB0];
	v54 =	vmul.f32 v53, v59  }
0x219: {  	s14 =	simm.s32 $0x6BC0;
	s12 =	simm.s32 $0x10;
	v21 =	vperm.xlane v31, v2;
	v55 =	vmul.f32 v62, v57;
	[tilespmem:s10+$0xFFFFFF20] =	vst v60;
	v53 =	vld [tilespmem:s21+$0xFFFFFED0]  }
.LBB2_7:
0x21a: {  	v39 =	vld [tilespmem:s14+$0x130];
	v42 =	vmul.f32 v50, v42;
	[tilespmem:s10+$0x110] =	vst v54;
	v29 =	vmul.f32 v29, v13;
	v13 =	vmov v46  }
0x21b: {  	v41 =	vperm.xlane v41, v3;
	s11 =	sadd.s32 $0x80, s11;
	[tilespmem:s10+$0xFFFFFF70] =	vst v55;
	v43 =	vmul.f32 v51, v43;
	v46 =	vld [tilespmem:s21+$0x120]  }
0x21c: {  	s12 =	sadd.s32 $0x8, s12;
	v27 =	vperm.xlane v27, v3;
	v50 =	vld [tilespmem:s11+$0x30];
	[tilespmem:s10+$0xFFFFFFC0] =	vst v42;
	v42 =	vmul.f32 v49, v44  }
0x21d: {  	v30 =	vperm.xlane v30, v3;
	p1 =	slt.u32 s12, $0x78;
	v44 =	vld [tilespmem:s11+$0xFFFFFFC0];
	[tilespmem:s10+$0x10] =	vst v43;
	v43 =	vmul.f32 v52, v47  }
0x21e: {  	v25 =	vperm.xlane v25, v3;
	v47 =	vld [tilespmem:s14+$0xFFFFFF50];
	v45 =	vmul.f32 v53, v45;
	[tilespmem:s10+$0x60] =	vst v42  }
0x21f: {  	v26 =	vperm.xlane v26, v3;
	v31 =	vperm.xlane v31, v3;
	v42 =	vld [tilespmem:s11+$0xFFFFFFD0];
	[tilespmem:s10+$0xB0] =	vst v43  }
0x220: {  	v33 =	vperm.xlane v33, v3;
	v43 =	vld [tilespmem:s14+$0xFFFFFFA0];
	[tilespmem:s10+$0xFFFFFED0] =	vst v45;
	v25 =	vmul.f32 v46, v25  }
0x221: {  	v35 =	vperm.xlane v35, v3;
	v28 =	vmul.f32 v28, v15;
	v45 =	vld [tilespmem:s11+$0xFFFFFFE0];
	v39 =	vadd.f32 v50, v39;
	[tilespmem:s20+$0xFFFFFFD0] =	vst v48  }
0x222: {  	v15 =	vmovc v41;
	v46 =	vld [tilespmem:s14+$0xFFFFFFF0];
	[tilespmem:s10+$0x120] =	vst v25;
	v25 =	vmul.f32 v32, v14;
	v32 =	vmul.f32 v36, v16;
	v14 =	vmov v27  }
0x223: {  	v22 =	vmul.f32 v22, v5;
	v5 =	vmovc v11;
	v11 =	vmovc v26;
	v16 =	vmov v30;
	v27 =	vld [tilespmem:s11+$0xFFFFFFF0];
	v36 =	vmul.f32 $2.000000030e-01, v39;
	[tilespmem:s20+$0x20] =	vst v40  }
0x224: {  	v23 =	vmul.f32 v23, v6;
	v24 =	vmul.f32 v24, v8;
	v26 =	vadd.f32 v42, v47;
	v30 =	vld [tilespmem:s14+$0x40];
	[tilespmem:s20+$0x70] =	vst v38  }
0x225: {  	v6 =	vmovc v10;
	v10 =	vmov v31;
	v38 =	vld [tilespmem:s11+$0x0];
	v40 =	vmax.f32 v39, v36;
	[tilespmem:s20+$0xC0] =	vst v29;
	v29 =	vmul.f32 v37, v7  }
0x226: {  	v8 =	vmovc v9;
	v9 =	vmovc v33;
	v31 =	vmul.f32 $2.000000030e-01, v26;
	v36 =	vadd.f32 v45, v43;
	v37 =	vld [tilespmem:s14+$0x90];
	v39 =	vmul.f32 $1.442695020e+00, v40;
	[tilespmem:s20+$0xFFFFFEF0] =	vst v28  }
0x227: {  	v7 =	vmov v12;
	v12 =	vmov v35;
	v28 =	vld [tilespmem:s11+$0x10];
	[tilespmem:s20+$0xFFFFFF40] =	vst v25  }
0x228: {  	v25 =	vmul.f32 $2.000000030e-01, v36;
	v27 =	vadd.f32 v27, v46;
	v33 =	vld [tilespmem:s14+$0xE0];
	(erf) = vpow2.f32 v39;
	[tilespmem:s20+$0xFFFFFF90] =	vst v32  }
0x229: {  	v26 =	vmax.f32 v26, v31;
	v31 =	vld [tilespmem:s11+$0x20];
	[tilespmem:s7+$0xFFFFFFE0] =	vst v22  }
0x22a: {  	v22 =	vld [tilespmem:s14+$0xFFFFFF00];
	v25 =	vmax.f32 v36, v25;
	v32 =	vmul.f32 $2.000000030e-01, v27;
	v30 =	vadd.f32 v38, v30;
	[tilespmem:s7+$0x30] =	vst v23  }
0x22b: {  	v23 =	vmul.f32 $1.442695020e+00, v26;
	v25 =	vmul.f32 $1.442695020e+00, v25;
	v26 =	vld [tilespmem:s21+$0xFFFFFEE0];
	[tilespmem:s7+$0x80] =	vst v24  }
0x22c: {  	v24 =	vmax.f32 v27, v32;
	v27 =	vmul.f32 $2.000000030e-01, v30;
	v28 =	vadd.f32 v28, v37;
	v32 =	vld [tilespmem:s21+$0xFFFFFF30];
	[tilespmem:s7+$0xD0] =	vst v29;
	s7 =	smov.u32 s20;
	s20 =	smov.u32 s10  }
0x22d: {  	v24 =	vmul.f32 $1.442695020e+00, v24;
	(erf) = vpow2.f32 v23;
	v35 =	vld [tilespmem:s21+$0xFFFFFF80]  }
0x22e: {  	v23 =	vmax.f32 v30, v27;
	v27 =	vmul.f32 $2.000000030e-01, v28;
	v30 =	vadd.f32 v31, v33;
	v40 =	vld [tilespmem:s21+$0xFFFFFFD0]  }
0x22f: {  	v31 =	vadd.f32 v44, v22;
	v22 =	vmul.f32 $1.442695020e+00, v23;
	(erf) = vpow2.f32 v25;
	v39 =	vld [tilespmem:s21+$0x20]  }
0x230: {  	s10 =	sadd.s32 $0x280, s10;
	v23 =	vmax.f32 v28, v27;
	v27 =	vmul.f32 $2.000000030e-01, v30;
	(erf) = vpow2.f32 v24;
	v38 =	vld [tilespmem:s21+$0x70]  }
0x231: {  	v24 =	vmul.f32 $2.000000030e-01, v31;
	v23 =	vmul.f32 $1.442695020e+00, v23;
	v25 =	vpop (erf);
	v29 =	vld [tilespmem:s21+$0xC0]  }
0x232: {  	v26 =	vmul.f32 v26, v34;
	v27 =	vmax.f32 v30, v27;
	[tilespmem:s10+$0x130] =	vst v25;
	(erf) = vpow2.f32 v22;
	v22 =	vld [tilespmem:s13+$0xFFFFFFE0]  }
0x233: {  	v24 =	vmax.f32 v31, v24;
	v31 =	vmul.f32 $1.442695020e+00, v27;
	v30 =	vld [tilespmem:s14+$0xF0];
	(erf) = vpow2.f32 v23  }
0x234: {  	v18 =	vmul.f32 v32, v18;
	v24 =	vmul.f32 $1.442695020e+00, v24;
	[tilespmem:s20+$0xFFFFFEE0] =	vst v26;
	v23 =	vld [tilespmem:s13+$0x30]  }
0x235: {  	v19 =	vmul.f32 v35, v19;
	(erf) = vpow2.f32 v31;
	v28 =	vld [tilespmem:s21+$0xFFFFFEF0]  }
0x236: {  	v33 =	vperm.xlane v25, v0;
	(erf) = vpow2.f32 v24;
	v27 =	vpop (erf);
	[tilespmem:s20+$0xFFFFFF30] =	vst v18;
	v24 =	vld [tilespmem:s13+$0x80]  }
0x237: {  	[tilespmem:s10+$0xFFFFFF50] =	vst v27;
	v34 =	vperm.xlane v27, v0;
	v48 =	vperm.xlane v27, v1;
	v32 =	vld [tilespmem:s21+$0xFFFFFF40]  }
0x238: {  	v18 =	vperm.xlane v27, v2;
	v35 =	vld [tilespmem:s14+$0xFFFFFF10];
	v33 =	vmul.f32 v30, v33;
	v30 =	vpop (erf);
	[tilespmem:s20+$0xFFFFFF80] =	vst v19  }
0x239: {  	[tilespmem:s10+$0xFFFFFFA0] =	vst v30;
	v37 =	vperm.xlane v30, v0;
	v55 =	vperm.xlane v30, v1;
	v26 =	vpop (erf);
	v36 =	vld [tilespmem:s21+$0xFFFFFF90]  }
0x23a: {  	v41 =	vld [tilespmem:s14+$0xFFFFFF60];
	v46 =	vperm.xlane v26, v0;
	v42 =	vperm.xlane v26, v1;
	[tilespmem:s10+$0xF0] =	vst v33  }
0x23b: {  	v19 =	vperm.xlane v30, v2;
	v52 =	vperm.xlane v26, v2;
	[tilespmem:s10+$0xFFFFFFF0] =	vst v26;
	v45 =	vld [tilespmem:s14+$0x100];
	v31 =	vpop (erf)  }
0x23c: {  	v47 =	vld [tilespmem:s14+$0xFFFFFFB0];
	[tilespmem:s10+$0x40] =	vst v31;
	v49 =	vperm.xlane v31, v0;
	v43 =	vperm.xlane v31, v1;
	v33 =	vpop (erf)  }
0x23d: {  	v34 =	vmul.f32 v35, v34;
	v50 =	vld [tilespmem:s14+$0x0];
	[tilespmem:s10+$0x90] =	vst v33;
	v51 =	vperm.xlane v33, v0  }
0x23e: {  	v54 =	vperm.xlane v25, v1;
	v44 =	vperm.xlane v33, v1;
	v53 =	vld [tilespmem:s14+$0x50];
	v35 =	vpop (erf)  }
0x23f: {  	v56 =	vmul.f32 v41, v37;
	[tilespmem:s10+$0xE0] =	vst v35;
	v57 =	vperm.xlane v35, v0;
	v41 =	vpop (erf);
	v37 =	vld [tilespmem:s13+$0xD0];
	s13 =	smov.u32 s21;
	s21 =	smov.u32 s14  }
0x240: {  	[tilespmem:s10+$0xFFFFFF00] =	vst v41;
	v58 =	vperm.xlane v41, v0;
	v59 =	vld [tilespmem:s14+$0xA0];
	v54 =	vmul.f32 v45, v54  }
0x241: {  	v45 =	vperm.xlane v41, v1;
	v60 =	vld [tilespmem:s14+$0xFFFFFEC0];
	[tilespmem:s10+$0xFFFFFF10] =	vst v34;
	v46 =	vmul.f32 v47, v46  }
0x242: {  	v47 =	vperm.xlane v35, v1;
	v61 =	vld [tilespmem:s14+$0xFFFFFF20];
	v49 =	vmul.f32 v50, v49;
	[tilespmem:s10+$0x100] =	vst v54  }
0x243: {  	v34 =	vperm.xlane v41, v2;
	[tilespmem:s10+$0xFFFFFF60] =	vst v56;
	v53 =	vmul.f32 v53, v51;
	v54 =	vld [tilespmem:s14+$0x110]  }
0x244: {  	v62 =	vperm.xlane v31, v2;
	v63 =	vperm.xlane v33, v2;
	v56 =	vld [tilespmem:s14+$0xFFFFFF70];
	[tilespmem:s10+$0xFFFFFFB0] =	vst v46  }
.Ltmp2:
0x245: {  	v46 =	vperm.xlane v35, v2;
	v50 =	vld [tilespmem:s14+$0xFFFFFFC0];
	[tilespmem:s10+$0x0] =	vst v49;
	v57 =	vmul.f32 v59, v57;
	(pc) =	sbr.rel @p1 .LBB2_7-.Ltmp2, $4  }
0x246: {  	v58 =	vmul.f32 v60, v58;
	v51 =	vld [tilespmem:s14+$0x10];
	[tilespmem:s10+$0x50] =	vst v53;
	v53 =	vperm.xlane v25, v2  }
0x247: {  	v59 =	vmul.f32 v61, v48;
	v49 =	vld [tilespmem:s14+$0x60];
	[tilespmem:s10+$0xA0] =	vst v57;
	v48 =	vmul.f32 v40, v17;
	v17 =	vmov v52  }
0x248: {  	v40 =	vmul.f32 v39, v21;
	v21 =	vmov v62;
	[tilespmem:s10+$0xFFFFFEC0] =	vst v58;
	v52 =	vld [tilespmem:s14+$0xB0];
	v54 =	vmul.f32 v54, v53  }
0x249: {  	v38 =	vmul.f32 v38, v20;
	v20 =	vmov v63;
	s14 =	sadd.s32 $0x280, s14;
	v53 =	vld [tilespmem:s21+$0xFFFFFED0];
	[tilespmem:s10+$0xFFFFFF20] =	vst v59;
	v55 =	vmul.f32 v56, v55  }
0x24a: {  	[tilespmem:s10+$0x110] =	vst v54  }
0x24b: {  	[tilespmem:s20+$0xFFFFFFD0] =	vst v48  }
0x24c: {  	[tilespmem:s20+$0x20] =	vst v40  }
0x24d: {  	v39 =	vmul.f32 v50, v42;
	[tilespmem:s10+$0xFFFFFF70] =	vst v55  }
0x24e: {  	v13 =	vmul.f32 v29, v13;
	[tilespmem:s20+$0x70] =	vst v38  }
0x24f: {  	v15 =	vmul.f32 v28, v15;
	[tilespmem:s10+$0xFFFFFFC0] =	vst v39  }
0x250: {  	v14 =	vmul.f32 v32, v14;
	[tilespmem:s20+$0xC0] =	vst v13  }
0x251: {  	v16 =	vmul.f32 v36, v16;
	[tilespmem:s20+$0xFFFFFEF0] =	vst v15  }
0x252: {  	v5 =	vmul.f32 v22, v5;
	[tilespmem:s20+$0xFFFFFF40] =	vst v14  }
0x253: {  	v6 =	vmul.f32 v23, v6;
	[tilespmem:s20+$0xFFFFFF90] =	vst v16  }
0x254: {  	v8 =	vmul.f32 v24, v8;
	[tilespmem:s7+$0xFFFFFFE0] =	vst v5  }
0x255: {  	v48 =	vld [tilespmem:s21+$0xFFFFFF30];
	v7 =	vmul.f32 v37, v7;
	[tilespmem:s7+$0x30] =	vst v6  }
0x256: {  	v59 =	vmul.f32 v51, v43;
	v60 =	vld [tilespmem:s21+$0x120];
	[tilespmem:s7+$0x80] =	vst v8  }
0x257: {  	v61 =	vmul.f32 v49, v44;
	v49 =	vld [tilespmem:s21+$0xFFFFFF80];
	[tilespmem:s7+$0xD0] =	vst v7  }
0x258: {  	v55 =	vld [tilespmem:s13+$0xFFFFFFE0];
	[tilespmem:s10+$0x10] =	vst v59;
	v63 =	vmul.f32 v53, v45  }
0x259: {  	v25 =	vperm.xlane v25, v3;
	v62 =	vmul.f32 v52, v47;
	v5 =	vld [tilespmem:s21+$0xFFFFFFD0];
	[tilespmem:s10+$0x60] =	vst v61  }
0x25a: {  	v6 =	vld [tilespmem:s21+$0x20];
	v15 =	vmul.f32 v48, v18;
	[tilespmem:s10+$0xFFFFFED0] =	vst v63  }
0x25b: {  	[tilespmem:s10+$0xB0] =	vst v62;
	v25 =	vmul.f32 v60, v25;
	v47 =	vld [tilespmem:s21+$0xFFFFFEE0]  }
0x25c: {  	v50 =	vld [tilespmem:s21+$0x70];
	v52 =	vmul.f32 v49, v19;
	[tilespmem:s10+$0xFFFFFF30] =	vst v15  }
0x25d: {  	v51 =	vld [tilespmem:s21+$0xC0];
	v11 =	vmul.f32 v55, v11;
	[tilespmem:s10+$0x120] =	vst v25  }
0x25e: {  	v15 =	vld [tilespmem:s21+$0xFFFFFF40];
	v5 =	vmul.f32 v5, v17;
	[tilespmem:s10+$0xFFFFFF80] =	vst v52  }
0x25f: {  	[tilespmem:s20+$0xFFFFFFE0] =	vst v11;
	v6 =	vmul.f32 v6, v21;
	v7 =	vld [tilespmem:s21+$0xFFFFFF90]  }
0x260: {  	v56 =	vld [tilespmem:s13+$0x30];
	[tilespmem:s10+$0xFFFFFFD0] =	vst v5;
	v13 =	vmul.f32 v47, v34  }
0x261: {  	v57 =	vld [tilespmem:s13+$0x80];
	v8 =	vmul.f32 v50, v20;
	v5 =	vperm.xlane v27, v3;
	[tilespmem:s10+$0x20] =	vst v6  }
0x262: {  	v58 =	vld [tilespmem:s13+$0xD0];
	v16 =	vmul.f32 v51, v46;
	v6 =	vperm.xlane v30, v3;
	[tilespmem:s10+$0xFFFFFEE0] =	vst v13  }
0x263: {  	[tilespmem:s10+$0x70] =	vst v8;
	v5 =	vmul.f32 v15, v5;
	v53 =	vld [tilespmem:s21+$0xFFFFFEF0]  }
0x264: {  	[tilespmem:s10+$0xC0] =	vst v16;
	v6 =	vmul.f32 v7, v6;
	v7 =	vld [tilespmem:s21+$0xFFFFFFE0]  }
0x265: {  	v10 =	vmul.f32 v56, v10;
	[tilespmem:s10+$0xFFFFFF40] =	vst v5;
	v5 =	vld [tilespmem:s21+$0x30]  }
0x266: {  	v54 =	vperm.xlane v41, v3;
	v9 =	vmul.f32 v57, v9;
	[tilespmem:s10+$0xFFFFFF90] =	vst v6;
	v6 =	vld [tilespmem:s21+$0x80]  }
0x267: {  	v59 =	vperm.xlane v26, v3;
	[tilespmem:s20+$0x30] =	vst v10;
	v8 =	vmul.f32 v58, v12;
	v60 =	vld [tilespmem:s21+$0xD0]  }
0x268: {  	v61 =	vperm.xlane v31, v3;
	[tilespmem:s20+$0x80] =	vst v9;
	v13 =	vmul.f32 v53, v54  }
0x269: {  	s19 =	sadd.s32 $0x1, s19;
	v62 =	vperm.xlane v33, v3;
	[tilespmem:s20+$0xD0] =	vst v8;
	v7 =	vmul.f32 v7, v59  }
0x26a: {  	p1 =	sne.s32 s19, $0x4F;
	v63 =	vperm.xlane v35, v3;
	v5 =	vmul.f32 v5, v61;
	[tilespmem:s10+$0xFFFFFEF0] =	vst v13  }
.Ltmp3:
0x26b: {  	v6 =	vmul.f32 v6, v62;
	[tilespmem:s10+$0xFFFFFFE0] =	vst v7;
	(pc) =	sbr.rel @p1 .LBB2_4-.Ltmp3, $4  }
0x26c: {  	v7 =	vmul.f32 v60, v63;
	[tilespmem:s10+$0x30] =	vst v5  }
0x26d: {  	[tilespmem:s10+$0x80] =	vst v6  }
0x26e: {  	[tilespmem:s10+$0xD0] =	vst v7  }
0x26f: {  	[spmem:s2] =	stream.indirect.scatter.add.f32 [tilespmem:s18], [sflag:$0x6], $0x50, s17, s28, $0xb8;
	[tilespmem:$0x196F8] =	vst v63  }
0x270: {  	_ =	swait.ge [sflag:s8], $0x800  }
0x271: {  	[sflag:s8] =	ssyncset.done $0x0  }
0x272: {  	[sflag:s8] =	ssyncadd.s32 $0xFFFFF800  }
0x273: {  	_ =	swait.ge [sflag:s8], $0x2800  }
0x274: {  	[sflag:s8] =	ssyncset.done $0x0  }
0x275: {  	[sflag:s8] =	ssyncadd.s32 $0xFFFFD800  }
0x276: {  	_ =	swait.ge [sflag:s9], $0x80  }
0x277: {  	[sflag:s9] =	ssyncset.done $0x0  }
0x278: {  	[sflag:s9] =	ssyncadd.s32 $0xFFFFFF80  }
0x279: {  	_ =	swait.ge [sflag:s9], $0x80  }
0x27a: {  	[sflag:s9] =	ssyncset.done $0x0  }
0x27b: {  	s7 =	simm.s32 $0x3;
	[sflag:s9] =	ssyncadd.s32 $0xFFFFFF80  }
0x27c: {  	_ =	swait.ge [sflag:s7], $0x2800  }
0x27d: {  	[sflag:s7] =	ssyncset.done $0x0  }
0x27e: {  	s20 =	simm.s32 $0x6;
	[sflag:s7] =	ssyncadd.s32 $0xFFFFD800  }
0x27f: {  	_ =	swait.ge [sflag:s20], $0x2800  }
0x280: {  	[sflag:s20] =	ssyncset.done $0x0  }
0x281: {  	[sflag:s20] =	ssyncadd.s32 $0xFFFFD800  }
0x282: {  	s21 =	stileid.u32;
	[bflag:$0x0] =	sbarrier.arrive $0xFFFF  }
0x283: {  	s13 =	simm.s32 $0x7;
	s7 =	sshll.u32 s21, $0x6;
	s20 =	rddreg [dreg:$0x4]  }
0x284: {  	s7 =	sor.u32 $0x1C07, s7;
	s11 =	rddreg [dreg:$0xd];
	s10 =	sshrl.u32 s20, $0x3  }
0x285: {  	[hbm:s11], [sflag:s7] =	dma.local [spmem:s10], $0x1860  }
0x286: {  	_ =	swait.ge [sflag:s13], $0x1860  }
0x287: {  	[sflag:s13] =	ssyncset.done $0x0;
	s21 =	rddreg [dreg:$0xa]  }
0x288: {  	s11 =	rddreg [dreg:$0x10];
	[sflag:s13] =	ssyncadd.s32 $0xFFFFE7A0;
	s10 =	sshrl.u32 @!p0 s21, $0x3  }
0x289: {  	[hbm:s11], [sflag:s7] =	dma.local @!p0 [spmem:s10], $0xA0  }
0x28a: {  	s7 =	simm.s32 @!p0 $0x7  }
0x28b: {  	_ =	swait.ge @!p0 [sflag:s7], $0xA0  }
0x28c: {  	s25 =	rddreg [dreg:$0x12]  }
0x28d: {  	s26 =	rddreg [dreg:$0x11];
	s11 =	sadd.s32 $0x1, s25  }
0x28e: {  	p1 =	sne.s32 s11, s26  }
.Ltmp4:
0x28f: {  	_ = 	snop;
	(pc) =	sbr.rel @p1 .LBB2_1-.Ltmp4, $3  }
0x290: {  	_ =	sdelay $0x1  }
0x291: {  	[sflag:s7] =	ssyncset.done @!p0 $0x0  }
0x292: {  	[sflag:s7] =	ssyncadd.s32 @!p0 $0xFFFFFF60  }
0x293: {  	_ =	sfence.sel $0x180000  }
0x294: {  	[bflag:$0x0] =	sbarrier.arrive $0xFFFF  }
0x295: {  	_ =	strace $0x90000047  }
0x296: {  	s0 =	stileid.u32;
	[bflag:$0x2] =	sbarrier.arrive $0xFFFF  }
0x297: {  	p0 =	sne.s32 s0, $0x0;
	s0 =	rddreg [dreg:$0x3]  }
0x298: {  	s0 =	sadd.s32 @!p0 $0x100000, s0  }
0x299: {  	[sflag:s0] =	ssyncadd.tile.s32 @!p0 $0x1;
	_ =	shalt  }
.Lfunc_end2:
_tile_overlayer_lowered:
.L_overlay_start_2:
0x29a: {  	(tag) =	ssettag $0x2  }
0x29b: {  	s0 =	rddreg [dreg:$0x0];
	s2 =	stileid.u32  }
0x29c: {  	s1 =	rddreg [dreg:$0x1];
	p0 =	sne.s32 s2, $0x0  }
0x29d: {  	s3 =	rddreg [dreg:$0x2];
	[bflag:$0x3] =	sbarrier.arrive $0xFFFF;
	s2 =	simm.s32 @!p0 $0x1C07  }
0x29e: {  	[timem:s3], [sflag:s2] =	dma.local @!p0 [hbm:s0], s1  }
0x29f: {  	s0 =	simm.s32 @!p0 $0x7  }
0x2a0: {  	_ =	swait.ge @!p0 [sflag:s0], s1  }
0x2a1: {  	s1 =	ssub.s32 @!p0 $0x0, s1;
	[sflag:s0] =	ssyncset.done @!p0 $0x0  }
0x2a2: {  	[sflag:s0] =	ssyncadd.s32 @!p0 s1  }
0x2a3: {  	[bflag:$0x3] =	sbarrier.arrive $0xFFFF  }
0x2a4: {  	_ =	shalt  }

</sc_bundles>
